<compile_context>
chip_gen: v7x
topology: tpu7x:2x2x1
jax: 0.10.2.dev20260603
libtpu: 0.0.44.dev20260713+nightly
codegen_flags: <defaults>
</compile_context>

<pallas_src>
import functools

import jax
import jax.numpy as jnp
from jax import lax
from jax.experimental import pallas as pl
from jax.experimental.pallas import tpu as pltpu
from jax.experimental.pallas import tpu_sc as plsc

N, E, D, A, H, NG = 10000, 320000, 128, 64, 256, 64

NC, NS = 2, 16
NW = NC * NS
EPW = E // NW
C = 80
NCHUNK = EPW // C
NXS = 10
NPS = N // NXS
ZB = 40
NZB = NPS // ZB

_sc_mesh = plsc.VectorSubcoreMesh(core_axis_name="c", subcore_axis_name="s")


def _dot_t(x, w):
    return lax.dot_general(x, w, (((1,), (1,)), ((), ())),
                           preferred_element_type=jnp.float32)


def _ln_rows(x, w, b):
    mu = jnp.mean(x, axis=-1, keepdims=True)
    var = jnp.mean((x - mu) ** 2, axis=-1, keepdims=True)
    return (x - mu) * lax.rsqrt(var + 1e-5) * w + b


def _tanh(x):
    t = jnp.exp(x * 2.0)
    return 1.0 - 2.0 / (t + 1.0)


def _allsum16(x):
    dnums = lax.GatherDimensionNumbers(
        offset_dims=(), collapsed_slice_dims=(0,), start_index_map=(0,))
    lanes = lax.broadcasted_iota(jnp.int32, (16,), 0)
    for k in (1, 2, 4, 8):
        perm = (lanes ^ k).reshape(16, 1)
        x = x + lax.gather(x, perm, dnums, slice_sizes=(1,),
                           mode=lax.GatherScatterMode.PROMISE_IN_BOUNDS)
    return x


def _zero_bounce(zb_v):
    def zrow(z, zcarry):
        for j in range(D // 16):
            zb_v[z, pl.ds(j * 16, 16)] = jnp.zeros((16,), jnp.float32)
        return zcarry

    lax.fori_loop(0, ZB, zrow, 0)


def _init_acc(sid, zb_v, acc_sh):
    def zcp(t, zcarry):
        pltpu.sync_copy(zb_v, acc_sh.at[pl.ds(sid * NPS + t * ZB, ZB)])
        return zcarry

    lax.fori_loop(0, NZB, zcp, 0)


def _export_acc(cid, sid, zb_v, acc_sh, out_hbm):
    def ecp(t, ecarry):
        roff = sid * NPS + t * ZB
        pltpu.sync_copy(acc_sh.at[pl.ds(roff, ZB)], zb_v)
        pltpu.sync_copy(zb_v, out_hbm.at[pl.ds(cid * N + roff, ZB)])
        return ecarry

    lax.fori_loop(0, NZB, ecp, 0)


def _stage_a_body(x_ref, bidx_row_ref, bidx_col_ref, gtok_ref, wgin_ref,
                  wginb_ref, n1w_ref, n1b_ref, msgw_ref, msgb_ref,
                  x1_ref, xn1_ref, m_ref):
    X = x_ref[:, :]
    iota_g = lax.broadcasted_iota(jnp.int32, (NG, N), 0)
    onehot = (bidx_row_ref[:, :] == iota_g).astype(jnp.float32)
    iota_n = lax.broadcasted_iota(jnp.int32, (N, NG), 1)
    onehot_t = (bidx_col_ref[:, :] == iota_n).astype(jnp.float32)
    sums = jnp.dot(onehot, X, preferred_element_type=jnp.float32)
    counts = jnp.maximum(jnp.sum(onehot, axis=1, keepdims=True), 1.0)
    g = gtok_ref[:, :] + sums / counts
    xg = _dot_t(g, wgin_ref[:, :]) + wginb_ref[:, :]
    x1 = X + jnp.dot(onehot_t, xg, preferred_element_type=jnp.float32)
    xn1 = _ln_rows(x1, n1w_ref[:, :], n1b_ref[:, :])
    x1_ref[:, :] = x1
    xn1_ref[:, :] = xn1
    m_ref[:, :] = _dot_t(xn1, msgw_ref[:, :]) + msgb_ref[:, :]


def _stage_a(X, batch_idx, g_token, Wg_in_W, Wg_in_b, norm1_w, norm1_b,
             local_msg_W, local_msg_b):
    out_shapes = (
        jax.ShapeDtypeStruct((N, D), jnp.float32),
        jax.ShapeDtypeStruct((N, D), jnp.float32),
        jax.ShapeDtypeStruct((N, D), jnp.float32),
    )
    return pl.pallas_call(_stage_a_body, out_shape=out_shapes)(
        X, batch_idx.reshape(1, N), batch_idx.reshape(N, 1),
        g_token.reshape(1, D), Wg_in_W, Wg_in_b.reshape(1, D),
        norm1_w.reshape(1, D), norm1_b.reshape(1, D),
        local_msg_W, local_msg_b.reshape(1, D))


@functools.partial(
    pl.kernel,
    out_type=jax.ShapeDtypeStruct((NC * N, D), jnp.float32),
    mesh=_sc_mesh,
    scratch_types=[
        pltpu.VMEM((C,), jnp.int32),
        pltpu.VMEM((C,), jnp.int32),
        pltpu.VMEM((C, D), jnp.float32),
        pltpu.VMEM((ZB, D), jnp.float32),
        pltpu.VMEM_SHARED((N, D), jnp.float32),
        pltpu.SemaphoreType.DMA,
    ],
    name="sc_mpnn_agg",
)
def _sc_agg(src_hbm, dst_hbm, m_hbm, out_hbm,
            src_v, dst_v, rows_v, zb_v, acc_sh, sem):
    cid = lax.axis_index("c")
    sid = lax.axis_index("s")
    base = (sid * NC + cid) * EPW
    _zero_bounce(zb_v)

    @pl.when(sid < NXS)
    def _():
        _init_acc(sid, zb_v, acc_sh)

    plsc.subcore_barrier()

    def chunk(i, carry):
        off = base + i * C
        pltpu.sync_copy(src_hbm.at[pl.ds(off, C)], src_v)
        pltpu.sync_copy(dst_hbm.at[pl.ds(off, C)], dst_v)
        pltpu.async_copy(m_hbm.at[dst_v], rows_v, sem).wait()
        pltpu.sync_copy(rows_v, acc_sh.at[src_v], add=True)
        return carry

    lax.fori_loop(0, NCHUNK, chunk, 0)
    plsc.subcore_barrier()

    @pl.when(sid < NXS)
    def _():
        _export_acc(cid, sid, zb_v, acc_sh, out_hbm)


def _stage_b_body(x1_ref, xn1_ref, agg0_ref, agg1_ref, eps_ref, linw_ref,
                  linb_ref, n2w_ref, n2b_ref, wq_ref, wk_ref, wy_ref,
                  wyb_ref, wphi_ref, x2_ref, qk_ref, vy_ref, wext_ref):
    xn1 = xn1_ref[:, :]
    agg = agg0_ref[:, :] + agg1_ref[:, :]
    pre = (1.0 + eps_ref[0, 0]) * xn1 + agg
    y = jnp.maximum(_dot_t(pre, linw_ref[:, :]) + linb_ref[:, :], 0.0)
    x2 = x1_ref[:, :] + y
    xn2 = _ln_rows(x2, n2w_ref[:, :], n2b_ref[:, :])
    qk_ref[:, 0:A] = _dot_t(xn2, wq_ref[:, :])
    qk_ref[:, A:2 * A] = _dot_t(xn2, wk_ref[:, :])
    vy_ref[:, :] = _dot_t(xn2, wy_ref[:, :]) + wyb_ref[:, :]
    x2_ref[:, :] = x2
    wphi = wphi_ref[:, :]
    wext_ref[:, :] = jnp.zeros((1, 80), jnp.float32)
    wext_ref[:, 0:A] = wphi
    wext_ref[:, A:A + 1] = jnp.sum(jnp.abs(wphi), axis=1, keepdims=True)


def _stage_b(X1, Xn1, aggp, local_eps, local_lin_W, local_lin_b,
             norm2_w, norm2_b, Wq, Wk, Wphi, Wy_W, Wy_b):
    out_shapes = (
        jax.ShapeDtypeStruct((N, D), jnp.float32),
        jax.ShapeDtypeStruct((N, 2 * A), jnp.float32),
        jax.ShapeDtypeStruct((N, D), jnp.float32),
        jax.ShapeDtypeStruct((1, 80), jnp.float32),
    )
    return pl.pallas_call(_stage_b_body, out_shape=out_shapes)(
        X1, Xn1, aggp[:N], aggp[N:], local_eps.reshape(1, 1),
        local_lin_W, local_lin_b.reshape(1, D), norm2_w.reshape(1, D),
        norm2_b.reshape(1, D), Wq, Wk, Wy_W, Wy_b.reshape(1, D), Wphi)


@functools.partial(
    pl.kernel,
    out_type=(
        jax.ShapeDtypeStruct((NC * N, D), jnp.float32),
        jax.ShapeDtypeStruct((E, A + 16), jnp.float32),
    ),
    mesh=_sc_mesh,
    scratch_types=[
        pltpu.VMEM((C,), jnp.int32),
        pltpu.VMEM((C,), jnp.int32),
        pltpu.VMEM((C, 2 * A), jnp.float32),
        pltpu.VMEM((C, 2 * A), jnp.float32),
        pltpu.VMEM((C, D), jnp.float32),
        pltpu.VMEM((C, A + 16), jnp.float32),
        pltpu.VMEM((ZB, D), jnp.float32),
        pltpu.VMEM((80,), jnp.float32),
        pltpu.VMEM((8, D), jnp.float32),
        pltpu.VMEM_SHARED((N, D), jnp.float32),
        pltpu.SemaphoreType.DMA,
    ],
    name="sc_attn_u",
)
def _sc_attu(src_hbm, dst_hbm, qk_hbm, vy_hbm, wext_hbm, dep_hbm,
             out_hbm, e_out_hbm,
             src_v, dst_v, qs_v, kd_v, vy_v, e_v, zb_v, w_v, dep_v,
             acc_sh, sem):
    cid = lax.axis_index("c")
    sid = lax.axis_index("s")
    base = (sid * NC + cid) * EPW
    pltpu.sync_copy(wext_hbm, w_v)
    pltpu.sync_copy(dep_hbm.at[pl.ds(0, 8)], dep_v)
    _zero_bounce(zb_v)

    @pl.when(sid < NXS)
    def _():
        _init_acc(sid, zb_v, acc_sh)

    plsc.subcore_barrier()
    wphi = [w_v[pl.ds(j * 16, 16)] for j in range(A // 16)]
    shift = w_v[pl.ds(A, 16)][0]

    def chunk(i, carry):
        off = base + i * C
        pltpu.sync_copy(src_hbm.at[pl.ds(off, C)], src_v)
        pltpu.sync_copy(dst_hbm.at[pl.ds(off, C)], dst_v)
        cp_q = pltpu.async_copy(qk_hbm.at[src_v], qs_v, sem)
        cp_k = pltpu.async_copy(qk_hbm.at[dst_v], kd_v, sem)
        cp_v = pltpu.async_copy(vy_hbm.at[dst_v], vy_v, sem)
        cp_q.wait()
        cp_k.wait()
        cp_v.wait()

        def edge(c2, ecarry):
            for dc in range(2):
                c = c2 * 2 + dc
                acc = jnp.zeros((16,), jnp.float32)
                for j in range(A // 16):
                    e = _tanh(qs_v[c, pl.ds(j * 16, 16)]
                              + kd_v[c, pl.ds(A + j * 16, 16)])
                    e_v[c, pl.ds(j * 16, 16)] = e
                    acc = acc + e * wphi[j]
                esv = jnp.exp(_allsum16(acc) - shift)
                e_v[c, pl.ds(A, 16)] = esv
                for j in range(D // 16):
                    sl = pl.ds(j * 16, 16)
                    vy_v[c, sl] = esv * vy_v[c, sl]
            return ecarry

        lax.fori_loop(0, C // 2, edge, 0)
        pltpu.sync_copy(vy_v, acc_sh.at[src_v], add=True)
        pltpu.sync_copy(e_v, e_out_hbm.at[pl.ds(off, C)])
        return carry

    lax.fori_loop(0, NCHUNK, chunk, 0)
    plsc.subcore_barrier()

    @pl.when(sid < NXS)
    def _():
        _export_acc(cid, sid, zb_v, acc_sh, out_hbm)


@functools.partial(
    pl.kernel,
    out_type=jax.ShapeDtypeStruct((NC * N, D), jnp.float32),
    mesh=_sc_mesh,
    scratch_types=[
        pltpu.VMEM((C,), jnp.int32),
        pltpu.VMEM((C, A + 16), jnp.float32),
        pltpu.VMEM((C, D), jnp.float32),
        pltpu.VMEM((ZB, D), jnp.float32),
        pltpu.VMEM_SHARED((N, D), jnp.float32),
        pltpu.SemaphoreType.DMA,
    ],
    name="sc_attn_pe",
)
def _sc_attpe(src_hbm, e_hbm, out_hbm,
              src_v, e_v, pe_v, zb_v, acc_sh, sem):
    cid = lax.axis_index("c")
    sid = lax.axis_index("s")
    base = (sid * NC + cid) * EPW
    _zero_bounce(zb_v)

    @pl.when(sid < NXS)
    def _():
        _init_acc(sid, zb_v, acc_sh)

    plsc.subcore_barrier()
    lane0 = lax.broadcasted_iota(jnp.int32, (16,), 0) == 0
    zeros16 = jnp.zeros((16,), jnp.float32)

    def chunk(i, carry):
        off = base + i * C
        pltpu.sync_copy(src_hbm.at[pl.ds(off, C)], src_v)
        pltpu.sync_copy(e_hbm.at[pl.ds(off, C)], e_v)

        def edge(c2, ecarry):
            for dc in range(2):
                c = c2 * 2 + dc
                esv = e_v[c, pl.ds(A, 16)]
                for j in range(A // 16):
                    sl = pl.ds(j * 16, 16)
                    pe_v[c, sl] = esv * e_v[c, sl]
                pe_v[c, pl.ds(A, 16)] = jnp.where(lane0, esv, 0.0)
                pe_v[c, pl.ds(A + 16, 16)] = zeros16
                pe_v[c, pl.ds(A + 32, 16)] = zeros16
                pe_v[c, pl.ds(A + 48, 16)] = zeros16
            return ecarry

        lax.fori_loop(0, C // 2, edge, 0)
        pltpu.sync_copy(pe_v, acc_sh.at[src_v], add=True)
        return carry

    lax.fori_loop(0, NCHUNK, chunk, 0)
    plsc.subcore_barrier()

    @pl.when(sid < NXS)
    def _():
        _export_acc(cid, sid, zb_v, acc_sh, out_hbm)


def _stage_c_body(x2_ref, u0_ref, u1_ref, pe0_ref, pe1_ref,
                  wew_ref, web_ref, n3w_ref, n3b_ref, w1_ref, b1_ref,
                  w2_ref, b2_ref, out_ref):
    pe = pe0_ref[:, :] + pe1_ref[:, :]
    denom = pe[:, A:A + 1]
    r = 1.0 / (denom + 1e-9)
    p = pe[:, 0:A] * r
    u = (u0_ref[:, :] + u1_ref[:, :]) * r
    s = denom * r
    y2 = u + _dot_t(p, wew_ref[:, :]) + s * web_ref[:, :]
    x3 = x2_ref[:, :] + y2
    xn3 = _ln_rows(x3, n3w_ref[:, :], n3b_ref[:, :])
    h = jnp.maximum(_dot_t(xn3, w1_ref[:, :]) + b1_ref[:, :], 0.0)
    out_ref[:, :] = x3 + _dot_t(h, w2_ref[:, :]) + b2_ref[:, :]


def _stage_c(X2, Up, PEp, We_W, We_b, norm3_w, norm3_b,
             ffn1_W, ffn1_b, ffn2_W, ffn2_b):
    return pl.pallas_call(
        _stage_c_body,
        out_shape=jax.ShapeDtypeStruct((N, D), jnp.float32),
    )(X2, Up[:N], Up[N:], PEp[:N], PEp[N:], We_W, We_b.reshape(1, D),
      norm3_w.reshape(1, D), norm3_b.reshape(1, D),
      ffn1_W, ffn1_b.reshape(1, H), ffn2_W, ffn2_b.reshape(1, D))


def kernel(X, edge_index, batch_idx, g_token, Wg_in_W, Wg_in_b, norm1_w,
           norm1_b, local_eps, local_msg_W, local_msg_b, local_lin_W,
           local_lin_b, norm2_w, norm2_b, Wq, Wk, Wphi, Wy_W, Wy_b, We_W,
           We_b, norm3_w, norm3_b, ffn1_W, ffn1_b, ffn2_W, ffn2_b,
           Wg_out_W, Wg_out_b):
    src, dst = edge_index[0], edge_index[1]

    X1, Xn1, M = _stage_a(X, batch_idx, g_token, Wg_in_W, Wg_in_b,
                          norm1_w, norm1_b, local_msg_W, local_msg_b)
    aggp = _sc_agg(src, dst, M)
    X2, QK, VY, wext = _stage_b(X1, Xn1, aggp, local_eps, local_lin_W,
                                local_lin_b, norm2_w, norm2_b, Wq, Wk,
                                Wphi, Wy_W, Wy_b)
    wext = wext.reshape(80)
    Up, e_seq = _sc_attu(src, dst, QK, VY, wext, aggp)
    PEp = _sc_attpe(src, e_seq)
    return _stage_c(X2, Up, PEp, We_W, We_b, norm3_w, norm3_b,
                    ffn1_W, ffn1_b, ffn2_W, ffn2_b)

# --- scband reference (transcript-rebuilt; emitter-appended) ---
"""Pipeline reference for scband-gpsflex-block-88493506166792 (READ-ONLY COPY).

The authoritative reference and input builder live on the scoring server;
editing this copy changes nothing except your own understanding.
"""

import jax, jax.numpy as jnp
import numpy as np

N, E, D, A, H, NG = 10000, 320000, 128, 64, 256, 64

def _ln(x, w, b):
    mu = jnp.mean(x, axis=-1, keepdims=True)
    var = jnp.mean((x - mu) ** 2, axis=-1, keepdims=True)
    return (x - mu) / jnp.sqrt(var + 1e-5) * w + b

def _lin(x, W, b):
    return x @ W.T + b

def _segment_mean(X, batch_idx, B):
    sums = jnp.zeros((B, X.shape[1]), X.dtype).at[batch_idx].add(X)
    counts = jnp.maximum(jnp.bincount(batch_idx, length=B), 1).astype(X.dtype)[:, None]
    return sums / counts

def setup_inputs(seed: int = 0):
    key = jax.random.key(seed)
    ks = jax.random.split(key, 40)
    def W(i, *shape):
        return jax.random.normal(ks[i], shape, jnp.float32) * 0.02
    inp = {}
    inp["X"] = jax.random.normal(ks[0], (N, D), jnp.float32)
    inp["edge_index"] = jax.random.randint(ks[1], (2, E), 0, N, dtype=jnp.int32)
    inp["batch_idx"] = jnp.sort(jax.random.randint(ks[2], (N,), 0, NG, dtype=jnp.int32))
    inp["g_token"] = W(3, 1, D)
    inp["Wg_in_W"] = W(4, D, D); inp["Wg_in_b"] = jnp.zeros((D,), jnp.float32)
    inp["norm1_w"] = jnp.ones((D,), jnp.float32); inp["norm1_b"] = jnp.zeros((D,), jnp.float32)
    inp["local_eps"] = jnp.zeros((), jnp.float32)
    inp["local_msg_W"] = W(5, D, D); inp["local_msg_b"] = jnp.zeros((D,), jnp.float32)
    inp["local_lin_W"] = W(6, D, D); inp["local_lin_b"] = jnp.zeros((D,), jnp.float32)
    inp["norm2_w"] = jnp.ones((D,), jnp.float32); inp["norm2_b"] = jnp.zeros((D,), jnp.float32)
    inp["Wq"] = W(7, A, D); inp["Wk"] = W(8, A, D); inp["Wphi"] = W(9, 1, A)
    inp["Wy_W"] = W(10, D, D); inp["Wy_b"] = jnp.zeros((D,), jnp.float32)
    inp["We_W"] = W(11, D, A); inp["We_b"] = jnp.zeros((D,), jnp.float32)
    inp["norm3_w"] = jnp.ones((D,), jnp.float32); inp["norm3_b"] = jnp.zeros((D,), jnp.float32)
    inp["ffn1_W"] = W(12, H, D); inp["ffn1_b"] = jnp.zeros((H,), jnp.float32)
    inp["ffn2_W"] = W(13, D, H); inp["ffn2_b"] = jnp.zeros((D,), jnp.float32)
    inp["Wg_out_W"] = W(14, D, D); inp["Wg_out_b"] = jnp.zeros((D,), jnp.float32)
    return inp

def reference(X, edge_index, batch_idx, g_token, Wg_in_W, Wg_in_b, norm1_w, norm1_b, local_eps, local_msg_W, local_msg_b, local_lin_W, local_lin_b, norm2_w, norm2_b, Wq, Wk, Wphi, Wy_W, Wy_b, We_W, We_b, norm3_w, norm3_b, ffn1_W, ffn1_b, ffn2_W, ffn2_b, Wg_out_W, Wg_out_b):
    B = NG
    src, dst = edge_index[0], edge_index[1]
    n = X.shape[0]
    g = g_token + _segment_mean(X, batch_idx, B)
    X = X + _lin(g, Wg_in_W, Wg_in_b)[batch_idx]
    # local MPNN (pre-norm)
    Xn = _ln(X, norm1_w, norm1_b)
    msg = _lin(Xn, local_msg_W, local_msg_b)[dst]
    agg = jnp.zeros_like(Xn).at[src].add(msg)
    Y = jax.nn.relu(_lin((1.0 + local_eps) * Xn + agg, local_lin_W, local_lin_b))
    X = X + Y
    # edge flexible attention (pre-norm)
    Xn = _ln(X, norm2_w, norm2_b)
    q = (Xn @ Wq.T)[src]
    k = (Xn @ Wk.T)[dst]
    e = jnp.tanh(q + k)
    scores = (e @ Wphi.T)[:, 0]
    scores = scores - jnp.max(scores)
    exp_scores = jnp.exp(scores)
    denom = jnp.zeros((n,), X.dtype).at[src].add(exp_scores)
    alpha = exp_scores / (denom[src] + 1e-9)
    vy = _lin(Xn, Wy_W, Wy_b)[dst]
    ve = _lin(e, We_W, We_b)
    msg = alpha[:, None] * (vy + ve)
    Y = jnp.zeros_like(Xn).at[src].add(msg)
    X = X + Y
    # FFN (pre-norm)
    Xn = _ln(X, norm3_w, norm3_b)
    Y = _lin(jax.nn.relu(_lin(Xn, ffn1_W, ffn1_b)), ffn2_W, ffn2_b)
    X = X + Y
    _ = _lin(g + _segment_mean(X, batch_idx, B), Wg_out_W, Wg_out_b)
    return X

if __name__ == "__main__":
    import jax
    _d = setup_inputs()
    print(jax.jit(kernel)(*tuple(_d.values())))

</pallas_src>

<mosaic_0001>
#map = affine_map<(d0, d1) -> (0)>
#map1 = affine_map<(d0, d1) -> (0, 0)>
module attributes {stable_mosaic.version = 14 : i64} {
  func.func @sc_mpnn_agg(%arg0: i32, %arg1: i32, %arg2: memref<320000xi32, #tpu.memory_space<hbm>>, %arg3: memref<320000xi32, #tpu.memory_space<hbm>>, %arg4: memref<10000x128xf32, #tpu.memory_space<hbm>>, %arg5: memref<20000x128xf32, #tpu.memory_space<hbm>>, %arg6: memref<80xi32, #tpu.memory_space<vmem>>, %arg7: memref<80xi32, #tpu.memory_space<vmem>>, %arg8: memref<80x128xf32, #tpu.memory_space<vmem>>, %arg9: memref<40x128xf32, #tpu.memory_space<vmem>>, %arg10: memref<10000x128xf32, #tpu.memory_space<vmem_shared>>, %arg11: memref<!tpu.dma_semaphore, #tpu.memory_space<semaphore_mem>>) attributes {dimension_semantics = [#tpu.dimension_semantics<core_parallel>, #tpu.dimension_semantics<subcore_parallel>], iteration_bounds = array<i64: 2, 16>, scalar_prefetch = 0 : i64, scratch_operands = 6 : i64, tpu.core_type = #tpu.core_type<sc_vector_subcore>, window_params = [{transform_indices = #map}, {transform_indices = #map}, {transform_indices = #map1}, {transform_indices = #map1}]} {
    %mul3A = arith.constant 2 : i32
    %mul3A_0 = arith.muli %arg1, %mul3A : i32
    %add3A = arith.addi %mul3A_0, %arg0 : i32
    %mul3A_1 = arith.constant 10000 : i32
    %mul3A_2 = arith.muli %add3A, %mul3A_1 : i32
    %scan3A = arith.constant 0 : i32
    %scan3A_3 = arith.constant 0 : i32
    %scan3A_4 = arith.constant 40 : i32
    %scan3A_5 = arith.addi %scan3A_3, %scan3A_4 : i32
    %scan3A_6 = arith.constant 1 : i32
    scf.for %scan3A_22 = %scan3A_3 to %scan3A_5 step %scan3A_6  : i32 {
      %broadcast_in_dim3A = arith.constant 0.000000e+00 : f32
      %broadcast_in_dim3A_23 = vector.broadcast %broadcast_in_dim3A : f32 to vector<16xf32>
      %swap3A = arith.index_cast %scan3A_22 : i32 to index
      %swap3A_24 = arith.constant 0 : index
      %swap3A_25 = tpu.vector_load %arg9[%swap3A, %swap3A_24] {strides = array<i32>} : memref<40x128xf32, #tpu.memory_space<vmem>>, vector<1x16xf32>,
      %swap3A_26 = vector.shape_cast %swap3A_25 : vector<1x16xf32> to vector<16xf32>
      %swap3A_27 = vector.shape_cast %broadcast_in_dim3A_23 : vector<16xf32> to vector<1x16xf32>
      tpu.vector_store %arg9[%swap3A, %swap3A_24], %swap3A_27 {strides = array<i32>} : memref<40x128xf32, #tpu.memory_space<vmem>>, vector<1x16xf32>,
      %broadcast_in_dim3A_28 = arith.constant 0.000000e+00 : f32
      %broadcast_in_dim3A_29 = vector.broadcast %broadcast_in_dim3A_28 : f32 to vector<16xf32>
      %swap3A_30 = arith.index_cast %scan3A_22 : i32 to index
      %swap3A_31 = arith.constant 16 : index
      %swap3A_32 = tpu.vector_load %arg9[%swap3A_30, %swap3A_31] {strides = array<i32>} : memref<40x128xf32, #tpu.memory_space<vmem>>, vector<1x16xf32>,
      %swap3A_33 = vector.shape_cast %swap3A_32 : vector<1x16xf32> to vector<16xf32>
      %swap3A_34 = vector.shape_cast %broadcast_in_dim3A_29 : vector<16xf32> to vector<1x16xf32>
      tpu.vector_store %arg9[%swap3A_30, %swap3A_31], %swap3A_34 {strides = array<i32>} : memref<40x128xf32, #tpu.memory_space<vmem>>, vector<1x16xf32>,
      %broadcast_in_dim3A_35 = arith.constant 0.000000e+00 : f32
      %broadcast_in_dim3A_36 = vector.broadcast %broadcast_in_dim3A_35 : f32 to vector<16xf32>
      %swap3A_37 = arith.index_cast %scan3A_22 : i32 to index
      %swap3A_38 = arith.constant 32 : index
      %swap3A_39 = tpu.vector_load %arg9[%swap3A_37, %swap3A_38] {strides = array<i32>} : memref<40x128xf32, #tpu.memory_space<vmem>>, vector<1x16xf32>,
      %swap3A_40 = vector.shape_cast %swap3A_39 : vector<1x16xf32> to vector<16xf32>
      %swap3A_41 = vector.shape_cast %broadcast_in_dim3A_36 : vector<16xf32> to vector<1x16xf32>
      tpu.vector_store %arg9[%swap3A_37, %swap3A_38], %swap3A_41 {strides = array<i32>} : memref<40x128xf32, #tpu.memory_space<vmem>>, vector<1x16xf32>,
      %broadcast_in_dim3A_42 = arith.constant 0.000000e+00 : f32
      %broadcast_in_dim3A_43 = vector.broadcast %broadcast_in_dim3A_42 : f32 to vector<16xf32>
      %swap3A_44 = arith.index_cast %scan3A_22 : i32 to index
      %swap3A_45 = arith.constant 48 : index
      %swap3A_46 = tpu.vector_load %arg9[%swap3A_44, %swap3A_45] {strides = array<i32>} : memref<40x128xf32, #tpu.memory_space<vmem>>, vector<1x16xf32>,
      %swap3A_47 = vector.shape_cast %swap3A_46 : vector<1x16xf32> to vector<16xf32>
      %swap3A_48 = vector.shape_cast %broadcast_in_dim3A_43 : vector<16xf32> to vector<1x16xf32>
      tpu.vector_store %arg9[%swap3A_44, %swap3A_45], %swap3A_48 {strides = array<i32>} : memref<40x128xf32, #tpu.memory_space<vmem>>, vector<1x16xf32>,
      %broadcast_in_dim3A_49 = arith.constant 0.000000e+00 : f32
      %broadcast_in_dim3A_50 = vector.broadcast %broadcast_in_dim3A_49 : f32 to vector<16xf32>
      %swap3A_51 = arith.index_cast %scan3A_22 : i32 to index
      %swap3A_52 = arith.constant 64 : index
      %swap3A_53 = tpu.vector_load %arg9[%swap3A_51, %swap3A_52] {strides = array<i32>} : memref<40x128xf32, #tpu.memory_space<vmem>>, vector<1x16xf32>,
      %swap3A_54 = vector.shape_cast %swap3A_53 : vector<1x16xf32> to vector<16xf32>
      %swap3A_55 = vector.shape_cast %broadcast_in_dim3A_50 : vector<16xf32> to vector<1x16xf32>
      tpu.vector_store %arg9[%swap3A_51, %swap3A_52], %swap3A_55 {strides = array<i32>} : memref<40x128xf32, #tpu.memory_space<vmem>>, vector<1x16xf32>,
      %broadcast_in_dim3A_56 = arith.constant 0.000000e+00 : f32
      %broadcast_in_dim3A_57 = vector.broadcast %broadcast_in_dim3A_56 : f32 to vector<16xf32>
      %swap3A_58 = arith.index_cast %scan3A_22 : i32 to index
      %swap3A_59 = arith.constant 80 : index
      %swap3A_60 = tpu.vector_load %arg9[%swap3A_58, %swap3A_59] {strides = array<i32>} : memref<40x128xf32, #tpu.memory_space<vmem>>, vector<1x16xf32>,
      %swap3A_61 = vector.shape_cast %swap3A_60 : vector<1x16xf32> to vector<16xf32>
      %swap3A_62 = vector.shape_cast %broadcast_in_dim3A_57 : vector<16xf32> to vector<1x16xf32>
      tpu.vector_store %arg9[%swap3A_58, %swap3A_59], %swap3A_62 {strides = array<i32>} : memref<40x128xf32, #tpu.memory_space<vmem>>, vector<1x16xf32>,
      %broadcast_in_dim3A_63 = arith.constant 0.000000e+00 : f32
      %broadcast_in_dim3A_64 = vector.broadcast %broadcast_in_dim3A_63 : f32 to vector<16xf32>
      %swap3A_65 = arith.index_cast %scan3A_22 : i32 to index
      %swap3A_66 = arith.constant 96 : index
      %swap3A_67 = tpu.vector_load %arg9[%swap3A_65, %swap3A_66] {strides = array<i32>} : memref<40x128xf32, #tpu.memory_space<vmem>>, vector<1x16xf32>,
      %swap3A_68 = vector.shape_cast %swap3A_67 : vector<1x16xf32> to vector<16xf32>
      %swap3A_69 = vector.shape_cast %broadcast_in_dim3A_64 : vector<16xf32> to vector<1x16xf32>
      tpu.vector_store %arg9[%swap3A_65, %swap3A_66], %swap3A_69 {strides = array<i32>} : memref<40x128xf32, #tpu.memory_space<vmem>>, vector<1x16xf32>,
      %broadcast_in_dim3A_70 = arith.constant 0.000000e+00 : f32
      %broadcast_in_dim3A_71 = vector.broadcast %broadcast_in_dim3A_70 : f32 to vector<16xf32>
      %swap3A_72 = arith.index_cast %scan3A_22 : i32 to index
      %swap3A_73 = arith.constant 112 : index
      %swap3A_74 = tpu.vector_load %arg9[%swap3A_72, %swap3A_73] {strides = array<i32>} : memref<40x128xf32, #tpu.memory_space<vmem>>, vector<1x16xf32>,
      %swap3A_75 = vector.shape_cast %swap3A_74 : vector<1x16xf32> to vector<16xf32>
      %swap3A_76 = vector.shape_cast %broadcast_in_dim3A_71 : vector<16xf32> to vector<1x16xf32>
      tpu.vector_store %arg9[%swap3A_72, %swap3A_73], %swap3A_76 {strides = array<i32>} : memref<40x128xf32, #tpu.memory_space<vmem>>, vector<1x16xf32>,
    }
    %scan3A_7 = arith.constant 40 : i32
    %lt3A = arith.constant 10 : i32
    %lt3A_8 = arith.cmpi slt, %arg1, %lt3A : i32
    %convert_element_type3A = arith.extui %lt3A_8 : i1 to i32
    %cond3A = arith.constant 0 : i32
    %cond3A_9 = arith.cmpi ne, %convert_element_type3A, %cond3A : i32
    scf.if %cond3A_9 {
      %scan3A_22 = arith.constant 0 : i32
      %scan3A_23 = arith.constant 0 : i32
      %scan3A_24 = arith.constant 25 : i32
      %scan3A_25 = arith.addi %scan3A_23, %scan3A_24 : i32
      %scan3A_26 = arith.constant 1 : i32
      scf.for %scan3A_28 = %scan3A_23 to %scan3A_25 step %scan3A_26  : i32 {
        %mul3A_29 = arith.constant 1000 : i32
        %mul3A_30 = arith.muli %arg1, %mul3A_29 : i32
        %mul3A_31 = arith.constant 40 : i32
        %mul3A_32 = arith.muli %scan3A_28, %mul3A_31 : i32
        %add3A_33 = arith.addi %mul3A_30, %mul3A_32 : i32
        "tpu.region"() ({
          %run_scoped3A = tpu.sem_alloc : memref<!tpu.dma_semaphore, #tpu.memory_space<semaphore_mem>>
          %dma_start3A = arith.constant 0 : i32
          %dma_start3A_34 = tpu.memref_slice %arg10[%add3A_33, %dma_start3A] : memref<10000x128xf32, #tpu.memory_space<vmem_shared>> -> memref<40x128xf32, #tpu.memory_space<vmem_shared>>
          %dma_start3A_35 = arith.constant 0 : i32
          %dma_start3A_36 = tpu.memref_slice %arg10[%add3A_33, %dma_start3A_35] : memref<10000x128xf32, #tpu.memory_space<vmem_shared>> -> memref<40x128xf32, #tpu.memory_space<vmem_shared>>
          tpu.enqueue_dma source(%arg9 : memref<40x128xf32, #tpu.memory_space<vmem>>) target(%dma_start3A_36 : memref<40x128xf32, #tpu.memory_space<vmem_shared>>) target_semaphore(%run_scoped3A : memref<!tpu.dma_semaphore, #tpu.memory_space<semaphore_mem>>)
          %dma_wait3A = arith.constant 0 : i32
          %dma_wait3A_37 = tpu.memref_slice %arg10[%add3A_33, %dma_wait3A] : memref<10000x128xf32, #tpu.memory_space<vmem_shared>> -> memref<40x128xf32, #tpu.memory_space<vmem_shared>>
          %dma_wait3A_38 = arith.constant 0 : i32
          %dma_wait3A_39 = tpu.memref_slice %arg10[%add3A_33, %dma_wait3A_38] : memref<10000x128xf32, #tpu.memory_space<vmem_shared>> -> memref<40x128xf32, #tpu.memory_space<vmem_shared>>
          tpu.wait_dma2 semaphore(%run_scoped3A : memref<!tpu.dma_semaphore, #tpu.memory_space<semaphore_mem>>) src(%arg9 : memref<40x128xf32, #tpu.memory_space<vmem>>) dst(%dma_wait3A_39 : memref<40x128xf32, #tpu.memory_space<vmem_shared>>)
          tpu.yield
        }) : () -> ()
      }
      %scan3A_27 = arith.constant 25 : i32
    } else {
    }
    %barrier3A = arith.constant 0 : index
    tpu.barrier barrier_id(%barrier3A)
    %scan3A_10 = arith.constant 0 : i32
    %scan3A_11 = arith.constant 0 : i32
    %scan3A_12 = arith.constant 125 : i32
    %scan3A_13 = arith.addi %scan3A_11, %scan3A_12 : i32
    %scan3A_14 = arith.constant 1 : i32
    scf.for %scan3A_22 = %scan3A_11 to %scan3A_13 step %scan3A_14  : i32 {
      %mul3A_23 = arith.constant 80 : i32
      %mul3A_24 = arith.muli %scan3A_22, %mul3A_23 : i32
      %add3A_25 = arith.addi %mul3A_2, %mul3A_24 : i32
      "tpu.region"() ({
        %run_scoped3A = tpu.sem_alloc : memref<!tpu.dma_semaphore, #tpu.memory_space<semaphore_mem>>
        %dma_start3A_30 = tpu.memref_slice %arg2[%add3A_25] : memref<320000xi32, #tpu.memory_space<hbm>> -> memref<80xi32, #tpu.memory_space<hbm>>
        %dma_start3A_31 = tpu.memref_slice %arg2[%add3A_25] : memref<320000xi32, #tpu.memory_space<hbm>> -> memref<80xi32, #tpu.memory_space<hbm>>
        tpu.enqueue_dma source(%dma_start3A_31 : memref<80xi32, #tpu.memory_space<hbm>>) target(%arg6 : memref<80xi32, #tpu.memory_space<vmem>>) target_semaphore(%run_scoped3A : memref<!tpu.dma_semaphore, #tpu.memory_space<semaphore_mem>>)
        %dma_wait3A_32 = tpu.memref_slice %arg2[%add3A_25] : memref<320000xi32, #tpu.memory_space<hbm>> -> memref<80xi32, #tpu.memory_space<hbm>>
        %dma_wait3A_33 = tpu.memref_slice %arg2[%add3A_25] : memref<320000xi32, #tpu.memory_space<hbm>> -> memref<80xi32, #tpu.memory_space<hbm>>
        tpu.wait_dma2 semaphore(%run_scoped3A : memref<!tpu.dma_semaphore, #tpu.memory_space<semaphore_mem>>) src(%dma_wait3A_33 : memref<80xi32, #tpu.memory_space<hbm>>) dst(%arg6 : memref<80xi32, #tpu.memory_space<vmem>>)
        tpu.yield
      }) : () -> ()
      "tpu.region"() ({
        %run_scoped3A = tpu.sem_alloc : memref<!tpu.dma_semaphore, #tpu.memory_space<semaphore_mem>>
        %dma_start3A_30 = tpu.memref_slice %arg3[%add3A_25] : memref<320000xi32, #tpu.memory_space<hbm>> -> memref<80xi32, #tpu.memory_space<hbm>>
        %dma_start3A_31 = tpu.memref_slice %arg3[%add3A_25] : memref<320000xi32, #tpu.memory_space<hbm>> -> memref<80xi32, #tpu.memory_space<hbm>>
        tpu.enqueue_dma source(%dma_start3A_31 : memref<80xi32, #tpu.memory_space<hbm>>) target(%arg7 : memref<80xi32, #tpu.memory_space<vmem>>) target_semaphore(%run_scoped3A : memref<!tpu.dma_semaphore, #tpu.memory_space<semaphore_mem>>)
        %dma_wait3A_32 = tpu.memref_slice %arg3[%add3A_25] : memref<320000xi32, #tpu.memory_space<hbm>> -> memref<80xi32, #tpu.memory_space<hbm>>
        %dma_wait3A_33 = tpu.memref_slice %arg3[%add3A_25] : memref<320000xi32, #tpu.memory_space<hbm>> -> memref<80xi32, #tpu.memory_space<hbm>>
        tpu.wait_dma2 semaphore(%run_scoped3A : memref<!tpu.dma_semaphore, #tpu.memory_space<semaphore_mem>>) src(%dma_wait3A_33 : memref<80xi32, #tpu.memory_space<hbm>>) dst(%arg7 : memref<80xi32, #tpu.memory_space<vmem>>)
        tpu.yield
      }) : () -> ()
      %dma_start3A = arith.constant 0 : i32
      %dma_start3A_26 = arith.constant 0 : i32
      %dma_start3A_27 = tpu.memref_slice %arg4[%dma_start3A, %dma_start3A_26] : memref<10000x128xf32, #tpu.memory_space<hbm>> -> memref<10000x128xf32, #tpu.memory_space<hbm>>
      tpu.enqueue_indirect_dma source(%dma_start3A_27 : memref<10000x128xf32, #tpu.memory_space<hbm>>) target(%arg8 : memref<80x128xf32, #tpu.memory_space<vmem>>) offsets(%arg7 : memref<80xi32, #tpu.memory_space<vmem>>) semaphore(%arg11 : memref<!tpu.dma_semaphore, #tpu.memory_space<semaphore_mem>>)
      %dma_wait3A = arith.constant 0 : i32
      %dma_wait3A_28 = arith.constant 0 : i32
      %dma_wait3A_29 = tpu.memref_slice %arg4[%dma_wait3A, %dma_wait3A_28] : memref<10000x128xf32, #tpu.memory_space<hbm>> -> memref<10000x128xf32, #tpu.memory_space<hbm>>
      tpu.wait_indirect_dma semaphore(%arg11 : memref<!tpu.dma_semaphore, #tpu.memory_space<semaphore_mem>>) src(%dma_wait3A_29 : memref<10000x128xf32, #tpu.memory_space<hbm>>) dst(%arg8 : memref<80x128xf32, #tpu.memory_space<vmem>>)
      "tpu.region"() ({
        %run_scoped3A = tpu.sem_alloc : memref<!tpu.dma_semaphore, #tpu.memory_space<semaphore_mem>>
        %dma_start3A_30 = arith.constant 0 : i32
        %dma_start3A_31 = arith.constant 0 : i32
        %dma_start3A_32 = tpu.memref_slice %arg10[%dma_start3A_30, %dma_start3A_31] : memref<10000x128xf32, #tpu.memory_space<vmem_shared>> -> memref<10000x128xf32, #tpu.memory_space<vmem_shared>>
        tpu.enqueue_indirect_dma source(%arg8 : memref<80x128xf32, #tpu.memory_space<vmem>>) target(%dma_start3A_32 : memref<10000x128xf32, #tpu.memory_space<vmem_shared>>) offsets(%arg6 : memref<80xi32, #tpu.memory_space<vmem>>) semaphore(%run_scoped3A : memref<!tpu.dma_semaphore, #tpu.memory_space<semaphore_mem>>) {add = true}
        %dma_wait3A_33 = arith.constant 0 : i32
        %dma_wait3A_34 = arith.constant 0 : i32
        %dma_wait3A_35 = tpu.memref_slice %arg10[%dma_wait3A_33, %dma_wait3A_34] : memref<10000x128xf32, #tpu.memory_space<vmem_shared>> -> memref<10000x128xf32, #tpu.memory_space<vmem_shared>>
        tpu.wait_indirect_dma semaphore(%run_scoped3A : memref<!tpu.dma_semaphore, #tpu.memory_space<semaphore_mem>>) src(%arg8 : memref<80x128xf32, #tpu.memory_space<vmem>>) dst(%dma_wait3A_35 : memref<10000x128xf32, #tpu.memory_space<vmem_shared>>)
        tpu.yield
      }) : () -> ()
    }
    %scan3A_15 = arith.constant 125 : i32
    %barrier3A_16 = arith.constant 0 : index
    tpu.barrier barrier_id(%barrier3A_16)
    %lt3A_17 = arith.constant 10 : i32
    %lt3A_18 = arith.cmpi slt, %arg1, %lt3A_17 : i32
    %convert_element_type3A_19 = arith.extui %lt3A_18 : i1 to i32
    %cond3A_20 = arith.constant 0 : i32
    %cond3A_21 = arith.cmpi ne, %convert_element_type3A_19, %cond3A_20 : i32
    scf.if %cond3A_21 {
      %scan3A_22 = arith.constant 0 : i32
      %scan3A_23 = arith.constant 0 : i32
      %scan3A_24 = arith.constant 25 : i32
      %scan3A_25 = arith.addi %scan3A_23, %scan3A_24 : i32
      %scan3A_26 = arith.constant 1 : i32
      scf.for %scan3A_28 = %scan3A_23 to %scan3A_25 step %scan3A_26  : i32 {
        %mul3A_29 = arith.constant 1000 : i32
        %mul3A_30 = arith.muli %arg1, %mul3A_29 : i32
        %mul3A_31 = arith.constant 40 : i32
        %mul3A_32 = arith.muli %scan3A_28, %mul3A_31 : i32
        %add3A_33 = arith.addi %mul3A_30, %mul3A_32 : i32
        "tpu.region"() ({
          %run_scoped3A = tpu.sem_alloc : memref<!tpu.dma_semaphore, #tpu.memory_space<semaphore_mem>>
          %dma_start3A = arith.constant 0 : i32
          %dma_start3A_37 = tpu.memref_slice %arg10[%add3A_33, %dma_start3A] : memref<10000x128xf32, #tpu.memory_space<vmem_shared>> -> memref<40x128xf32, #tpu.memory_space<vmem_shared>>
          %dma_start3A_38 = arith.constant 0 : i32
          %dma_start3A_39 = tpu.memref_slice %arg10[%add3A_33, %dma_start3A_38] : memref<10000x128xf32, #tpu.memory_space<vmem_shared>> -> memref<40x128xf32, #tpu.memory_space<vmem_shared>>
          tpu.enqueue_dma source(%dma_start3A_39 : memref<40x128xf32, #tpu.memory_space<vmem_shared>>) target(%arg9 : memref<40x128xf32, #tpu.memory_space<vmem>>) target_semaphore(%run_scoped3A : memref<!tpu.dma_semaphore, #tpu.memory_space<semaphore_mem>>)
          %dma_wait3A = arith.constant 0 : i32
          %dma_wait3A_40 = tpu.memref_slice %arg10[%add3A_33, %dma_wait3A] : memref<10000x128xf32, #tpu.memory_space<vmem_shared>> -> memref<40x128xf32, #tpu.memory_space<vmem_shared>>
          %dma_wait3A_41 = arith.constant 0 : i32
          %dma_wait3A_42 = tpu.memref_slice %arg10[%add3A_33, %dma_wait3A_41] : memref<10000x128xf32, #tpu.memory_space<vmem_shared>> -> memref<40x128xf32, #tpu.memory_space<vmem_shared>>
          tpu.wait_dma2 semaphore(%run_scoped3A : memref<!tpu.dma_semaphore, #tpu.memory_space<semaphore_mem>>) src(%dma_wait3A_42 : memref<40x128xf32, #tpu.memory_space<vmem_shared>>) dst(%arg9 : memref<40x128xf32, #tpu.memory_space<vmem>>)
          tpu.yield
        }) : () -> ()
        %mul3A_34 = arith.constant 10000 : i32
        %mul3A_35 = arith.muli %arg0, %mul3A_34 : i32
        %add3A_36 = arith.addi %mul3A_35, %add3A_33 : i32
        "tpu.region"() ({
          %run_scoped3A = tpu.sem_alloc : memref<!tpu.dma_semaphore, #tpu.memory_space<semaphore_mem>>
          %dma_start3A = arith.constant 0 : i32
          %dma_start3A_37 = tpu.memref_slice %arg5[%add3A_36, %dma_start3A] : memref<20000x128xf32, #tpu.memory_space<hbm>> -> memref<40x128xf32, #tpu.memory_space<hbm>>
          %dma_start3A_38 = arith.constant 0 : i32
          %dma_start3A_39 = tpu.memref_slice %arg5[%add3A_36, %dma_start3A_38] : memref<20000x128xf32, #tpu.memory_space<hbm>> -> memref<40x128xf32, #tpu.memory_space<hbm>>
          tpu.enqueue_dma source(%arg9 : memref<40x128xf32, #tpu.memory_space<vmem>>) target(%dma_start3A_39 : memref<40x128xf32, #tpu.memory_space<hbm>>) target_semaphore(%run_scoped3A : memref<!tpu.dma_semaphore, #tpu.memory_space<semaphore_mem>>)
          %dma_wait3A = arith.constant 0 : i32
          %dma_wait3A_40 = tpu.memref_slice %arg5[%add3A_36, %dma_wait3A] : memref<20000x128xf32, #tpu.memory_space<hbm>> -> memref<40x128xf32, #tpu.memory_space<hbm>>
          %dma_wait3A_41 = arith.constant 0 : i32
          %dma_wait3A_42 = tpu.memref_slice %arg5[%add3A_36, %dma_wait3A_41] : memref<20000x128xf32, #tpu.memory_space<hbm>> -> memref<40x128xf32, #tpu.memory_space<hbm>>
          tpu.wait_dma2 semaphore(%run_scoped3A : memref<!tpu.dma_semaphore, #tpu.memory_space<semaphore_mem>>) src(%arg9 : memref<40x128xf32, #tpu.memory_space<vmem>>) dst(%dma_wait3A_42 : memref<40x128xf32, #tpu.memory_space<hbm>>)
          tpu.yield
        }) : () -> ()
      }
      %scan3A_27 = arith.constant 25 : i32
    } else {
    }
    return
  }
}

#map = affine_map<(d0, d1) -> (0)>
#map1 = affine_map<(d0, d1) -> (0, 0)>
module attributes {stable_mosaic.version = 14 : i64} {
  func.func @sc_attn_pe(%arg0: i32, %arg1: i32, %arg2: memref<320000xi32, #tpu.memory_space<hbm>>, %arg3: memref<320000x80xf32, #tpu.memory_space<hbm>>, %arg4: memref<20000x128xf32, #tpu.memory_space<hbm>>, %arg5: memref<80xi32, #tpu.memory_space<vmem>>, %arg6: memref<80x80xf32, #tpu.memory_space<vmem>>, %arg7: memref<80x128xf32, #tpu.memory_space<vmem>>, %arg8: memref<40x128xf32, #tpu.memory_space<vmem>>, %arg9: memref<10000x128xf32, #tpu.memory_space<vmem_shared>>, %arg10: memref<!tpu.dma_semaphore, #tpu.memory_space<semaphore_mem>>) attributes {dimension_semantics = [#tpu.dimension_semantics<core_parallel>, #tpu.dimension_semantics<subcore_parallel>], iteration_bounds = array<i64: 2, 16>, scalar_prefetch = 0 : i64, scratch_operands = 6 : i64, tpu.core_type = #tpu.core_type<sc_vector_subcore>, window_params = [{transform_indices = #map}, {transform_indices = #map1}, {transform_indices = #map1}]} {
    %mul3A = arith.constant 2 : i32
    %mul3A_0 = arith.muli %arg1, %mul3A : i32
    %add3A = arith.addi %mul3A_0, %arg0 : i32
    %mul3A_1 = arith.constant 10000 : i32
    %mul3A_2 = arith.muli %add3A, %mul3A_1 : i32
    %scan3A = arith.constant 0 : i32
    %scan3A_3 = arith.constant 0 : i32
    %scan3A_4 = arith.constant 40 : i32
    %scan3A_5 = arith.addi %scan3A_3, %scan3A_4 : i32
    %scan3A_6 = arith.constant 1 : i32
    scf.for %scan3A_25 = %scan3A_3 to %scan3A_5 step %scan3A_6  : i32 {
      %broadcast_in_dim3A_26 = arith.constant 0.000000e+00 : f32
      %broadcast_in_dim3A_27 = vector.broadcast %broadcast_in_dim3A_26 : f32 to vector<16xf32>
      %swap3A = arith.index_cast %scan3A_25 : i32 to index
      %swap3A_28 = arith.constant 0 : index
      %swap3A_29 = tpu.vector_load %arg8[%swap3A, %swap3A_28] {strides = array<i32>} : memref<40x128xf32, #tpu.memory_space<vmem>>, vector<1x16xf32>,
      %swap3A_30 = vector.shape_cast %swap3A_29 : vector<1x16xf32> to vector<16xf32>
      %swap3A_31 = vector.shape_cast %broadcast_in_dim3A_27 : vector<16xf32> to vector<1x16xf32>
      tpu.vector_store %arg8[%swap3A, %swap3A_28], %swap3A_31 {strides = array<i32>} : memref<40x128xf32, #tpu.memory_space<vmem>>, vector<1x16xf32>,
      %broadcast_in_dim3A_32 = arith.constant 0.000000e+00 : f32
      %broadcast_in_dim3A_33 = vector.broadcast %broadcast_in_dim3A_32 : f32 to vector<16xf32>
      %swap3A_34 = arith.index_cast %scan3A_25 : i32 to index
      %swap3A_35 = arith.constant 16 : index
      %swap3A_36 = tpu.vector_load %arg8[%swap3A_34, %swap3A_35] {strides = array<i32>} : memref<40x128xf32, #tpu.memory_space<vmem>>, vector<1x16xf32>,
      %swap3A_37 = vector.shape_cast %swap3A_36 : vector<1x16xf32> to vector<16xf32>
      %swap3A_38 = vector.shape_cast %broadcast_in_dim3A_33 : vector<16xf32> to vector<1x16xf32>
      tpu.vector_store %arg8[%swap3A_34, %swap3A_35], %swap3A_38 {strides = array<i32>} : memref<40x128xf32, #tpu.memory_space<vmem>>, vector<1x16xf32>,
      %broadcast_in_dim3A_39 = arith.constant 0.000000e+00 : f32
      %broadcast_in_dim3A_40 = vector.broadcast %broadcast_in_dim3A_39 : f32 to vector<16xf32>
      %swap3A_41 = arith.index_cast %scan3A_25 : i32 to index
      %swap3A_42 = arith.constant 32 : index
      %swap3A_43 = tpu.vector_load %arg8[%swap3A_41, %swap3A_42] {strides = array<i32>} : memref<40x128xf32, #tpu.memory_space<vmem>>, vector<1x16xf32>,
      %swap3A_44 = vector.shape_cast %swap3A_43 : vector<1x16xf32> to vector<16xf32>
      %swap3A_45 = vector.shape_cast %broadcast_in_dim3A_40 : vector<16xf32> to vector<1x16xf32>
      tpu.vector_store %arg8[%swap3A_41, %swap3A_42], %swap3A_45 {strides = array<i32>} : memref<40x128xf32, #tpu.memory_space<vmem>>, vector<1x16xf32>,
      %broadcast_in_dim3A_46 = arith.constant 0.000000e+00 : f32
      %broadcast_in_dim3A_47 = vector.broadcast %broadcast_in_dim3A_46 : f32 to vector<16xf32>
      %swap3A_48 = arith.index_cast %scan3A_25 : i32 to index
      %swap3A_49 = arith.constant 48 : index
      %swap3A_50 = tpu.vector_load %arg8[%swap3A_48, %swap3A_49] {strides = array<i32>} : memref<40x128xf32, #tpu.memory_space<vmem>>, vector<1x16xf32>,
      %swap3A_51 = vector.shape_cast %swap3A_50 : vector<1x16xf32> to vector<16xf32>
      %swap3A_52 = vector.shape_cast %broadcast_in_dim3A_47 : vector<16xf32> to vector<1x16xf32>
      tpu.vector_store %arg8[%swap3A_48, %swap3A_49], %swap3A_52 {strides = array<i32>} : memref<40x128xf32, #tpu.memory_space<vmem>>, vector<1x16xf32>,
      %broadcast_in_dim3A_53 = arith.constant 0.000000e+00 : f32
      %broadcast_in_dim3A_54 = vector.broadcast %broadcast_in_dim3A_53 : f32 to vector<16xf32>
      %swap3A_55 = arith.index_cast %scan3A_25 : i32 to index
      %swap3A_56 = arith.constant 64 : index
      %swap3A_57 = tpu.vector_load %arg8[%swap3A_55, %swap3A_56] {strides = array<i32>} : memref<40x128xf32, #tpu.memory_space<vmem>>, vector<1x16xf32>,
      %swap3A_58 = vector.shape_cast %swap3A_57 : vector<1x16xf32> to vector<16xf32>
      %swap3A_59 = vector.shape_cast %broadcast_in_dim3A_54 : vector<16xf32> to vector<1x16xf32>
      tpu.vector_store %arg8[%swap3A_55, %swap3A_56], %swap3A_59 {strides = array<i32>} : memref<40x128xf32, #tpu.memory_space<vmem>>, vector<1x16xf32>,
      %broadcast_in_dim3A_60 = arith.constant 0.000000e+00 : f32
      %broadcast_in_dim3A_61 = vector.broadcast %broadcast_in_dim3A_60 : f32 to vector<16xf32>
      %swap3A_62 = arith.index_cast %scan3A_25 : i32 to index
      %swap3A_63 = arith.constant 80 : index
      %swap3A_64 = tpu.vector_load %arg8[%swap3A_62, %swap3A_63] {strides = array<i32>} : memref<40x128xf32, #tpu.memory_space<vmem>>, vector<1x16xf32>,
      %swap3A_65 = vector.shape_cast %swap3A_64 : vector<1x16xf32> to vector<16xf32>
      %swap3A_66 = vector.shape_cast %broadcast_in_dim3A_61 : vector<16xf32> to vector<1x16xf32>
      tpu.vector_store %arg8[%swap3A_62, %swap3A_63], %swap3A_66 {strides = array<i32>} : memref<40x128xf32, #tpu.memory_space<vmem>>, vector<1x16xf32>,
      %broadcast_in_dim3A_67 = arith.constant 0.000000e+00 : f32
      %broadcast_in_dim3A_68 = vector.broadcast %broadcast_in_dim3A_67 : f32 to vector<16xf32>
      %swap3A_69 = arith.index_cast %scan3A_25 : i32 to index
      %swap3A_70 = arith.constant 96 : index
      %swap3A_71 = tpu.vector_load %arg8[%swap3A_69, %swap3A_70] {strides = array<i32>} : memref<40x128xf32, #tpu.memory_space<vmem>>, vector<1x16xf32>,
      %swap3A_72 = vector.shape_cast %swap3A_71 : vector<1x16xf32> to vector<16xf32>
      %swap3A_73 = vector.shape_cast %broadcast_in_dim3A_68 : vector<16xf32> to vector<1x16xf32>
      tpu.vector_store %arg8[%swap3A_69, %swap3A_70], %swap3A_73 {strides = array<i32>} : memref<40x128xf32, #tpu.memory_space<vmem>>, vector<1x16xf32>,
      %broadcast_in_dim3A_74 = arith.constant 0.000000e+00 : f32
      %broadcast_in_dim3A_75 = vector.broadcast %broadcast_in_dim3A_74 : f32 to vector<16xf32>
      %swap3A_76 = arith.index_cast %scan3A_25 : i32 to index
      %swap3A_77 = arith.constant 112 : index
      %swap3A_78 = tpu.vector_load %arg8[%swap3A_76, %swap3A_77] {strides = array<i32>} : memref<40x128xf32, #tpu.memory_space<vmem>>, vector<1x16xf32>,
      %swap3A_79 = vector.shape_cast %swap3A_78 : vector<1x16xf32> to vector<16xf32>
      %swap3A_80 = vector.shape_cast %broadcast_in_dim3A_75 : vector<16xf32> to vector<1x16xf32>
      tpu.vector_store %arg8[%swap3A_76, %swap3A_77], %swap3A_80 {strides = array<i32>} : memref<40x128xf32, #tpu.memory_space<vmem>>, vector<1x16xf32>,
    }
    %scan3A_7 = arith.constant 40 : i32
    %lt3A = arith.constant 10 : i32
    %lt3A_8 = arith.cmpi slt, %arg1, %lt3A : i32
    %convert_element_type3A = arith.extui %lt3A_8 : i1 to i32
    %cond3A = arith.constant 0 : i32
    %cond3A_9 = arith.cmpi ne, %convert_element_type3A, %cond3A : i32
    scf.if %cond3A_9 {
      %scan3A_25 = arith.constant 0 : i32
      %scan3A_26 = arith.constant 0 : i32
      %scan3A_27 = arith.constant 25 : i32
      %scan3A_28 = arith.addi %scan3A_26, %scan3A_27 : i32
      %scan3A_29 = arith.constant 1 : i32
      scf.for %scan3A_31 = %scan3A_26 to %scan3A_28 step %scan3A_29  : i32 {
        %mul3A_32 = arith.constant 1000 : i32
        %mul3A_33 = arith.muli %arg1, %mul3A_32 : i32
        %mul3A_34 = arith.constant 40 : i32
        %mul3A_35 = arith.muli %scan3A_31, %mul3A_34 : i32
        %add3A_36 = arith.addi %mul3A_33, %mul3A_35 : i32
        "tpu.region"() ({
          %run_scoped3A = tpu.sem_alloc : memref<!tpu.dma_semaphore, #tpu.memory_space<semaphore_mem>>
          %dma_start3A = arith.constant 0 : i32
          %dma_start3A_37 = tpu.memref_slice %arg9[%add3A_36, %dma_start3A] : memref<10000x128xf32, #tpu.memory_space<vmem_shared>> -> memref<40x128xf32, #tpu.memory_space<vmem_shared>>
          %dma_start3A_38 = arith.constant 0 : i32
          %dma_start3A_39 = tpu.memref_slice %arg9[%add3A_36, %dma_start3A_38] : memref<10000x128xf32, #tpu.memory_space<vmem_shared>> -> memref<40x128xf32, #tpu.memory_space<vmem_shared>>
          tpu.enqueue_dma source(%arg8 : memref<40x128xf32, #tpu.memory_space<vmem>>) target(%dma_start3A_39 : memref<40x128xf32, #tpu.memory_space<vmem_shared>>) target_semaphore(%run_scoped3A : memref<!tpu.dma_semaphore, #tpu.memory_space<semaphore_mem>>)
          %dma_wait3A = arith.constant 0 : i32
          %dma_wait3A_40 = tpu.memref_slice %arg9[%add3A_36, %dma_wait3A] : memref<10000x128xf32, #tpu.memory_space<vmem_shared>> -> memref<40x128xf32, #tpu.memory_space<vmem_shared>>
          %dma_wait3A_41 = arith.constant 0 : i32
          %dma_wait3A_42 = tpu.memref_slice %arg9[%add3A_36, %dma_wait3A_41] : memref<10000x128xf32, #tpu.memory_space<vmem_shared>> -> memref<40x128xf32, #tpu.memory_space<vmem_shared>>
          tpu.wait_dma2 semaphore(%run_scoped3A : memref<!tpu.dma_semaphore, #tpu.memory_space<semaphore_mem>>) src(%arg8 : memref<40x128xf32, #tpu.memory_space<vmem>>) dst(%dma_wait3A_42 : memref<40x128xf32, #tpu.memory_space<vmem_shared>>)
          tpu.yield
        }) : () -> ()
      }
      %scan3A_30 = arith.constant 25 : i32
    } else {
    }
    %barrier3A = arith.constant 0 : index
    tpu.barrier barrier_id(%barrier3A)
    %iota3A = tpu.iota {dimensions = array<i32: 0>} : vector<16xi32>
    %eq3A = arith.constant 0 : i32
    %eq3A_10 = vector.broadcast %eq3A : i32 to vector<16xi32>
    %eq3A_11 = arith.cmpi eq, %iota3A, %eq3A_10 : vector<16xi32>
    %broadcast_in_dim3A = arith.constant 0.000000e+00 : f32
    %broadcast_in_dim3A_12 = vector.broadcast %broadcast_in_dim3A : f32 to vector<16xf32>
    %scan3A_13 = arith.constant 0 : i32
    %scan3A_14 = arith.constant 0 : i32
    %scan3A_15 = arith.constant 125 : i32
    %scan3A_16 = arith.addi %scan3A_14, %scan3A_15 : i32
    %scan3A_17 = arith.constant 1 : i32
    scf.for %scan3A_25 = %scan3A_14 to %scan3A_16 step %scan3A_17  : i32 {
      %mul3A_26 = arith.constant 80 : i32
      %mul3A_27 = arith.muli %scan3A_25, %mul3A_26 : i32
      %add3A_28 = arith.addi %mul3A_2, %mul3A_27 : i32
      "tpu.region"() ({
        %run_scoped3A = tpu.sem_alloc : memref<!tpu.dma_semaphore, #tpu.memory_space<semaphore_mem>>
        %dma_start3A = tpu.memref_slice %arg2[%add3A_28] : memref<320000xi32, #tpu.memory_space<hbm>> -> memref<80xi32, #tpu.memory_space<hbm>>
        %dma_start3A_35 = tpu.memref_slice %arg2[%add3A_28] : memref<320000xi32, #tpu.memory_space<hbm>> -> memref<80xi32, #tpu.memory_space<hbm>>
        tpu.enqueue_dma source(%dma_start3A_35 : memref<80xi32, #tpu.memory_space<hbm>>) target(%arg5 : memref<80xi32, #tpu.memory_space<vmem>>) target_semaphore(%run_scoped3A : memref<!tpu.dma_semaphore, #tpu.memory_space<semaphore_mem>>)
        %dma_wait3A = tpu.memref_slice %arg2[%add3A_28] : memref<320000xi32, #tpu.memory_space<hbm>> -> memref<80xi32, #tpu.memory_space<hbm>>
        %dma_wait3A_36 = tpu.memref_slice %arg2[%add3A_28] : memref<320000xi32, #tpu.memory_space<hbm>> -> memref<80xi32, #tpu.memory_space<hbm>>
        tpu.wait_dma2 semaphore(%run_scoped3A : memref<!tpu.dma_semaphore, #tpu.memory_space<semaphore_mem>>) src(%dma_wait3A_36 : memref<80xi32, #tpu.memory_space<hbm>>) dst(%arg5 : memref<80xi32, #tpu.memory_space<vmem>>)
        tpu.yield
      }) : () -> ()
      "tpu.region"() ({
        %run_scoped3A = tpu.sem_alloc : memref<!tpu.dma_semaphore, #tpu.memory_space<semaphore_mem>>
        %dma_start3A = arith.constant 0 : i32
        %dma_start3A_35 = tpu.memref_slice %arg3[%add3A_28, %dma_start3A] : memref<320000x80xf32, #tpu.memory_space<hbm>> -> memref<80x80xf32, #tpu.memory_space<hbm>>
        %dma_start3A_36 = arith.constant 0 : i32
        %dma_start3A_37 = tpu.memref_slice %arg3[%add3A_28, %dma_start3A_36] : memref<320000x80xf32, #tpu.memory_space<hbm>> -> memref<80x80xf32, #tpu.memory_space<hbm>>
        tpu.enqueue_dma source(%dma_start3A_37 : memref<80x80xf32, #tpu.memory_space<hbm>>) target(%arg6 : memref<80x80xf32, #tpu.memory_space<vmem>>) target_semaphore(%run_scoped3A : memref<!tpu.dma_semaphore, #tpu.memory_space<semaphore_mem>>)
        %dma_wait3A = arith.constant 0 : i32
        %dma_wait3A_38 = tpu.memref_slice %arg3[%add3A_28, %dma_wait3A] : memref<320000x80xf32, #tpu.memory_space<hbm>> -> memref<80x80xf32, #tpu.memory_space<hbm>>
        %dma_wait3A_39 = arith.constant 0 : i32
        %dma_wait3A_40 = tpu.memref_slice %arg3[%add3A_28, %dma_wait3A_39] : memref<320000x80xf32, #tpu.memory_space<hbm>> -> memref<80x80xf32, #tpu.memory_space<hbm>>
        tpu.wait_dma2 semaphore(%run_scoped3A : memref<!tpu.dma_semaphore, #tpu.memory_space<semaphore_mem>>) src(%dma_wait3A_40 : memref<80x80xf32, #tpu.memory_space<hbm>>) dst(%arg6 : memref<80x80xf32, #tpu.memory_space<vmem>>)
        tpu.yield
      }) : () -> ()
      %scan3A_29 = arith.constant 0 : i32
      %scan3A_30 = arith.constant 0 : i32
      %scan3A_31 = arith.constant 40 : i32
      %scan3A_32 = arith.addi %scan3A_30, %scan3A_31 : i32
      %scan3A_33 = arith.constant 1 : i32
      scf.for %scan3A_35 = %scan3A_30 to %scan3A_32 step %scan3A_33  : i32 {
        %mul3A_36 = arith.constant 2 : i32
        %mul3A_37 = arith.muli %scan3A_35, %mul3A_36 : i32
        %add3A_38 = arith.constant 0 : i32
        %add3A_39 = arith.addi %mul3A_37, %add3A_38 : i32
        %get3A = arith.index_cast %add3A_39 : i32 to index
        %get3A_40 = arith.constant 64 : index
        %get3A_41 = tpu.vector_load %arg6[%get3A, %get3A_40] {strides = array<i32>} : memref<80x80xf32, #tpu.memory_space<vmem>>, vector<1x16xf32>,
        %get3A_42 = vector.shape_cast %get3A_41 : vector<1x16xf32> to vector<16xf32>
        %get3A_43 = arith.index_cast %add3A_39 : i32 to index
        %get3A_44 = arith.constant 0 : index
        %get3A_45 = tpu.vector_load %arg6[%get3A_43, %get3A_44] {strides = array<i32>} : memref<80x80xf32, #tpu.memory_space<vmem>>, vector<1x16xf32>,
        %get3A_46 = vector.shape_cast %get3A_45 : vector<1x16xf32> to vector<16xf32>
        %mul3A_47 = arith.mulf %get3A_42, %get3A_46 : vector<16xf32>
        %swap3A = arith.index_cast %add3A_39 : i32 to index
        %swap3A_48 = arith.constant 0 : index
        %swap3A_49 = tpu.vector_load %arg7[%swap3A, %swap3A_48] {strides = array<i32>} : memref<80x128xf32, #tpu.memory_space<vmem>>, vector<1x16xf32>,
        %swap3A_50 = vector.shape_cast %swap3A_49 : vector<1x16xf32> to vector<16xf32>
        %swap3A_51 = vector.shape_cast %mul3A_47 : vector<16xf32> to vector<1x16xf32>
        tpu.vector_store %arg7[%swap3A, %swap3A_48], %swap3A_51 {strides = array<i32>} : memref<80x128xf32, #tpu.memory_space<vmem>>, vector<1x16xf32>,
        %get3A_52 = arith.index_cast %add3A_39 : i32 to index
        %get3A_53 = arith.constant 16 : index
        %get3A_54 = tpu.vector_load %arg6[%get3A_52, %get3A_53] {strides = array<i32>} : memref<80x80xf32, #tpu.memory_space<vmem>>, vector<1x16xf32>,
        %get3A_55 = vector.shape_cast %get3A_54 : vector<1x16xf32> to vector<16xf32>
        %mul3A_56 = arith.mulf %get3A_42, %get3A_55 : vector<16xf32>
        %swap3A_57 = arith.index_cast %add3A_39 : i32 to index
        %swap3A_58 = arith.constant 16 : index
        %swap3A_59 = tpu.vector_load %arg7[%swap3A_57, %swap3A_58] {strides = array<i32>} : memref<80x128xf32, #tpu.memory_space<vmem>>, vector<1x16xf32>,
        %swap3A_60 = vector.shape_cast %swap3A_59 : vector<1x16xf32> to vector<16xf32>
        %swap3A_61 = vector.shape_cast %mul3A_56 : vector<16xf32> to vector<1x16xf32>
        tpu.vector_store %arg7[%swap3A_57, %swap3A_58], %swap3A_61 {strides = array<i32>} : memref<80x128xf32, #tpu.memory_space<vmem>>, vector<1x16xf32>,
        %get3A_62 = arith.index_cast %add3A_39 : i32 to index
        %get3A_63 = arith.constant 32 : index
        %get3A_64 = tpu.vector_load %arg6[%get3A_62, %get3A_63] {strides = array<i32>} : memref<80x80xf32, #tpu.memory_space<vmem>>, vector<1x16xf32>,
        %get3A_65 = vector.shape_cast %get3A_64 : vector<1x16xf32> to vector<16xf32>
        %mul3A_66 = arith.mulf %get3A_42, %get3A_65 : vector<16xf32>
        %swap3A_67 = arith.index_cast %add3A_39 : i32 to index
        %swap3A_68 = arith.constant 32 : index
        %swap3A_69 = tpu.vector_load %arg7[%swap3A_67, %swap3A_68] {strides = array<i32>} : memref<80x128xf32, #tpu.memory_space<vmem>>, vector<1x16xf32>,
        %swap3A_70 = vector.shape_cast %swap3A_69 : vector<1x16xf32> to vector<16xf32>
        %swap3A_71 = vector.shape_cast %mul3A_66 : vector<16xf32> to vector<1x16xf32>
        tpu.vector_store %arg7[%swap3A_67, %swap3A_68], %swap3A_71 {strides = array<i32>} : memref<80x128xf32, #tpu.memory_space<vmem>>, vector<1x16xf32>,
        %get3A_72 = arith.index_cast %add3A_39 : i32 to index
        %get3A_73 = arith.constant 48 : index
        %get3A_74 = tpu.vector_load %arg6[%get3A_72, %get3A_73] {strides = array<i32>} : memref<80x80xf32, #tpu.memory_space<vmem>>, vector<1x16xf32>,
        %get3A_75 = vector.shape_cast %get3A_74 : vector<1x16xf32> to vector<16xf32>
        %mul3A_76 = arith.mulf %get3A_42, %get3A_75 : vector<16xf32>
        %swap3A_77 = arith.index_cast %add3A_39 : i32 to index
        %swap3A_78 = arith.constant 48 : index
        %swap3A_79 = tpu.vector_load %arg7[%swap3A_77, %swap3A_78] {strides = array<i32>} : memref<80x128xf32, #tpu.memory_space<vmem>>, vector<1x16xf32>,
        %swap3A_80 = vector.shape_cast %swap3A_79 : vector<1x16xf32> to vector<16xf32>
        %swap3A_81 = vector.shape_cast %mul3A_76 : vector<16xf32> to vector<1x16xf32>
        tpu.vector_store %arg7[%swap3A_77, %swap3A_78], %swap3A_81 {strides = array<i32>} : memref<80x128xf32, #tpu.memory_space<vmem>>, vector<1x16xf32>,
        %jit3A = arith.constant 0.000000e+00 : f32
        %broadcast_in_dim3A_82 = vector.broadcast %jit3A : f32 to vector<16xf32>
        %select_n3A = arith.select %eq3A_11, %get3A_42, %broadcast_in_dim3A_82 : vector<16xi1>, vector<16xf32>
        %swap3A_83 = arith.index_cast %add3A_39 : i32 to index
        %swap3A_84 = arith.constant 64 : index
        %swap3A_85 = tpu.vector_load %arg7[%swap3A_83, %swap3A_84] {strides = array<i32>} : memref<80x128xf32, #tpu.memory_space<vmem>>, vector<1x16xf32>,
        %swap3A_86 = vector.shape_cast %swap3A_85 : vector<1x16xf32> to vector<16xf32>
        %swap3A_87 = vector.shape_cast %select_n3A : vector<16xf32> to vector<1x16xf32>
        tpu.vector_store %arg7[%swap3A_83, %swap3A_84], %swap3A_87 {strides = array<i32>} : memref<80x128xf32, #tpu.memory_space<vmem>>, vector<1x16xf32>,
        %swap3A_88 = arith.index_cast %add3A_39 : i32 to index
        %swap3A_89 = arith.constant 80 : index
        %swap3A_90 = tpu.vector_load %arg7[%swap3A_88, %swap3A_89] {strides = array<i32>} : memref<80x128xf32, #tpu.memory_space<vmem>>, vector<1x16xf32>,
        %swap3A_91 = vector.shape_cast %swap3A_90 : vector<1x16xf32> to vector<16xf32>
        %swap3A_92 = vector.shape_cast %broadcast_in_dim3A_12 : vector<16xf32> to vector<1x16xf32>
        tpu.vector_store %arg7[%swap3A_88, %swap3A_89], %swap3A_92 {strides = array<i32>} : memref<80x128xf32, #tpu.memory_space<vmem>>, vector<1x16xf32>,
        %swap3A_93 = arith.index_cast %add3A_39 : i32 to index
        %swap3A_94 = arith.constant 96 : index
        %swap3A_95 = tpu.vector_load %arg7[%swap3A_93, %swap3A_94] {strides = array<i32>} : memref<80x128xf32, #tpu.memory_space<vmem>>, vector<1x16xf32>,
        %swap3A_96 = vector.shape_cast %swap3A_95 : vector<1x16xf32> to vector<16xf32>
        %swap3A_97 = vector.shape_cast %broadcast_in_dim3A_12 : vector<16xf32> to vector<1x16xf32>
        tpu.vector_store %arg7[%swap3A_93, %swap3A_94], %swap3A_97 {strides = array<i32>} : memref<80x128xf32, #tpu.memory_space<vmem>>, vector<1x16xf32>,
        %swap3A_98 = arith.index_cast %add3A_39 : i32 to index
        %swap3A_99 = arith.constant 112 : index
        %swap3A_100 = tpu.vector_load %arg7[%swap3A_98, %swap3A_99] {strides = array<i32>} : memref<80x128xf32, #tpu.memory_space<vmem>>, vector<1x16xf32>,
        %swap3A_101 = vector.shape_cast %swap3A_100 : vector<1x16xf32> to vector<16xf32>
        %swap3A_102 = vector.shape_cast %broadcast_in_dim3A_12 : vector<16xf32> to vector<1x16xf32>
        tpu.vector_store %arg7[%swap3A_98, %swap3A_99], %swap3A_102 {strides = array<i32>} : memref<80x128xf32, #tpu.memory_space<vmem>>, vector<1x16xf32>,
        %mul3A_103 = arith.constant 2 : i32
        %mul3A_104 = arith.muli %scan3A_35, %mul3A_103 : i32
        %add3A_105 = arith.constant 1 : i32
        %add3A_106 = arith.addi %mul3A_104, %add3A_105 : i32
        %get3A_107 = arith.index_cast %add3A_106 : i32 to index
        %get3A_108 = arith.constant 64 : index
        %get3A_109 = tpu.vector_load %arg6[%get3A_107, %get3A_108] {strides = array<i32>} : memref<80x80xf32, #tpu.memory_space<vmem>>, vector<1x16xf32>,
        %get3A_110 = vector.shape_cast %get3A_109 : vector<1x16xf32> to vector<16xf32>
        %get3A_111 = arith.index_cast %add3A_106 : i32 to index
        %get3A_112 = arith.constant 0 : index
        %get3A_113 = tpu.vector_load %arg6[%get3A_111, %get3A_112] {strides = array<i32>} : memref<80x80xf32, #tpu.memory_space<vmem>>, vector<1x16xf32>,
        %get3A_114 = vector.shape_cast %get3A_113 : vector<1x16xf32> to vector<16xf32>
        %mul3A_115 = arith.mulf %get3A_110, %get3A_114 : vector<16xf32>
        %swap3A_116 = arith.index_cast %add3A_106 : i32 to index
        %swap3A_117 = arith.constant 0 : index
        %swap3A_118 = tpu.vector_load %arg7[%swap3A_116, %swap3A_117] {strides = array<i32>} : memref<80x128xf32, #tpu.memory_space<vmem>>, vector<1x16xf32>,
        %swap3A_119 = vector.shape_cast %swap3A_118 : vector<1x16xf32> to vector<16xf32>
        %swap3A_120 = vector.shape_cast %mul3A_115 : vector<16xf32> to vector<1x16xf32>
        tpu.vector_store %arg7[%swap3A_116, %swap3A_117], %swap3A_120 {strides = array<i32>} : memref<80x128xf32, #tpu.memory_space<vmem>>, vector<1x16xf32>,
        %get3A_121 = arith.index_cast %add3A_106 : i32 to index
        %get3A_122 = arith.constant 16 : index
        %get3A_123 = tpu.vector_load %arg6[%get3A_121, %get3A_122] {strides = array<i32>} : memref<80x80xf32, #tpu.memory_space<vmem>>, vector<1x16xf32>,
        %get3A_124 = vector.shape_cast %get3A_123 : vector<1x16xf32> to vector<16xf32>
        %mul3A_125 = arith.mulf %get3A_110, %get3A_124 : vector<16xf32>
        %swap3A_126 = arith.index_cast %add3A_106 : i32 to index
        %swap3A_127 = arith.constant 16 : index
        %swap3A_128 = tpu.vector_load %arg7[%swap3A_126, %swap3A_127] {strides = array<i32>} : memref<80x128xf32, #tpu.memory_space<vmem>>, vector<1x16xf32>,
        %swap3A_129 = vector.shape_cast %swap3A_128 : vector<1x16xf32> to vector<16xf32>
        %swap3A_130 = vector.shape_cast %mul3A_125 : vector<16xf32> to vector<1x16xf32>
        tpu.vector_store %arg7[%swap3A_126, %swap3A_127], %swap3A_130 {strides = array<i32>} : memref<80x128xf32, #tpu.memory_space<vmem>>, vector<1x16xf32>,
        %get3A_131 = arith.index_cast %add3A_106 : i32 to index
        %get3A_132 = arith.constant 32 : index
        %get3A_133 = tpu.vector_load %arg6[%get3A_131, %get3A_132] {strides = array<i32>} : memref<80x80xf32, #tpu.memory_space<vmem>>, vector<1x16xf32>,
        %get3A_134 = vector.shape_cast %get3A_133 : vector<1x16xf32> to vector<16xf32>
        %mul3A_135 = arith.mulf %get3A_110, %get3A_134 : vector<16xf32>
        %swap3A_136 = arith.index_cast %add3A_106 : i32 to index
        %swap3A_137 = arith.constant 32 : index
        %swap3A_138 = tpu.vector_load %arg7[%swap3A_136, %swap3A_137] {strides = array<i32>} : memref<80x128xf32, #tpu.memory_space<vmem>>, vector<1x16xf32>,
        %swap3A_139 = vector.shape_cast %swap3A_138 : vector<1x16xf32> to vector<16xf32>
        %swap3A_140 = vector.shape_cast %mul3A_135 : vector<16xf32> to vector<1x16xf32>
        tpu.vector_store %arg7[%swap3A_136, %swap3A_137], %swap3A_140 {strides = array<i32>} : memref<80x128xf32, #tpu.memory_space<vmem>>, vector<1x16xf32>,
        %get3A_141 = arith.index_cast %add3A_106 : i32 to index
        %get3A_142 = arith.constant 48 : index
        %get3A_143 = tpu.vector_load %arg6[%get3A_141, %get3A_142] {strides = array<i32>} : memref<80x80xf32, #tpu.memory_space<vmem>>, vector<1x16xf32>,
        %get3A_144 = vector.shape_cast %get3A_143 : vector<1x16xf32> to vector<16xf32>
        %mul3A_145 = arith.mulf %get3A_110, %get3A_144 : vector<16xf32>
        %swap3A_146 = arith.index_cast %add3A_106 : i32 to index
        %swap3A_147 = arith.constant 48 : index
        %swap3A_148 = tpu.vector_load %arg7[%swap3A_146, %swap3A_147] {strides = array<i32>} : memref<80x128xf32, #tpu.memory_space<vmem>>, vector<1x16xf32>,
        %swap3A_149 = vector.shape_cast %swap3A_148 : vector<1x16xf32> to vector<16xf32>
        %swap3A_150 = vector.shape_cast %mul3A_145 : vector<16xf32> to vector<1x16xf32>
        tpu.vector_store %arg7[%swap3A_146, %swap3A_147], %swap3A_150 {strides = array<i32>} : memref<80x128xf32, #tpu.memory_space<vmem>>, vector<1x16xf32>,
        %jit3A_151 = arith.constant 0.000000e+00 : f32
        %broadcast_in_dim3A_152 = vector.broadcast %jit3A_151 : f32 to vector<16xf32>
        %select_n3A_153 = arith.select %eq3A_11, %get3A_110, %broadcast_in_dim3A_152 : vector<16xi1>, vector<16xf32>
        %swap3A_154 = arith.index_cast %add3A_106 : i32 to index
        %swap3A_155 = arith.constant 64 : index
        %swap3A_156 = tpu.vector_load %arg7[%swap3A_154, %swap3A_155] {strides = array<i32>} : memref<80x128xf32, #tpu.memory_space<vmem>>, vector<1x16xf32>,
        %swap3A_157 = vector.shape_cast %swap3A_156 : vector<1x16xf32> to vector<16xf32>
        %swap3A_158 = vector.shape_cast %select_n3A_153 : vector<16xf32> to vector<1x16xf32>
        tpu.vector_store %arg7[%swap3A_154, %swap3A_155], %swap3A_158 {strides = array<i32>} : memref<80x128xf32, #tpu.memory_space<vmem>>, vector<1x16xf32>,
        %swap3A_159 = arith.index_cast %add3A_106 : i32 to index
        %swap3A_160 = arith.constant 80 : index
        %swap3A_161 = tpu.vector_load %arg7[%swap3A_159, %swap3A_160] {strides = array<i32>} : memref<80x128xf32, #tpu.memory_space<vmem>>, vector<1x16xf32>,
        %swap3A_162 = vector.shape_cast %swap3A_161 : vector<1x16xf32> to vector<16xf32>
        %swap3A_163 = vector.shape_cast %broadcast_in_dim3A_12 : vector<16xf32> to vector<1x16xf32>
        tpu.vector_store %arg7[%swap3A_159, %swap3A_160], %swap3A_163 {strides = array<i32>} : memref<80x128xf32, #tpu.memory_space<vmem>>, vector<1x16xf32>,
        %swap3A_164 = arith.index_cast %add3A_106 : i32 to index
        %swap3A_165 = arith.constant 96 : index
        %swap3A_166 = tpu.vector_load %arg7[%swap3A_164, %swap3A_165] {strides = array<i32>} : memref<80x128xf32, #tpu.memory_space<vmem>>, vector<1x16xf32>,
        %swap3A_167 = vector.shape_cast %swap3A_166 : vector<1x16xf32> to vector<16xf32>
        %swap3A_168 = vector.shape_cast %broadcast_in_dim3A_12 : vector<16xf32> to vector<1x16xf32>
        tpu.vector_store %arg7[%swap3A_164, %swap3A_165], %swap3A_168 {strides = array<i32>} : memref<80x128xf32, #tpu.memory_space<vmem>>, vector<1x16xf32>,
        %swap3A_169 = arith.index_cast %add3A_106 : i32 to index
        %swap3A_170 = arith.constant 112 : index
        %swap3A_171 = tpu.vector_load %arg7[%swap3A_169, %swap3A_170] {strides = array<i32>} : memref<80x128xf32, #tpu.memory_space<vmem>>, vector<1x16xf32>,
        %swap3A_172 = vector.shape_cast %swap3A_171 : vector<1x16xf32> to vector<16xf32>
        %swap3A_173 = vector.shape_cast %broadcast_in_dim3A_12 : vector<16xf32> to vector<1x16xf32>
        tpu.vector_store %arg7[%swap3A_169, %swap3A_170], %swap3A_173 {strides = array<i32>} : memref<80x128xf32, #tpu.memory_space<vmem>>, vector<1x16xf32>,
      }
      %scan3A_34 = arith.constant 40 : i32
      "tpu.region"() ({
        %run_scoped3A = tpu.sem_alloc : memref<!tpu.dma_semaphore, #tpu.memory_space<semaphore_mem>>
        %dma_start3A = arith.constant 0 : i32
        %dma_start3A_35 = arith.constant 0 : i32
        %dma_start3A_36 = tpu.memref_slice %arg9[%dma_start3A, %dma_start3A_35] : memref<10000x128xf32, #tpu.memory_space<vmem_shared>> -> memref<10000x128xf32, #tpu.memory_space<vmem_shared>>
        tpu.enqueue_indirect_dma source(%arg7 : memref<80x128xf32, #tpu.memory_space<vmem>>) target(%dma_start3A_36 : memref<10000x128xf32, #tpu.memory_space<vmem_shared>>) offsets(%arg5 : memref<80xi32, #tpu.memory_space<vmem>>) semaphore(%run_scoped3A : memref<!tpu.dma_semaphore, #tpu.memory_space<semaphore_mem>>) {add = true}
        %dma_wait3A = arith.constant 0 : i32
        %dma_wait3A_37 = arith.constant 0 : i32
        %dma_wait3A_38 = tpu.memref_slice %arg9[%dma_wait3A, %dma_wait3A_37] : memref<10000x128xf32, #tpu.memory_space<vmem_shared>> -> memref<10000x128xf32, #tpu.memory_space<vmem_shared>>
        tpu.wait_indirect_dma semaphore(%run_scoped3A : memref<!tpu.dma_semaphore, #tpu.memory_space<semaphore_mem>>) src(%arg7 : memref<80x128xf32, #tpu.memory_space<vmem>>) dst(%dma_wait3A_38 : memref<10000x128xf32, #tpu.memory_space<vmem_shared>>)
        tpu.yield
      }) : () -> ()
    }
    %scan3A_18 = arith.constant 125 : i32
    %barrier3A_19 = arith.constant 0 : index
    tpu.barrier barrier_id(%barrier3A_19)
    %lt3A_20 = arith.constant 10 : i32
    %lt3A_21 = arith.cmpi slt, %arg1, %lt3A_20 : i32
    %convert_element_type3A_22 = arith.extui %lt3A_21 : i1 to i32
    %cond3A_23 = arith.constant 0 : i32
    %cond3A_24 = arith.cmpi ne, %convert_element_type3A_22, %cond3A_23 : i32
    scf.if %cond3A_24 {
      %scan3A_25 = arith.constant 0 : i32
      %scan3A_26 = arith.constant 0 : i32
      %scan3A_27 = arith.constant 25 : i32
      %scan3A_28 = arith.addi %scan3A_26, %scan3A_27 : i32
      %scan3A_29 = arith.constant 1 : i32
      scf.for %scan3A_31 = %scan3A_26 to %scan3A_28 step %scan3A_29  : i32 {
        %mul3A_32 = arith.constant 1000 : i32
        %mul3A_33 = arith.muli %arg1, %mul3A_32 : i32
        %mul3A_34 = arith.constant 40 : i32
        %mul3A_35 = arith.muli %scan3A_31, %mul3A_34 : i32
        %add3A_36 = arith.addi %mul3A_33, %mul3A_35 : i32
        "tpu.region"() ({
          %run_scoped3A = tpu.sem_alloc : memref<!tpu.dma_semaphore, #tpu.memory_space<semaphore_mem>>
          %dma_start3A = arith.constant 0 : i32
          %dma_start3A_40 = tpu.memref_slice %arg9[%add3A_36, %dma_start3A] : memref<10000x128xf32, #tpu.memory_space<vmem_shared>> -> memref<40x128xf32, #tpu.memory_space<vmem_shared>>
          %dma_start3A_41 = arith.constant 0 : i32
          %dma_start3A_42 = tpu.memref_slice %arg9[%add3A_36, %dma_start3A_41] : memref<10000x128xf32, #tpu.memory_space<vmem_shared>> -> memref<40x128xf32, #tpu.memory_space<vmem_shared>>
          tpu.enqueue_dma source(%dma_start3A_42 : memref<40x128xf32, #tpu.memory_space<vmem_shared>>) target(%arg8 : memref<40x128xf32, #tpu.memory_space<vmem>>) target_semaphore(%run_scoped3A : memref<!tpu.dma_semaphore, #tpu.memory_space<semaphore_mem>>)
          %dma_wait3A = arith.constant 0 : i32
          %dma_wait3A_43 = tpu.memref_slice %arg9[%add3A_36, %dma_wait3A] : memref<10000x128xf32, #tpu.memory_space<vmem_shared>> -> memref<40x128xf32, #tpu.memory_space<vmem_shared>>
          %dma_wait3A_44 = arith.constant 0 : i32
          %dma_wait3A_45 = tpu.memref_slice %arg9[%add3A_36, %dma_wait3A_44] : memref<10000x128xf32, #tpu.memory_space<vmem_shared>> -> memref<40x128xf32, #tpu.memory_space<vmem_shared>>
          tpu.wait_dma2 semaphore(%run_scoped3A : memref<!tpu.dma_semaphore, #tpu.memory_space<semaphore_mem>>) src(%dma_wait3A_45 : memref<40x128xf32, #tpu.memory_space<vmem_shared>>) dst(%arg8 : memref<40x128xf32, #tpu.memory_space<vmem>>)
          tpu.yield
        }) : () -> ()
        %mul3A_37 = arith.constant 10000 : i32
        %mul3A_38 = arith.muli %arg0, %mul3A_37 : i32
        %add3A_39 = arith.addi %mul3A_38, %add3A_36 : i32
        "tpu.region"() ({
          %run_scoped3A = tpu.sem_alloc : memref<!tpu.dma_semaphore, #tpu.memory_space<semaphore_mem>>
          %dma_start3A = arith.constant 0 : i32
          %dma_start3A_40 = tpu.memref_slice %arg4[%add3A_39, %dma_start3A] : memref<20000x128xf32, #tpu.memory_space<hbm>> -> memref<40x128xf32, #tpu.memory_space<hbm>>
          %dma_start3A_41 = arith.constant 0 : i32
          %dma_start3A_42 = tpu.memref_slice %arg4[%add3A_39, %dma_start3A_41] : memref<20000x128xf32, #tpu.memory_space<hbm>> -> memref<40x128xf32, #tpu.memory_space<hbm>>
          tpu.enqueue_dma source(%arg8 : memref<40x128xf32, #tpu.memory_space<vmem>>) target(%dma_start3A_42 : memref<40x128xf32, #tpu.memory_space<hbm>>) target_semaphore(%run_scoped3A : memref<!tpu.dma_semaphore, #tpu.memory_space<semaphore_mem>>)
          %dma_wait3A = arith.constant 0 : i32
          %dma_wait3A_43 = tpu.memref_slice %arg4[%add3A_39, %dma_wait3A] : memref<20000x128xf32, #tpu.memory_space<hbm>> -> memref<40x128xf32, #tpu.memory_space<hbm>>
          %dma_wait3A_44 = arith.constant 0 : i32
          %dma_wait3A_45 = tpu.memref_slice %arg4[%add3A_39, %dma_wait3A_44] : memref<20000x128xf32, #tpu.memory_space<hbm>> -> memref<40x128xf32, #tpu.memory_space<hbm>>
          tpu.wait_dma2 semaphore(%run_scoped3A : memref<!tpu.dma_semaphore, #tpu.memory_space<semaphore_mem>>) src(%arg8 : memref<40x128xf32, #tpu.memory_space<vmem>>) dst(%dma_wait3A_45 : memref<40x128xf32, #tpu.memory_space<hbm>>)
          tpu.yield
        }) : () -> ()
      }
      %scan3A_30 = arith.constant 25 : i32
    } else {
    }
    return
  }
}

#map = affine_map<(d0, d1) -> (0)>
#map1 = affine_map<(d0, d1) -> (0, 0)>
module attributes {stable_mosaic.version = 14 : i64} {
  func.func @sc_attn_u(%arg0: i32, %arg1: i32, %arg2: memref<320000xi32, #tpu.memory_space<hbm>>, %arg3: memref<320000xi32, #tpu.memory_space<hbm>>, %arg4: memref<10000x128xf32, #tpu.memory_space<hbm>>, %arg5: memref<10000x128xf32, #tpu.memory_space<hbm>>, %arg6: memref<80xf32, #tpu.memory_space<hbm>>, %arg7: memref<20000x128xf32, #tpu.memory_space<hbm>>, %arg8: memref<20000x128xf32, #tpu.memory_space<hbm>>, %arg9: memref<320000x80xf32, #tpu.memory_space<hbm>>, %arg10: memref<80xi32, #tpu.memory_space<vmem>>, %arg11: memref<80xi32, #tpu.memory_space<vmem>>, %arg12: memref<80x128xf32, #tpu.memory_space<vmem>>, %arg13: memref<80x128xf32, #tpu.memory_space<vmem>>, %arg14: memref<80x128xf32, #tpu.memory_space<vmem>>, %arg15: memref<80x80xf32, #tpu.memory_space<vmem>>, %arg16: memref<40x128xf32, #tpu.memory_space<vmem>>, %arg17: memref<80xf32, #tpu.memory_space<vmem>>, %arg18: memref<8x128xf32, #tpu.memory_space<vmem>>, %arg19: memref<10000x128xf32, #tpu.memory_space<vmem_shared>>, %arg20: memref<!tpu.dma_semaphore, #tpu.memory_space<semaphore_mem>>) attributes {dimension_semantics = [#tpu.dimension_semantics<core_parallel>, #tpu.dimension_semantics<subcore_parallel>], iteration_bounds = array<i64: 2, 16>, scalar_prefetch = 0 : i64, scratch_operands = 11 : i64, tpu.core_type = #tpu.core_type<sc_vector_subcore>, window_params = [{transform_indices = #map}, {transform_indices = #map}, {transform_indices = #map1}, {transform_indices = #map1}, {transform_indices = #map}, {transform_indices = #map1}, {transform_indices = #map1}, {transform_indices = #map1}]} {
    %mul3A = arith.constant 2 : i32
    %mul3A_0 = arith.muli %arg1, %mul3A : i32
    %add3A = arith.addi %mul3A_0, %arg0 : i32
    %mul3A_1 = arith.constant 10000 : i32
    %mul3A_2 = arith.muli %add3A, %mul3A_1 : i32
    "tpu.region"() ({
      %run_scoped3A = tpu.sem_alloc : memref<!tpu.dma_semaphore, #tpu.memory_space<semaphore_mem>>
      tpu.enqueue_dma source(%arg6 : memref<80xf32, #tpu.memory_space<hbm>>) target(%arg17 : memref<80xf32, #tpu.memory_space<vmem>>) target_semaphore(%run_scoped3A : memref<!tpu.dma_semaphore, #tpu.memory_space<semaphore_mem>>)
      tpu.wait_dma2 semaphore(%run_scoped3A : memref<!tpu.dma_semaphore, #tpu.memory_space<semaphore_mem>>) src(%arg6 : memref<80xf32, #tpu.memory_space<hbm>>) dst(%arg17 : memref<80xf32, #tpu.memory_space<vmem>>)
      tpu.yield
    }) : () -> ()
    "tpu.region"() ({
      %run_scoped3A = tpu.sem_alloc : memref<!tpu.dma_semaphore, #tpu.memory_space<semaphore_mem>>
      %dma_start3A = arith.constant 0 : i32
      %dma_start3A_36 = arith.constant 0 : i32
      %dma_start3A_37 = tpu.memref_slice %arg7[%dma_start3A, %dma_start3A_36] : memref<20000x128xf32, #tpu.memory_space<hbm>> -> memref<8x128xf32, #tpu.memory_space<hbm>>
      %dma_start3A_38 = arith.constant 0 : i32
      %dma_start3A_39 = arith.constant 0 : i32
      %dma_start3A_40 = tpu.memref_slice %arg7[%dma_start3A_38, %dma_start3A_39] : memref<20000x128xf32, #tpu.memory_space<hbm>> -> memref<8x128xf32, #tpu.memory_space<hbm>>
      tpu.enqueue_dma source(%dma_start3A_40 : memref<8x128xf32, #tpu.memory_space<hbm>>) target(%arg18 : memref<8x128xf32, #tpu.memory_space<vmem>>) target_semaphore(%run_scoped3A : memref<!tpu.dma_semaphore, #tpu.memory_space<semaphore_mem>>)
      %dma_wait3A = arith.constant 0 : i32
      %dma_wait3A_41 = arith.constant 0 : i32
      %dma_wait3A_42 = tpu.memref_slice %arg7[%dma_wait3A, %dma_wait3A_41] : memref<20000x128xf32, #tpu.memory_space<hbm>> -> memref<8x128xf32, #tpu.memory_space<hbm>>
      %dma_wait3A_43 = arith.constant 0 : i32
      %dma_wait3A_44 = arith.constant 0 : i32
      %dma_wait3A_45 = tpu.memref_slice %arg7[%dma_wait3A_43, %dma_wait3A_44] : memref<20000x128xf32, #tpu.memory_space<hbm>> -> memref<8x128xf32, #tpu.memory_space<hbm>>
      tpu.wait_dma2 semaphore(%run_scoped3A : memref<!tpu.dma_semaphore, #tpu.memory_space<semaphore_mem>>) src(%dma_wait3A_45 : memref<8x128xf32, #tpu.memory_space<hbm>>) dst(%arg18 : memref<8x128xf32, #tpu.memory_space<vmem>>)
      tpu.yield
    }) : () -> ()
    %scan3A = arith.constant 0 : i32
    %scan3A_3 = arith.constant 0 : i32
    %scan3A_4 = arith.constant 40 : i32
    %scan3A_5 = arith.addi %scan3A_3, %scan3A_4 : i32
    %scan3A_6 = arith.constant 1 : i32
    scf.for %scan3A_36 = %scan3A_3 to %scan3A_5 step %scan3A_6  : i32 {
      %broadcast_in_dim3A = arith.constant 0.000000e+00 : f32
      %broadcast_in_dim3A_37 = vector.broadcast %broadcast_in_dim3A : f32 to vector<16xf32>
      %swap3A = arith.index_cast %scan3A_36 : i32 to index
      %swap3A_38 = arith.constant 0 : index
      %swap3A_39 = tpu.vector_load %arg16[%swap3A, %swap3A_38] {strides = array<i32>} : memref<40x128xf32, #tpu.memory_space<vmem>>, vector<1x16xf32>,
      %swap3A_40 = vector.shape_cast %swap3A_39 : vector<1x16xf32> to vector<16xf32>
      %swap3A_41 = vector.shape_cast %broadcast_in_dim3A_37 : vector<16xf32> to vector<1x16xf32>
      tpu.vector_store %arg16[%swap3A, %swap3A_38], %swap3A_41 {strides = array<i32>} : memref<40x128xf32, #tpu.memory_space<vmem>>, vector<1x16xf32>,
      %broadcast_in_dim3A_42 = arith.constant 0.000000e+00 : f32
      %broadcast_in_dim3A_43 = vector.broadcast %broadcast_in_dim3A_42 : f32 to vector<16xf32>
      %swap3A_44 = arith.index_cast %scan3A_36 : i32 to index
      %swap3A_45 = arith.constant 16 : index
      %swap3A_46 = tpu.vector_load %arg16[%swap3A_44, %swap3A_45] {strides = array<i32>} : memref<40x128xf32, #tpu.memory_space<vmem>>, vector<1x16xf32>,
      %swap3A_47 = vector.shape_cast %swap3A_46 : vector<1x16xf32> to vector<16xf32>
      %swap3A_48 = vector.shape_cast %broadcast_in_dim3A_43 : vector<16xf32> to vector<1x16xf32>
      tpu.vector_store %arg16[%swap3A_44, %swap3A_45], %swap3A_48 {strides = array<i32>} : memref<40x128xf32, #tpu.memory_space<vmem>>, vector<1x16xf32>,
      %broadcast_in_dim3A_49 = arith.constant 0.000000e+00 : f32
      %broadcast_in_dim3A_50 = vector.broadcast %broadcast_in_dim3A_49 : f32 to vector<16xf32>
      %swap3A_51 = arith.index_cast %scan3A_36 : i32 to index
      %swap3A_52 = arith.constant 32 : index
      %swap3A_53 = tpu.vector_load %arg16[%swap3A_51, %swap3A_52] {strides = array<i32>} : memref<40x128xf32, #tpu.memory_space<vmem>>, vector<1x16xf32>,
      %swap3A_54 = vector.shape_cast %swap3A_53 : vector<1x16xf32> to vector<16xf32>
      %swap3A_55 = vector.shape_cast %broadcast_in_dim3A_50 : vector<16xf32> to vector<1x16xf32>
      tpu.vector_store %arg16[%swap3A_51, %swap3A_52], %swap3A_55 {strides = array<i32>} : memref<40x128xf32, #tpu.memory_space<vmem>>, vector<1x16xf32>,
      %broadcast_in_dim3A_56 = arith.constant 0.000000e+00 : f32
      %broadcast_in_dim3A_57 = vector.broadcast %broadcast_in_dim3A_56 : f32 to vector<16xf32>
      %swap3A_58 = arith.index_cast %scan3A_36 : i32 to index
      %swap3A_59 = arith.constant 48 : index
      %swap3A_60 = tpu.vector_load %arg16[%swap3A_58, %swap3A_59] {strides = array<i32>} : memref<40x128xf32, #tpu.memory_space<vmem>>, vector<1x16xf32>,
      %swap3A_61 = vector.shape_cast %swap3A_60 : vector<1x16xf32> to vector<16xf32>
      %swap3A_62 = vector.shape_cast %broadcast_in_dim3A_57 : vector<16xf32> to vector<1x16xf32>
      tpu.vector_store %arg16[%swap3A_58, %swap3A_59], %swap3A_62 {strides = array<i32>} : memref<40x128xf32, #tpu.memory_space<vmem>>, vector<1x16xf32>,
      %broadcast_in_dim3A_63 = arith.constant 0.000000e+00 : f32
      %broadcast_in_dim3A_64 = vector.broadcast %broadcast_in_dim3A_63 : f32 to vector<16xf32>
      %swap3A_65 = arith.index_cast %scan3A_36 : i32 to index
      %swap3A_66 = arith.constant 64 : index
      %swap3A_67 = tpu.vector_load %arg16[%swap3A_65, %swap3A_66] {strides = array<i32>} : memref<40x128xf32, #tpu.memory_space<vmem>>, vector<1x16xf32>,
      %swap3A_68 = vector.shape_cast %swap3A_67 : vector<1x16xf32> to vector<16xf32>
      %swap3A_69 = vector.shape_cast %broadcast_in_dim3A_64 : vector<16xf32> to vector<1x16xf32>
      tpu.vector_store %arg16[%swap3A_65, %swap3A_66], %swap3A_69 {strides = array<i32>} : memref<40x128xf32, #tpu.memory_space<vmem>>, vector<1x16xf32>,
      %broadcast_in_dim3A_70 = arith.constant 0.000000e+00 : f32
      %broadcast_in_dim3A_71 = vector.broadcast %broadcast_in_dim3A_70 : f32 to vector<16xf32>
      %swap3A_72 = arith.index_cast %scan3A_36 : i32 to index
      %swap3A_73 = arith.constant 80 : index
      %swap3A_74 = tpu.vector_load %arg16[%swap3A_72, %swap3A_73] {strides = array<i32>} : memref<40x128xf32, #tpu.memory_space<vmem>>, vector<1x16xf32>,
      %swap3A_75 = vector.shape_cast %swap3A_74 : vector<1x16xf32> to vector<16xf32>
      %swap3A_76 = vector.shape_cast %broadcast_in_dim3A_71 : vector<16xf32> to vector<1x16xf32>
      tpu.vector_store %arg16[%swap3A_72, %swap3A_73], %swap3A_76 {strides = array<i32>} : memref<40x128xf32, #tpu.memory_space<vmem>>, vector<1x16xf32>,
      %broadcast_in_dim3A_77 = arith.constant 0.000000e+00 : f32
      %broadcast_in_dim3A_78 = vector.broadcast %broadcast_in_dim3A_77 : f32 to vector<16xf32>
      %swap3A_79 = arith.index_cast %scan3A_36 : i32 to index
      %swap3A_80 = arith.constant 96 : index
      %swap3A_81 = tpu.vector_load %arg16[%swap3A_79, %swap3A_80] {strides = array<i32>} : memref<40x128xf32, #tpu.memory_space<vmem>>, vector<1x16xf32>,
      %swap3A_82 = vector.shape_cast %swap3A_81 : vector<1x16xf32> to vector<16xf32>
      %swap3A_83 = vector.shape_cast %broadcast_in_dim3A_78 : vector<16xf32> to vector<1x16xf32>
      tpu.vector_store %arg16[%swap3A_79, %swap3A_80], %swap3A_83 {strides = array<i32>} : memref<40x128xf32, #tpu.memory_space<vmem>>, vector<1x16xf32>,
      %broadcast_in_dim3A_84 = arith.constant 0.000000e+00 : f32
      %broadcast_in_dim3A_85 = vector.broadcast %broadcast_in_dim3A_84 : f32 to vector<16xf32>
      %swap3A_86 = arith.index_cast %scan3A_36 : i32 to index
      %swap3A_87 = arith.constant 112 : index
      %swap3A_88 = tpu.vector_load %arg16[%swap3A_86, %swap3A_87] {strides = array<i32>} : memref<40x128xf32, #tpu.memory_space<vmem>>, vector<1x16xf32>,
      %swap3A_89 = vector.shape_cast %swap3A_88 : vector<1x16xf32> to vector<16xf32>
      %swap3A_90 = vector.shape_cast %broadcast_in_dim3A_85 : vector<16xf32> to vector<1x16xf32>
      tpu.vector_store %arg16[%swap3A_86, %swap3A_87], %swap3A_90 {strides = array<i32>} : memref<40x128xf32, #tpu.memory_space<vmem>>, vector<1x16xf32>,
    }
    %scan3A_7 = arith.constant 40 : i32
    %lt3A = arith.constant 10 : i32
    %lt3A_8 = arith.cmpi slt, %arg1, %lt3A : i32
    %convert_element_type3A = arith.extui %lt3A_8 : i1 to i32
    %cond3A = arith.constant 0 : i32
    %cond3A_9 = arith.cmpi ne, %convert_element_type3A, %cond3A : i32
    scf.if %cond3A_9 {
      %scan3A_36 = arith.constant 0 : i32
      %scan3A_37 = arith.constant 0 : i32
      %scan3A_38 = arith.constant 25 : i32
      %scan3A_39 = arith.addi %scan3A_37, %scan3A_38 : i32
      %scan3A_40 = arith.constant 1 : i32
      scf.for %scan3A_42 = %scan3A_37 to %scan3A_39 step %scan3A_40  : i32 {
        %mul3A_43 = arith.constant 1000 : i32
        %mul3A_44 = arith.muli %arg1, %mul3A_43 : i32
        %mul3A_45 = arith.constant 40 : i32
        %mul3A_46 = arith.muli %scan3A_42, %mul3A_45 : i32
        %add3A_47 = arith.addi %mul3A_44, %mul3A_46 : i32
        "tpu.region"() ({
          %run_scoped3A = tpu.sem_alloc : memref<!tpu.dma_semaphore, #tpu.memory_space<semaphore_mem>>
          %dma_start3A = arith.constant 0 : i32
          %dma_start3A_48 = tpu.memref_slice %arg19[%add3A_47, %dma_start3A] : memref<10000x128xf32, #tpu.memory_space<vmem_shared>> -> memref<40x128xf32, #tpu.memory_space<vmem_shared>>
          %dma_start3A_49 = arith.constant 0 : i32
          %dma_start3A_50 = tpu.memref_slice %arg19[%add3A_47, %dma_start3A_49] : memref<10000x128xf32, #tpu.memory_space<vmem_shared>> -> memref<40x128xf32, #tpu.memory_space<vmem_shared>>
          tpu.enqueue_dma source(%arg16 : memref<40x128xf32, #tpu.memory_space<vmem>>) target(%dma_start3A_50 : memref<40x128xf32, #tpu.memory_space<vmem_shared>>) target_semaphore(%run_scoped3A : memref<!tpu.dma_semaphore, #tpu.memory_space<semaphore_mem>>)
          %dma_wait3A = arith.constant 0 : i32
          %dma_wait3A_51 = tpu.memref_slice %arg19[%add3A_47, %dma_wait3A] : memref<10000x128xf32, #tpu.memory_space<vmem_shared>> -> memref<40x128xf32, #tpu.memory_space<vmem_shared>>
          %dma_wait3A_52 = arith.constant 0 : i32
          %dma_wait3A_53 = tpu.memref_slice %arg19[%add3A_47, %dma_wait3A_52] : memref<10000x128xf32, #tpu.memory_space<vmem_shared>> -> memref<40x128xf32, #tpu.memory_space<vmem_shared>>
          tpu.wait_dma2 semaphore(%run_scoped3A : memref<!tpu.dma_semaphore, #tpu.memory_space<semaphore_mem>>) src(%arg16 : memref<40x128xf32, #tpu.memory_space<vmem>>) dst(%dma_wait3A_53 : memref<40x128xf32, #tpu.memory_space<vmem_shared>>)
          tpu.yield
        }) : () -> ()
      }
      %scan3A_41 = arith.constant 25 : i32
    } else {
    }
    %barrier3A = arith.constant 0 : index
    tpu.barrier barrier_id(%barrier3A)
    %get3A = arith.constant 0 : index
    %get3A_10 = tpu.vector_load %arg17[%get3A] {strides = array<i32>} : memref<80xf32, #tpu.memory_space<vmem>>, vector<16xf32>,
    %get3A_11 = vector.shape_cast %get3A_10 : vector<16xf32> to vector<16xf32>
    %get3A_12 = arith.constant 16 : index
    %get3A_13 = tpu.vector_load %arg17[%get3A_12] {strides = array<i32>} : memref<80xf32, #tpu.memory_space<vmem>>, vector<16xf32>,
    %get3A_14 = vector.shape_cast %get3A_13 : vector<16xf32> to vector<16xf32>
    %get3A_15 = arith.constant 32 : index
    %get3A_16 = tpu.vector_load %arg17[%get3A_15] {strides = array<i32>} : memref<80xf32, #tpu.memory_space<vmem>>, vector<16xf32>,
    %get3A_17 = vector.shape_cast %get3A_16 : vector<16xf32> to vector<16xf32>
    %get3A_18 = arith.constant 48 : index
    %get3A_19 = tpu.vector_load %arg17[%get3A_18] {strides = array<i32>} : memref<80xf32, #tpu.memory_space<vmem>>, vector<16xf32>,
    %get3A_20 = vector.shape_cast %get3A_19 : vector<16xf32> to vector<16xf32>
    %get3A_21 = arith.constant 64 : index
    %get3A_22 = tpu.vector_load %arg17[%get3A_21] {strides = array<i32>} : memref<80xf32, #tpu.memory_space<vmem>>, vector<16xf32>,
    %get3A_23 = vector.shape_cast %get3A_22 : vector<16xf32> to vector<16xf32>
    %slice3A = vector.extract_strided_slice %get3A_23 {offsets = [0], sizes = [1], strides = [1]} : vector<16xf32> to vector<1xf32>
    %squeeze3A = vector.extract %slice3A[0] : f32 from vector<1xf32>
    %scan3A_24 = arith.constant 0 : i32
    %scan3A_25 = arith.constant 0 : i32
    %scan3A_26 = arith.constant 125 : i32
    %scan3A_27 = arith.addi %scan3A_25, %scan3A_26 : i32
    %scan3A_28 = arith.constant 1 : i32
    scf.for %scan3A_36 = %scan3A_25 to %scan3A_27 step %scan3A_28  : i32 {
      %mul3A_37 = arith.constant 80 : i32
      %mul3A_38 = arith.muli %scan3A_36, %mul3A_37 : i32
      %add3A_39 = arith.addi %mul3A_2, %mul3A_38 : i32
      "tpu.region"() ({
        %run_scoped3A = tpu.sem_alloc : memref<!tpu.dma_semaphore, #tpu.memory_space<semaphore_mem>>
        %dma_start3A_62 = tpu.memref_slice %arg2[%add3A_39] : memref<320000xi32, #tpu.memory_space<hbm>> -> memref<80xi32, #tpu.memory_space<hbm>>
        %dma_start3A_63 = tpu.memref_slice %arg2[%add3A_39] : memref<320000xi32, #tpu.memory_space<hbm>> -> memref<80xi32, #tpu.memory_space<hbm>>
        tpu.enqueue_dma source(%dma_start3A_63 : memref<80xi32, #tpu.memory_space<hbm>>) target(%arg10 : memref<80xi32, #tpu.memory_space<vmem>>) target_semaphore(%run_scoped3A : memref<!tpu.dma_semaphore, #tpu.memory_space<semaphore_mem>>)
        %dma_wait3A_64 = tpu.memref_slice %arg2[%add3A_39] : memref<320000xi32, #tpu.memory_space<hbm>> -> memref<80xi32, #tpu.memory_space<hbm>>
        %dma_wait3A_65 = tpu.memref_slice %arg2[%add3A_39] : memref<320000xi32, #tpu.memory_space<hbm>> -> memref<80xi32, #tpu.memory_space<hbm>>
        tpu.wait_dma2 semaphore(%run_scoped3A : memref<!tpu.dma_semaphore, #tpu.memory_space<semaphore_mem>>) src(%dma_wait3A_65 : memref<80xi32, #tpu.memory_space<hbm>>) dst(%arg10 : memref<80xi32, #tpu.memory_space<vmem>>)
        tpu.yield
      }) : () -> ()
      "tpu.region"() ({
        %run_scoped3A = tpu.sem_alloc : memref<!tpu.dma_semaphore, #tpu.memory_space<semaphore_mem>>
        %dma_start3A_62 = tpu.memref_slice %arg3[%add3A_39] : memref<320000xi32, #tpu.memory_space<hbm>> -> memref<80xi32, #tpu.memory_space<hbm>>
        %dma_start3A_63 = tpu.memref_slice %arg3[%add3A_39] : memref<320000xi32, #tpu.memory_space<hbm>> -> memref<80xi32, #tpu.memory_space<hbm>>
        tpu.enqueue_dma source(%dma_start3A_63 : memref<80xi32, #tpu.memory_space<hbm>>) target(%arg11 : memref<80xi32, #tpu.memory_space<vmem>>) target_semaphore(%run_scoped3A : memref<!tpu.dma_semaphore, #tpu.memory_space<semaphore_mem>>)
        %dma_wait3A_64 = tpu.memref_slice %arg3[%add3A_39] : memref<320000xi32, #tpu.memory_space<hbm>> -> memref<80xi32, #tpu.memory_space<hbm>>
        %dma_wait3A_65 = tpu.memref_slice %arg3[%add3A_39] : memref<320000xi32, #tpu.memory_space<hbm>> -> memref<80xi32, #tpu.memory_space<hbm>>
        tpu.wait_dma2 semaphore(%run_scoped3A : memref<!tpu.dma_semaphore, #tpu.memory_space<semaphore_mem>>) src(%dma_wait3A_65 : memref<80xi32, #tpu.memory_space<hbm>>) dst(%arg11 : memref<80xi32, #tpu.memory_space<vmem>>)
        tpu.yield
      }) : () -> ()
      %dma_start3A = arith.constant 0 : i32
      %dma_start3A_40 = arith.constant 0 : i32
      %dma_start3A_41 = tpu.memref_slice %arg4[%dma_start3A, %dma_start3A_40] : memref<10000x128xf32, #tpu.memory_space<hbm>> -> memref<10000x128xf32, #tpu.memory_space<hbm>>
      tpu.enqueue_indirect_dma source(%dma_start3A_41 : memref<10000x128xf32, #tpu.memory_space<hbm>>) target(%arg12 : memref<80x128xf32, #tpu.memory_space<vmem>>) offsets(%arg10 : memref<80xi32, #tpu.memory_space<vmem>>) semaphore(%arg20 : memref<!tpu.dma_semaphore, #tpu.memory_space<semaphore_mem>>)
      %dma_start3A_42 = arith.constant 0 : i32
      %dma_start3A_43 = arith.constant 0 : i32
      %dma_start3A_44 = tpu.memref_slice %arg4[%dma_start3A_42, %dma_start3A_43] : memref<10000x128xf32, #tpu.memory_space<hbm>> -> memref<10000x128xf32, #tpu.memory_space<hbm>>
      tpu.enqueue_indirect_dma source(%dma_start3A_44 : memref<10000x128xf32, #tpu.memory_space<hbm>>) target(%arg13 : memref<80x128xf32, #tpu.memory_space<vmem>>) offsets(%arg11 : memref<80xi32, #tpu.memory_space<vmem>>) semaphore(%arg20 : memref<!tpu.dma_semaphore, #tpu.memory_space<semaphore_mem>>)
      %dma_start3A_45 = arith.constant 0 : i32
      %dma_start3A_46 = arith.constant 0 : i32
      %dma_start3A_47 = tpu.memref_slice %arg5[%dma_start3A_45, %dma_start3A_46] : memref<10000x128xf32, #tpu.memory_space<hbm>> -> memref<10000x128xf32, #tpu.memory_space<hbm>>
      tpu.enqueue_indirect_dma source(%dma_start3A_47 : memref<10000x128xf32, #tpu.memory_space<hbm>>) target(%arg14 : memref<80x128xf32, #tpu.memory_space<vmem>>) offsets(%arg11 : memref<80xi32, #tpu.memory_space<vmem>>) semaphore(%arg20 : memref<!tpu.dma_semaphore, #tpu.memory_space<semaphore_mem>>)
      %dma_wait3A = arith.constant 0 : i32
      %dma_wait3A_48 = arith.constant 0 : i32
      %dma_wait3A_49 = tpu.memref_slice %arg4[%dma_wait3A, %dma_wait3A_48] : memref<10000x128xf32, #tpu.memory_space<hbm>> -> memref<10000x128xf32, #tpu.memory_space<hbm>>
      tpu.wait_indirect_dma semaphore(%arg20 : memref<!tpu.dma_semaphore, #tpu.memory_space<semaphore_mem>>) src(%dma_wait3A_49 : memref<10000x128xf32, #tpu.memory_space<hbm>>) dst(%arg12 : memref<80x128xf32, #tpu.memory_space<vmem>>)
      %dma_wait3A_50 = arith.constant 0 : i32
      %dma_wait3A_51 = arith.constant 0 : i32
      %dma_wait3A_52 = tpu.memref_slice %arg4[%dma_wait3A_50, %dma_wait3A_51] : memref<10000x128xf32, #tpu.memory_space<hbm>> -> memref<10000x128xf32, #tpu.memory_space<hbm>>
      tpu.wait_indirect_dma semaphore(%arg20 : memref<!tpu.dma_semaphore, #tpu.memory_space<semaphore_mem>>) src(%dma_wait3A_52 : memref<10000x128xf32, #tpu.memory_space<hbm>>) dst(%arg13 : memref<80x128xf32, #tpu.memory_space<vmem>>)
      %dma_wait3A_53 = arith.constant 0 : i32
      %dma_wait3A_54 = arith.constant 0 : i32
      %dma_wait3A_55 = tpu.memref_slice %arg5[%dma_wait3A_53, %dma_wait3A_54] : memref<10000x128xf32, #tpu.memory_space<hbm>> -> memref<10000x128xf32, #tpu.memory_space<hbm>>
      tpu.wait_indirect_dma semaphore(%arg20 : memref<!tpu.dma_semaphore, #tpu.memory_space<semaphore_mem>>) src(%dma_wait3A_55 : memref<10000x128xf32, #tpu.memory_space<hbm>>) dst(%arg14 : memref<80x128xf32, #tpu.memory_space<vmem>>)
      %scan3A_56 = arith.constant 0 : i32
      %scan3A_57 = arith.constant 0 : i32
      %scan3A_58 = arith.constant 40 : i32
      %scan3A_59 = arith.addi %scan3A_57, %scan3A_58 : i32
      %scan3A_60 = arith.constant 1 : i32
      scf.for %scan3A_62 = %scan3A_57 to %scan3A_59 step %scan3A_60  : i32 {
        %mul3A_63 = arith.constant 2 : i32
        %mul3A_64 = arith.muli %scan3A_62, %mul3A_63 : i32
        %add3A_65 = arith.constant 0 : i32
        %add3A_66 = arith.addi %mul3A_64, %add3A_65 : i32
        %broadcast_in_dim3A = arith.constant 0.000000e+00 : f32
        %broadcast_in_dim3A_67 = vector.broadcast %broadcast_in_dim3A : f32 to vector<16xf32>
        %get3A_68 = arith.index_cast %add3A_66 : i32 to index
        %get3A_69 = arith.constant 0 : index
        %get3A_70 = tpu.vector_load %arg12[%get3A_68, %get3A_69] {strides = array<i32>} : memref<80x128xf32, #tpu.memory_space<vmem>>, vector<1x16xf32>,
        %get3A_71 = vector.shape_cast %get3A_70 : vector<1x16xf32> to vector<16xf32>
        %get3A_72 = arith.index_cast %add3A_66 : i32 to index
        %get3A_73 = arith.constant 64 : index
        %get3A_74 = tpu.vector_load %arg13[%get3A_72, %get3A_73] {strides = array<i32>} : memref<80x128xf32, #tpu.memory_space<vmem>>, vector<1x16xf32>,
        %get3A_75 = vector.shape_cast %get3A_74 : vector<1x16xf32> to vector<16xf32>
        %add3A_76 = arith.addf %get3A_71, %get3A_75 : vector<16xf32>
        %mul3A_77 = arith.constant 2.000000e+00 : f32
        %mul3A_78 = vector.broadcast %mul3A_77 : f32 to vector<16xf32>
        %mul3A_79 = arith.mulf %add3A_76, %mul3A_78 : vector<16xf32>
        %exp3A = math.exp %mul3A_79 : vector<16xf32>
        %add3A_80 = arith.constant 1.000000e+00 : f32
        %add3A_81 = vector.broadcast %add3A_80 : f32 to vector<16xf32>
        %add3A_82 = arith.addf %exp3A, %add3A_81 : vector<16xf32>
        %div3A = arith.constant 2.000000e+00 : f32
        %div3A_83 = vector.broadcast %div3A : f32 to vector<16xf32>
        %div3A_84 = arith.divf %div3A_83, %add3A_82 : vector<16xf32>
        %sub3A = arith.constant 1.000000e+00 : f32
        %sub3A_85 = vector.broadcast %sub3A : f32 to vector<16xf32>
        %sub3A_86 = arith.subf %sub3A_85, %div3A_84 : vector<16xf32>
        %swap3A = arith.index_cast %add3A_66 : i32 to index
        %swap3A_87 = arith.constant 0 : index
        %swap3A_88 = tpu.vector_load %arg15[%swap3A, %swap3A_87] {strides = array<i32>} : memref<80x80xf32, #tpu.memory_space<vmem>>, vector<1x16xf32>,
        %swap3A_89 = vector.shape_cast %swap3A_88 : vector<1x16xf32> to vector<16xf32>
        %swap3A_90 = vector.shape_cast %sub3A_86 : vector<16xf32> to vector<1x16xf32>
        tpu.vector_store %arg15[%swap3A, %swap3A_87], %swap3A_90 {strides = array<i32>} : memref<80x80xf32, #tpu.memory_space<vmem>>, vector<1x16xf32>,
        %mul3A_91 = arith.mulf %sub3A_86, %get3A_11 : vector<16xf32>
        %add3A_92 = arith.addf %broadcast_in_dim3A_67, %mul3A_91 : vector<16xf32>
        %get3A_93 = arith.index_cast %add3A_66 : i32 to index
        %get3A_94 = arith.constant 16 : index
        %get3A_95 = tpu.vector_load %arg12[%get3A_93, %get3A_94] {strides = array<i32>} : memref<80x128xf32, #tpu.memory_space<vmem>>, vector<1x16xf32>,
        %get3A_96 = vector.shape_cast %get3A_95 : vector<1x16xf32> to vector<16xf32>
        %get3A_97 = arith.index_cast %add3A_66 : i32 to index
        %get3A_98 = arith.constant 80 : index
        %get3A_99 = tpu.vector_load %arg13[%get3A_97, %get3A_98] {strides = array<i32>} : memref<80x128xf32, #tpu.memory_space<vmem>>, vector<1x16xf32>,
        %get3A_100 = vector.shape_cast %get3A_99 : vector<1x16xf32> to vector<16xf32>
        %add3A_101 = arith.addf %get3A_96, %get3A_100 : vector<16xf32>
        %mul3A_102 = arith.constant 2.000000e+00 : f32
        %mul3A_103 = vector.broadcast %mul3A_102 : f32 to vector<16xf32>
        %mul3A_104 = arith.mulf %add3A_101, %mul3A_103 : vector<16xf32>
        %exp3A_105 = math.exp %mul3A_104 : vector<16xf32>
        %add3A_106 = arith.constant 1.000000e+00 : f32
        %add3A_107 = vector.broadcast %add3A_106 : f32 to vector<16xf32>
        %add3A_108 = arith.addf %exp3A_105, %add3A_107 : vector<16xf32>
        %div3A_109 = arith.constant 2.000000e+00 : f32
        %div3A_110 = vector.broadcast %div3A_109 : f32 to vector<16xf32>
        %div3A_111 = arith.divf %div3A_110, %add3A_108 : vector<16xf32>
        %sub3A_112 = arith.constant 1.000000e+00 : f32
        %sub3A_113 = vector.broadcast %sub3A_112 : f32 to vector<16xf32>
        %sub3A_114 = arith.subf %sub3A_113, %div3A_111 : vector<16xf32>
        %swap3A_115 = arith.index_cast %add3A_66 : i32 to index
        %swap3A_116 = arith.constant 16 : index
        %swap3A_117 = tpu.vector_load %arg15[%swap3A_115, %swap3A_116] {strides = array<i32>} : memref<80x80xf32, #tpu.memory_space<vmem>>, vector<1x16xf32>,
        %swap3A_118 = vector.shape_cast %swap3A_117 : vector<1x16xf32> to vector<16xf32>
        %swap3A_119 = vector.shape_cast %sub3A_114 : vector<16xf32> to vector<1x16xf32>
        tpu.vector_store %arg15[%swap3A_115, %swap3A_116], %swap3A_119 {strides = array<i32>} : memref<80x80xf32, #tpu.memory_space<vmem>>, vector<1x16xf32>,
        %mul3A_120 = arith.mulf %sub3A_114, %get3A_14 : vector<16xf32>
        %add3A_121 = arith.addf %add3A_92, %mul3A_120 : vector<16xf32>
        %get3A_122 = arith.index_cast %add3A_66 : i32 to index
        %get3A_123 = arith.constant 32 : index
        %get3A_124 = tpu.vector_load %arg12[%get3A_122, %get3A_123] {strides = array<i32>} : memref<80x128xf32, #tpu.memory_space<vmem>>, vector<1x16xf32>,
        %get3A_125 = vector.shape_cast %get3A_124 : vector<1x16xf32> to vector<16xf32>
        %get3A_126 = arith.index_cast %add3A_66 : i32 to index
        %get3A_127 = arith.constant 96 : index
        %get3A_128 = tpu.vector_load %arg13[%get3A_126, %get3A_127] {strides = array<i32>} : memref<80x128xf32, #tpu.memory_space<vmem>>, vector<1x16xf32>,
        %get3A_129 = vector.shape_cast %get3A_128 : vector<1x16xf32> to vector<16xf32>
        %add3A_130 = arith.addf %get3A_125, %get3A_129 : vector<16xf32>
        %mul3A_131 = arith.constant 2.000000e+00 : f32
        %mul3A_132 = vector.broadcast %mul3A_131 : f32 to vector<16xf32>
        %mul3A_133 = arith.mulf %add3A_130, %mul3A_132 : vector<16xf32>
        %exp3A_134 = math.exp %mul3A_133 : vector<16xf32>
        %add3A_135 = arith.constant 1.000000e+00 : f32
        %add3A_136 = vector.broadcast %add3A_135 : f32 to vector<16xf32>
        %add3A_137 = arith.addf %exp3A_134, %add3A_136 : vector<16xf32>
        %div3A_138 = arith.constant 2.000000e+00 : f32
        %div3A_139 = vector.broadcast %div3A_138 : f32 to vector<16xf32>
        %div3A_140 = arith.divf %div3A_139, %add3A_137 : vector<16xf32>
        %sub3A_141 = arith.constant 1.000000e+00 : f32
        %sub3A_142 = vector.broadcast %sub3A_141 : f32 to vector<16xf32>
        %sub3A_143 = arith.subf %sub3A_142, %div3A_140 : vector<16xf32>
        %swap3A_144 = arith.index_cast %add3A_66 : i32 to index
        %swap3A_145 = arith.constant 32 : index
        %swap3A_146 = tpu.vector_load %arg15[%swap3A_144, %swap3A_145] {strides = array<i32>} : memref<80x80xf32, #tpu.memory_space<vmem>>, vector<1x16xf32>,
        %swap3A_147 = vector.shape_cast %swap3A_146 : vector<1x16xf32> to vector<16xf32>
        %swap3A_148 = vector.shape_cast %sub3A_143 : vector<16xf32> to vector<1x16xf32>
        tpu.vector_store %arg15[%swap3A_144, %swap3A_145], %swap3A_148 {strides = array<i32>} : memref<80x80xf32, #tpu.memory_space<vmem>>, vector<1x16xf32>,
        %mul3A_149 = arith.mulf %sub3A_143, %get3A_17 : vector<16xf32>
        %add3A_150 = arith.addf %add3A_121, %mul3A_149 : vector<16xf32>
        %get3A_151 = arith.index_cast %add3A_66 : i32 to index
        %get3A_152 = arith.constant 48 : index
        %get3A_153 = tpu.vector_load %arg12[%get3A_151, %get3A_152] {strides = array<i32>} : memref<80x128xf32, #tpu.memory_space<vmem>>, vector<1x16xf32>,
        %get3A_154 = vector.shape_cast %get3A_153 : vector<1x16xf32> to vector<16xf32>
        %get3A_155 = arith.index_cast %add3A_66 : i32 to index
        %get3A_156 = arith.constant 112 : index
        %get3A_157 = tpu.vector_load %arg13[%get3A_155, %get3A_156] {strides = array<i32>} : memref<80x128xf32, #tpu.memory_space<vmem>>, vector<1x16xf32>,
        %get3A_158 = vector.shape_cast %get3A_157 : vector<1x16xf32> to vector<16xf32>
        %add3A_159 = arith.addf %get3A_154, %get3A_158 : vector<16xf32>
        %mul3A_160 = arith.constant 2.000000e+00 : f32
        %mul3A_161 = vector.broadcast %mul3A_160 : f32 to vector<16xf32>
        %mul3A_162 = arith.mulf %add3A_159, %mul3A_161 : vector<16xf32>
        %exp3A_163 = math.exp %mul3A_162 : vector<16xf32>
        %add3A_164 = arith.constant 1.000000e+00 : f32
        %add3A_165 = vector.broadcast %add3A_164 : f32 to vector<16xf32>
        %add3A_166 = arith.addf %exp3A_163, %add3A_165 : vector<16xf32>
        %div3A_167 = arith.constant 2.000000e+00 : f32
        %div3A_168 = vector.broadcast %div3A_167 : f32 to vector<16xf32>
        %div3A_169 = arith.divf %div3A_168, %add3A_166 : vector<16xf32>
        %sub3A_170 = arith.constant 1.000000e+00 : f32
        %sub3A_171 = vector.broadcast %sub3A_170 : f32 to vector<16xf32>
        %sub3A_172 = arith.subf %sub3A_171, %div3A_169 : vector<16xf32>
        %swap3A_173 = arith.index_cast %add3A_66 : i32 to index
        %swap3A_174 = arith.constant 48 : index
        %swap3A_175 = tpu.vector_load %arg15[%swap3A_173, %swap3A_174] {strides = array<i32>} : memref<80x80xf32, #tpu.memory_space<vmem>>, vector<1x16xf32>,
        %swap3A_176 = vector.shape_cast %swap3A_175 : vector<1x16xf32> to vector<16xf32>
        %swap3A_177 = vector.shape_cast %sub3A_172 : vector<16xf32> to vector<1x16xf32>
        tpu.vector_store %arg15[%swap3A_173, %swap3A_174], %swap3A_177 {strides = array<i32>} : memref<80x80xf32, #tpu.memory_space<vmem>>, vector<1x16xf32>,
        %mul3A_178 = arith.mulf %sub3A_172, %get3A_20 : vector<16xf32>
        %add3A_179 = arith.addf %add3A_150, %mul3A_178 : vector<16xf32>
        %iota3A = tpu.iota {dimensions = array<i32: 0>} : vector<16xi32>
        %xor3A = arith.constant 1 : i32
        %xor3A_180 = vector.broadcast %xor3A : i32 to vector<16xi32>
        %xor3A_181 = arith.xori %iota3A, %xor3A_180 : vector<16xi32>
        %reshape3A = vector.shape_cast %xor3A_181 : vector<16xi32> to vector<16x1xi32>
        %gather3A = vector.shape_cast %reshape3A : vector<16x1xi32> to vector<16xi32>
        %gather3A_182 = tpu.dynamic_gather %add3A_179[%gather3A] in [0] : vector<16xf32>, vector<16xi32> -> vector<16xf32>
        %add3A_183 = arith.addf %add3A_179, %gather3A_182 : vector<16xf32>
        %xor3A_184 = arith.constant 2 : i32
        %xor3A_185 = vector.broadcast %xor3A_184 : i32 to vector<16xi32>
        %xor3A_186 = arith.xori %iota3A, %xor3A_185 : vector<16xi32>
        %reshape3A_187 = vector.shape_cast %xor3A_186 : vector<16xi32> to vector<16x1xi32>
        %gather3A_188 = vector.shape_cast %reshape3A_187 : vector<16x1xi32> to vector<16xi32>
        %gather3A_189 = tpu.dynamic_gather %add3A_183[%gather3A_188] in [0] : vector<16xf32>, vector<16xi32> -> vector<16xf32>
        %add3A_190 = arith.addf %add3A_183, %gather3A_189 : vector<16xf32>
        %xor3A_191 = arith.constant 4 : i32
        %xor3A_192 = vector.broadcast %xor3A_191 : i32 to vector<16xi32>
        %xor3A_193 = arith.xori %iota3A, %xor3A_192 : vector<16xi32>
        %reshape3A_194 = vector.shape_cast %xor3A_193 : vector<16xi32> to vector<16x1xi32>
        %gather3A_195 = vector.shape_cast %reshape3A_194 : vector<16x1xi32> to vector<16xi32>
        %gather3A_196 = tpu.dynamic_gather %add3A_190[%gather3A_195] in [0] : vector<16xf32>, vector<16xi32> -> vector<16xf32>
        %add3A_197 = arith.addf %add3A_190, %gather3A_196 : vector<16xf32>
        %xor3A_198 = arith.constant 8 : i32
        %xor3A_199 = vector.broadcast %xor3A_198 : i32 to vector<16xi32>
        %xor3A_200 = arith.xori %iota3A, %xor3A_199 : vector<16xi32>
        %reshape3A_201 = vector.shape_cast %xor3A_200 : vector<16xi32> to vector<16x1xi32>
        %gather3A_202 = vector.shape_cast %reshape3A_201 : vector<16x1xi32> to vector<16xi32>
        %gather3A_203 = tpu.dynamic_gather %add3A_197[%gather3A_202] in [0] : vector<16xf32>, vector<16xi32> -> vector<16xf32>
        %add3A_204 = arith.addf %add3A_197, %gather3A_203 : vector<16xf32>
        %sub3A_205 = vector.broadcast %squeeze3A : f32 to vector<16xf32>
        %sub3A_206 = arith.subf %add3A_204, %sub3A_205 : vector<16xf32>
        %exp3A_207 = math.exp %sub3A_206 : vector<16xf32>
        %swap3A_208 = arith.index_cast %add3A_66 : i32 to index
        %swap3A_209 = arith.constant 64 : index
        %swap3A_210 = tpu.vector_load %arg15[%swap3A_208, %swap3A_209] {strides = array<i32>} : memref<80x80xf32, #tpu.memory_space<vmem>>, vector<1x16xf32>,
        %swap3A_211 = vector.shape_cast %swap3A_210 : vector<1x16xf32> to vector<16xf32>
        %swap3A_212 = vector.shape_cast %exp3A_207 : vector<16xf32> to vector<1x16xf32>
        tpu.vector_store %arg15[%swap3A_208, %swap3A_209], %swap3A_212 {strides = array<i32>} : memref<80x80xf32, #tpu.memory_space<vmem>>, vector<1x16xf32>,
        %get3A_213 = arith.index_cast %add3A_66 : i32 to index
        %get3A_214 = arith.constant 0 : index
        %get3A_215 = tpu.vector_load %arg14[%get3A_213, %get3A_214] {strides = array<i32>} : memref<80x128xf32, #tpu.memory_space<vmem>>, vector<1x16xf32>,
        %get3A_216 = vector.shape_cast %get3A_215 : vector<1x16xf32> to vector<16xf32>
        %mul3A_217 = arith.mulf %exp3A_207, %get3A_216 : vector<16xf32>
        %swap3A_218 = arith.index_cast %add3A_66 : i32 to index
        %swap3A_219 = arith.constant 0 : index
        %swap3A_220 = tpu.vector_load %arg14[%swap3A_218, %swap3A_219] {strides = array<i32>} : memref<80x128xf32, #tpu.memory_space<vmem>>, vector<1x16xf32>,
        %swap3A_221 = vector.shape_cast %swap3A_220 : vector<1x16xf32> to vector<16xf32>
        %swap3A_222 = vector.shape_cast %mul3A_217 : vector<16xf32> to vector<1x16xf32>
        tpu.vector_store %arg14[%swap3A_218, %swap3A_219], %swap3A_222 {strides = array<i32>} : memref<80x128xf32, #tpu.memory_space<vmem>>, vector<1x16xf32>,
        %get3A_223 = arith.index_cast %add3A_66 : i32 to index
        %get3A_224 = arith.constant 16 : index
        %get3A_225 = tpu.vector_load %arg14[%get3A_223, %get3A_224] {strides = array<i32>} : memref<80x128xf32, #tpu.memory_space<vmem>>, vector<1x16xf32>,
        %get3A_226 = vector.shape_cast %get3A_225 : vector<1x16xf32> to vector<16xf32>
        %mul3A_227 = arith.mulf %exp3A_207, %get3A_226 : vector<16xf32>
        %swap3A_228 = arith.index_cast %add3A_66 : i32 to index
        %swap3A_229 = arith.constant 16 : index
        %swap3A_230 = tpu.vector_load %arg14[%swap3A_228, %swap3A_229] {strides = array<i32>} : memref<80x128xf32, #tpu.memory_space<vmem>>, vector<1x16xf32>,
        %swap3A_231 = vector.shape_cast %swap3A_230 : vector<1x16xf32> to vector<16xf32>
        %swap3A_232 = vector.shape_cast %mul3A_227 : vector<16xf32> to vector<1x16xf32>
        tpu.vector_store %arg14[%swap3A_228, %swap3A_229], %swap3A_232 {strides = array<i32>} : memref<80x128xf32, #tpu.memory_space<vmem>>, vector<1x16xf32>,
        %get3A_233 = arith.index_cast %add3A_66 : i32 to index
        %get3A_234 = arith.constant 32 : index
        %get3A_235 = tpu.vector_load %arg14[%get3A_233, %get3A_234] {strides = array<i32>} : memref<80x128xf32, #tpu.memory_space<vmem>>, vector<1x16xf32>,
        %get3A_236 = vector.shape_cast %get3A_235 : vector<1x16xf32> to vector<16xf32>
        %mul3A_237 = arith.mulf %exp3A_207, %get3A_236 : vector<16xf32>
        %swap3A_238 = arith.index_cast %add3A_66 : i32 to index
        %swap3A_239 = arith.constant 32 : index
        %swap3A_240 = tpu.vector_load %arg14[%swap3A_238, %swap3A_239] {strides = array<i32>} : memref<80x128xf32, #tpu.memory_space<vmem>>, vector<1x16xf32>,
        %swap3A_241 = vector.shape_cast %swap3A_240 : vector<1x16xf32> to vector<16xf32>
        %swap3A_242 = vector.shape_cast %mul3A_237 : vector<16xf32> to vector<1x16xf32>
        tpu.vector_store %arg14[%swap3A_238, %swap3A_239], %swap3A_242 {strides = array<i32>} : memref<80x128xf32, #tpu.memory_space<vmem>>, vector<1x16xf32>,
        %get3A_243 = arith.index_cast %add3A_66 : i32 to index
        %get3A_244 = arith.constant 48 : index
        %get3A_245 = tpu.vector_load %arg14[%get3A_243, %get3A_244] {strides = array<i32>} : memref<80x128xf32, #tpu.memory_space<vmem>>, vector<1x16xf32>,
        %get3A_246 = vector.shape_cast %get3A_245 : vector<1x16xf32> to vector<16xf32>
        %mul3A_247 = arith.mulf %exp3A_207, %get3A_246 : vector<16xf32>
        %swap3A_248 = arith.index_cast %add3A_66 : i32 to index
        %swap3A_249 = arith.constant 48 : index
        %swap3A_250 = tpu.vector_load %arg14[%swap3A_248, %swap3A_249] {strides = array<i32>} : memref<80x128xf32, #tpu.memory_space<vmem>>, vector<1x16xf32>,
        %swap3A_251 = vector.shape_cast %swap3A_250 : vector<1x16xf32> to vector<16xf32>
        %swap3A_252 = vector.shape_cast %mul3A_247 : vector<16xf32> to vector<1x16xf32>
        tpu.vector_store %arg14[%swap3A_248, %swap3A_249], %swap3A_252 {strides = array<i32>} : memref<80x128xf32, #tpu.memory_space<vmem>>, vector<1x16xf32>,
        %get3A_253 = arith.index_cast %add3A_66 : i32 to index
        %get3A_254 = arith.constant 64 : index
        %get3A_255 = tpu.vector_load %arg14[%get3A_253, %get3A_254] {strides = array<i32>} : memref<80x128xf32, #tpu.memory_space<vmem>>, vector<1x16xf32>,
        %get3A_256 = vector.shape_cast %get3A_255 : vector<1x16xf32> to vector<16xf32>
        %mul3A_257 = arith.mulf %exp3A_207, %get3A_256 : vector<16xf32>
        %swap3A_258 = arith.index_cast %add3A_66 : i32 to index
        %swap3A_259 = arith.constant 64 : index
        %swap3A_260 = tpu.vector_load %arg14[%swap3A_258, %swap3A_259] {strides = array<i32>} : memref<80x128xf32, #tpu.memory_space<vmem>>, vector<1x16xf32>,
        %swap3A_261 = vector.shape_cast %swap3A_260 : vector<1x16xf32> to vector<16xf32>
        %swap3A_262 = vector.shape_cast %mul3A_257 : vector<16xf32> to vector<1x16xf32>
        tpu.vector_store %arg14[%swap3A_258, %swap3A_259], %swap3A_262 {strides = array<i32>} : memref<80x128xf32, #tpu.memory_space<vmem>>, vector<1x16xf32>,
        %get3A_263 = arith.index_cast %add3A_66 : i32 to index
        %get3A_264 = arith.constant 80 : index
        %get3A_265 = tpu.vector_load %arg14[%get3A_263, %get3A_264] {strides = array<i32>} : memref<80x128xf32, #tpu.memory_space<vmem>>, vector<1x16xf32>,
        %get3A_266 = vector.shape_cast %get3A_265 : vector<1x16xf32> to vector<16xf32>
        %mul3A_267 = arith.mulf %exp3A_207, %get3A_266 : vector<16xf32>
        %swap3A_268 = arith.index_cast %add3A_66 : i32 to index
        %swap3A_269 = arith.constant 80 : index
        %swap3A_270 = tpu.vector_load %arg14[%swap3A_268, %swap3A_269] {strides = array<i32>} : memref<80x128xf32, #tpu.memory_space<vmem>>, vector<1x16xf32>,
        %swap3A_271 = vector.shape_cast %swap3A_270 : vector<1x16xf32> to vector<16xf32>
        %swap3A_272 = vector.shape_cast %mul3A_267 : vector<16xf32> to vector<1x16xf32>
        tpu.vector_store %arg14[%swap3A_268, %swap3A_269], %swap3A_272 {strides = array<i32>} : memref<80x128xf32, #tpu.memory_space<vmem>>, vector<1x16xf32>,
        %get3A_273 = arith.index_cast %add3A_66 : i32 to index
        %get3A_274 = arith.constant 96 : index
        %get3A_275 = tpu.vector_load %arg14[%get3A_273, %get3A_274] {strides = array<i32>} : memref<80x128xf32, #tpu.memory_space<vmem>>, vector<1x16xf32>,
        %get3A_276 = vector.shape_cast %get3A_275 : vector<1x16xf32> to vector<16xf32>
        %mul3A_277 = arith.mulf %exp3A_207, %get3A_276 : vector<16xf32>
        %swap3A_278 = arith.index_cast %add3A_66 : i32 to index
        %swap3A_279 = arith.constant 96 : index
        %swap3A_280 = tpu.vector_load %arg14[%swap3A_278, %swap3A_279] {strides = array<i32>} : memref<80x128xf32, #tpu.memory_space<vmem>>, vector<1x16xf32>,
        %swap3A_281 = vector.shape_cast %swap3A_280 : vector<1x16xf32> to vector<16xf32>
        %swap3A_282 = vector.shape_cast %mul3A_277 : vector<16xf32> to vector<1x16xf32>
        tpu.vector_store %arg14[%swap3A_278, %swap3A_279], %swap3A_282 {strides = array<i32>} : memref<80x128xf32, #tpu.memory_space<vmem>>, vector<1x16xf32>,
        %get3A_283 = arith.index_cast %add3A_66 : i32 to index
        %get3A_284 = arith.constant 112 : index
        %get3A_285 = tpu.vector_load %arg14[%get3A_283, %get3A_284] {strides = array<i32>} : memref<80x128xf32, #tpu.memory_space<vmem>>, vector<1x16xf32>,
        %get3A_286 = vector.shape_cast %get3A_285 : vector<1x16xf32> to vector<16xf32>
        %mul3A_287 = arith.mulf %exp3A_207, %get3A_286 : vector<16xf32>
        %swap3A_288 = arith.index_cast %add3A_66 : i32 to index
        %swap3A_289 = arith.constant 112 : index
        %swap3A_290 = tpu.vector_load %arg14[%swap3A_288, %swap3A_289] {strides = array<i32>} : memref<80x128xf32, #tpu.memory_space<vmem>>, vector<1x16xf32>,
        %swap3A_291 = vector.shape_cast %swap3A_290 : vector<1x16xf32> to vector<16xf32>
        %swap3A_292 = vector.shape_cast %mul3A_287 : vector<16xf32> to vector<1x16xf32>
        tpu.vector_store %arg14[%swap3A_288, %swap3A_289], %swap3A_292 {strides = array<i32>} : memref<80x128xf32, #tpu.memory_space<vmem>>, vector<1x16xf32>,
        %mul3A_293 = arith.constant 2 : i32
        %mul3A_294 = arith.muli %scan3A_62, %mul3A_293 : i32
        %add3A_295 = arith.constant 1 : i32
        %add3A_296 = arith.addi %mul3A_294, %add3A_295 : i32
        %broadcast_in_dim3A_297 = arith.constant 0.000000e+00 : f32
        %broadcast_in_dim3A_298 = vector.broadcast %broadcast_in_dim3A_297 : f32 to vector<16xf32>
        %get3A_299 = arith.index_cast %add3A_296 : i32 to index
        %get3A_300 = arith.constant 0 : index
        %get3A_301 = tpu.vector_load %arg12[%get3A_299, %get3A_300] {strides = array<i32>} : memref<80x128xf32, #tpu.memory_space<vmem>>, vector<1x16xf32>,
        %get3A_302 = vector.shape_cast %get3A_301 : vector<1x16xf32> to vector<16xf32>
        %get3A_303 = arith.index_cast %add3A_296 : i32 to index
        %get3A_304 = arith.constant 64 : index
        %get3A_305 = tpu.vector_load %arg13[%get3A_303, %get3A_304] {strides = array<i32>} : memref<80x128xf32, #tpu.memory_space<vmem>>, vector<1x16xf32>,
        %get3A_306 = vector.shape_cast %get3A_305 : vector<1x16xf32> to vector<16xf32>
        %add3A_307 = arith.addf %get3A_302, %get3A_306 : vector<16xf32>
        %mul3A_308 = arith.constant 2.000000e+00 : f32
        %mul3A_309 = vector.broadcast %mul3A_308 : f32 to vector<16xf32>
        %mul3A_310 = arith.mulf %add3A_307, %mul3A_309 : vector<16xf32>
        %exp3A_311 = math.exp %mul3A_310 : vector<16xf32>
        %add3A_312 = arith.constant 1.000000e+00 : f32
        %add3A_313 = vector.broadcast %add3A_312 : f32 to vector<16xf32>
        %add3A_314 = arith.addf %exp3A_311, %add3A_313 : vector<16xf32>
        %div3A_315 = arith.constant 2.000000e+00 : f32
        %div3A_316 = vector.broadcast %div3A_315 : f32 to vector<16xf32>
        %div3A_317 = arith.divf %div3A_316, %add3A_314 : vector<16xf32>
        %sub3A_318 = arith.constant 1.000000e+00 : f32
        %sub3A_319 = vector.broadcast %sub3A_318 : f32 to vector<16xf32>
        %sub3A_320 = arith.subf %sub3A_319, %div3A_317 : vector<16xf32>
        %swap3A_321 = arith.index_cast %add3A_296 : i32 to index
        %swap3A_322 = arith.constant 0 : index
        %swap3A_323 = tpu.vector_load %arg15[%swap3A_321, %swap3A_322] {strides = array<i32>} : memref<80x80xf32, #tpu.memory_space<vmem>>, vector<1x16xf32>,
        %swap3A_324 = vector.shape_cast %swap3A_323 : vector<1x16xf32> to vector<16xf32>
        %swap3A_325 = vector.shape_cast %sub3A_320 : vector<16xf32> to vector<1x16xf32>
        tpu.vector_store %arg15[%swap3A_321, %swap3A_322], %swap3A_325 {strides = array<i32>} : memref<80x80xf32, #tpu.memory_space<vmem>>, vector<1x16xf32>,
        %mul3A_326 = arith.mulf %sub3A_320, %get3A_11 : vector<16xf32>
        %add3A_327 = arith.addf %broadcast_in_dim3A_298, %mul3A_326 : vector<16xf32>
        %get3A_328 = arith.index_cast %add3A_296 : i32 to index
        %get3A_329 = arith.constant 16 : index
        %get3A_330 = tpu.vector_load %arg12[%get3A_328, %get3A_329] {strides = array<i32>} : memref<80x128xf32, #tpu.memory_space<vmem>>, vector<1x16xf32>,
        %get3A_331 = vector.shape_cast %get3A_330 : vector<1x16xf32> to vector<16xf32>
        %get3A_332 = arith.index_cast %add3A_296 : i32 to index
        %get3A_333 = arith.constant 80 : index
        %get3A_334 = tpu.vector_load %arg13[%get3A_332, %get3A_333] {strides = array<i32>} : memref<80x128xf32, #tpu.memory_space<vmem>>, vector<1x16xf32>,
        %get3A_335 = vector.shape_cast %get3A_334 : vector<1x16xf32> to vector<16xf32>
        %add3A_336 = arith.addf %get3A_331, %get3A_335 : vector<16xf32>
        %mul3A_337 = arith.constant 2.000000e+00 : f32
        %mul3A_338 = vector.broadcast %mul3A_337 : f32 to vector<16xf32>
        %mul3A_339 = arith.mulf %add3A_336, %mul3A_338 : vector<16xf32>
        %exp3A_340 = math.exp %mul3A_339 : vector<16xf32>
        %add3A_341 = arith.constant 1.000000e+00 : f32
        %add3A_342 = vector.broadcast %add3A_341 : f32 to vector<16xf32>
        %add3A_343 = arith.addf %exp3A_340, %add3A_342 : vector<16xf32>
        %div3A_344 = arith.constant 2.000000e+00 : f32
        %div3A_345 = vector.broadcast %div3A_344 : f32 to vector<16xf32>
        %div3A_346 = arith.divf %div3A_345, %add3A_343 : vector<16xf32>
        %sub3A_347 = arith.constant 1.000000e+00 : f32
        %sub3A_348 = vector.broadcast %sub3A_347 : f32 to vector<16xf32>
        %sub3A_349 = arith.subf %sub3A_348, %div3A_346 : vector<16xf32>
        %swap3A_350 = arith.index_cast %add3A_296 : i32 to index
        %swap3A_351 = arith.constant 16 : index
        %swap3A_352 = tpu.vector_load %arg15[%swap3A_350, %swap3A_351] {strides = array<i32>} : memref<80x80xf32, #tpu.memory_space<vmem>>, vector<1x16xf32>,
        %swap3A_353 = vector.shape_cast %swap3A_352 : vector<1x16xf32> to vector<16xf32>
        %swap3A_354 = vector.shape_cast %sub3A_349 : vector<16xf32> to vector<1x16xf32>
        tpu.vector_store %arg15[%swap3A_350, %swap3A_351], %swap3A_354 {strides = array<i32>} : memref<80x80xf32, #tpu.memory_space<vmem>>, vector<1x16xf32>,
        %mul3A_355 = arith.mulf %sub3A_349, %get3A_14 : vector<16xf32>
        %add3A_356 = arith.addf %add3A_327, %mul3A_355 : vector<16xf32>
        %get3A_357 = arith.index_cast %add3A_296 : i32 to index
        %get3A_358 = arith.constant 32 : index
        %get3A_359 = tpu.vector_load %arg12[%get3A_357, %get3A_358] {strides = array<i32>} : memref<80x128xf32, #tpu.memory_space<vmem>>, vector<1x16xf32>,
        %get3A_360 = vector.shape_cast %get3A_359 : vector<1x16xf32> to vector<16xf32>
        %get3A_361 = arith.index_cast %add3A_296 : i32 to index
        %get3A_362 = arith.constant 96 : index
        %get3A_363 = tpu.vector_load %arg13[%get3A_361, %get3A_362] {strides = array<i32>} : memref<80x128xf32, #tpu.memory_space<vmem>>, vector<1x16xf32>,
        %get3A_364 = vector.shape_cast %get3A_363 : vector<1x16xf32> to vector<16xf32>
        %add3A_365 = arith.addf %get3A_360, %get3A_364 : vector<16xf32>
        %mul3A_366 = arith.constant 2.000000e+00 : f32
        %mul3A_367 = vector.broadcast %mul3A_366 : f32 to vector<16xf32>
        %mul3A_368 = arith.mulf %add3A_365, %mul3A_367 : vector<16xf32>
        %exp3A_369 = math.exp %mul3A_368 : vector<16xf32>
        %add3A_370 = arith.constant 1.000000e+00 : f32
        %add3A_371 = vector.broadcast %add3A_370 : f32 to vector<16xf32>
        %add3A_372 = arith.addf %exp3A_369, %add3A_371 : vector<16xf32>
        %div3A_373 = arith.constant 2.000000e+00 : f32
        %div3A_374 = vector.broadcast %div3A_373 : f32 to vector<16xf32>
        %div3A_375 = arith.divf %div3A_374, %add3A_372 : vector<16xf32>
        %sub3A_376 = arith.constant 1.000000e+00 : f32
        %sub3A_377 = vector.broadcast %sub3A_376 : f32 to vector<16xf32>
        %sub3A_378 = arith.subf %sub3A_377, %div3A_375 : vector<16xf32>
        %swap3A_379 = arith.index_cast %add3A_296 : i32 to index
        %swap3A_380 = arith.constant 32 : index
        %swap3A_381 = tpu.vector_load %arg15[%swap3A_379, %swap3A_380] {strides = array<i32>} : memref<80x80xf32, #tpu.memory_space<vmem>>, vector<1x16xf32>,
        %swap3A_382 = vector.shape_cast %swap3A_381 : vector<1x16xf32> to vector<16xf32>
        %swap3A_383 = vector.shape_cast %sub3A_378 : vector<16xf32> to vector<1x16xf32>
        tpu.vector_store %arg15[%swap3A_379, %swap3A_380], %swap3A_383 {strides = array<i32>} : memref<80x80xf32, #tpu.memory_space<vmem>>, vector<1x16xf32>,
        %mul3A_384 = arith.mulf %sub3A_378, %get3A_17 : vector<16xf32>
        %add3A_385 = arith.addf %add3A_356, %mul3A_384 : vector<16xf32>
        %get3A_386 = arith.index_cast %add3A_296 : i32 to index
        %get3A_387 = arith.constant 48 : index
        %get3A_388 = tpu.vector_load %arg12[%get3A_386, %get3A_387] {strides = array<i32>} : memref<80x128xf32, #tpu.memory_space<vmem>>, vector<1x16xf32>,
        %get3A_389 = vector.shape_cast %get3A_388 : vector<1x16xf32> to vector<16xf32>
        %get3A_390 = arith.index_cast %add3A_296 : i32 to index
        %get3A_391 = arith.constant 112 : index
        %get3A_392 = tpu.vector_load %arg13[%get3A_390, %get3A_391] {strides = array<i32>} : memref<80x128xf32, #tpu.memory_space<vmem>>, vector<1x16xf32>,
        %get3A_393 = vector.shape_cast %get3A_392 : vector<1x16xf32> to vector<16xf32>
        %add3A_394 = arith.addf %get3A_389, %get3A_393 : vector<16xf32>
        %mul3A_395 = arith.constant 2.000000e+00 : f32
        %mul3A_396 = vector.broadcast %mul3A_395 : f32 to vector<16xf32>
        %mul3A_397 = arith.mulf %add3A_394, %mul3A_396 : vector<16xf32>
        %exp3A_398 = math.exp %mul3A_397 : vector<16xf32>
        %add3A_399 = arith.constant 1.000000e+00 : f32
        %add3A_400 = vector.broadcast %add3A_399 : f32 to vector<16xf32>
        %add3A_401 = arith.addf %exp3A_398, %add3A_400 : vector<16xf32>
        %div3A_402 = arith.constant 2.000000e+00 : f32
        %div3A_403 = vector.broadcast %div3A_402 : f32 to vector<16xf32>
        %div3A_404 = arith.divf %div3A_403, %add3A_401 : vector<16xf32>
        %sub3A_405 = arith.constant 1.000000e+00 : f32
        %sub3A_406 = vector.broadcast %sub3A_405 : f32 to vector<16xf32>
        %sub3A_407 = arith.subf %sub3A_406, %div3A_404 : vector<16xf32>
        %swap3A_408 = arith.index_cast %add3A_296 : i32 to index
        %swap3A_409 = arith.constant 48 : index
        %swap3A_410 = tpu.vector_load %arg15[%swap3A_408, %swap3A_409] {strides = array<i32>} : memref<80x80xf32, #tpu.memory_space<vmem>>, vector<1x16xf32>,
        %swap3A_411 = vector.shape_cast %swap3A_410 : vector<1x16xf32> to vector<16xf32>
        %swap3A_412 = vector.shape_cast %sub3A_407 : vector<16xf32> to vector<1x16xf32>
        tpu.vector_store %arg15[%swap3A_408, %swap3A_409], %swap3A_412 {strides = array<i32>} : memref<80x80xf32, #tpu.memory_space<vmem>>, vector<1x16xf32>,
        %mul3A_413 = arith.mulf %sub3A_407, %get3A_20 : vector<16xf32>
        %add3A_414 = arith.addf %add3A_385, %mul3A_413 : vector<16xf32>
        %iota3A_415 = tpu.iota {dimensions = array<i32: 0>} : vector<16xi32>
        %xor3A_416 = arith.constant 1 : i32
        %xor3A_417 = vector.broadcast %xor3A_416 : i32 to vector<16xi32>
        %xor3A_418 = arith.xori %iota3A_415, %xor3A_417 : vector<16xi32>
        %reshape3A_419 = vector.shape_cast %xor3A_418 : vector<16xi32> to vector<16x1xi32>
        %gather3A_420 = vector.shape_cast %reshape3A_419 : vector<16x1xi32> to vector<16xi32>
        %gather3A_421 = tpu.dynamic_gather %add3A_414[%gather3A_420] in [0] : vector<16xf32>, vector<16xi32> -> vector<16xf32>
        %add3A_422 = arith.addf %add3A_414, %gather3A_421 : vector<16xf32>
        %xor3A_423 = arith.constant 2 : i32
        %xor3A_424 = vector.broadcast %xor3A_423 : i32 to vector<16xi32>
        %xor3A_425 = arith.xori %iota3A_415, %xor3A_424 : vector<16xi32>
        %reshape3A_426 = vector.shape_cast %xor3A_425 : vector<16xi32> to vector<16x1xi32>
        %gather3A_427 = vector.shape_cast %reshape3A_426 : vector<16x1xi32> to vector<16xi32>
        %gather3A_428 = tpu.dynamic_gather %add3A_422[%gather3A_427] in [0] : vector<16xf32>, vector<16xi32> -> vector<16xf32>
        %add3A_429 = arith.addf %add3A_422, %gather3A_428 : vector<16xf32>
        %xor3A_430 = arith.constant 4 : i32
        %xor3A_431 = vector.broadcast %xor3A_430 : i32 to vector<16xi32>
        %xor3A_432 = arith.xori %iota3A_415, %xor3A_431 : vector<16xi32>
        %reshape3A_433 = vector.shape_cast %xor3A_432 : vector<16xi32> to vector<16x1xi32>
        %gather3A_434 = vector.shape_cast %reshape3A_433 : vector<16x1xi32> to vector<16xi32>
        %gather3A_435 = tpu.dynamic_gather %add3A_429[%gather3A_434] in [0] : vector<16xf32>, vector<16xi32> -> vector<16xf32>
        %add3A_436 = arith.addf %add3A_429, %gather3A_435 : vector<16xf32>
        %xor3A_437 = arith.constant 8 : i32
        %xor3A_438 = vector.broadcast %xor3A_437 : i32 to vector<16xi32>
        %xor3A_439 = arith.xori %iota3A_415, %xor3A_438 : vector<16xi32>
        %reshape3A_440 = vector.shape_cast %xor3A_439 : vector<16xi32> to vector<16x1xi32>
        %gather3A_441 = vector.shape_cast %reshape3A_440 : vector<16x1xi32> to vector<16xi32>
        %gather3A_442 = tpu.dynamic_gather %add3A_436[%gather3A_441] in [0] : vector<16xf32>, vector<16xi32> -> vector<16xf32>
        %add3A_443 = arith.addf %add3A_436, %gather3A_442 : vector<16xf32>
        %sub3A_444 = vector.broadcast %squeeze3A : f32 to vector<16xf32>
        %sub3A_445 = arith.subf %add3A_443, %sub3A_444 : vector<16xf32>
        %exp3A_446 = math.exp %sub3A_445 : vector<16xf32>
        %swap3A_447 = arith.index_cast %add3A_296 : i32 to index
        %swap3A_448 = arith.constant 64 : index
        %swap3A_449 = tpu.vector_load %arg15[%swap3A_447, %swap3A_448] {strides = array<i32>} : memref<80x80xf32, #tpu.memory_space<vmem>>, vector<1x16xf32>,
        %swap3A_450 = vector.shape_cast %swap3A_449 : vector<1x16xf32> to vector<16xf32>
        %swap3A_451 = vector.shape_cast %exp3A_446 : vector<16xf32> to vector<1x16xf32>
        tpu.vector_store %arg15[%swap3A_447, %swap3A_448], %swap3A_451 {strides = array<i32>} : memref<80x80xf32, #tpu.memory_space<vmem>>, vector<1x16xf32>,
        %get3A_452 = arith.index_cast %add3A_296 : i32 to index
        %get3A_453 = arith.constant 0 : index
        %get3A_454 = tpu.vector_load %arg14[%get3A_452, %get3A_453] {strides = array<i32>} : memref<80x128xf32, #tpu.memory_space<vmem>>, vector<1x16xf32>,
        %get3A_455 = vector.shape_cast %get3A_454 : vector<1x16xf32> to vector<16xf32>
        %mul3A_456 = arith.mulf %exp3A_446, %get3A_455 : vector<16xf32>
        %swap3A_457 = arith.index_cast %add3A_296 : i32 to index
        %swap3A_458 = arith.constant 0 : index
        %swap3A_459 = tpu.vector_load %arg14[%swap3A_457, %swap3A_458] {strides = array<i32>} : memref<80x128xf32, #tpu.memory_space<vmem>>, vector<1x16xf32>,
        %swap3A_460 = vector.shape_cast %swap3A_459 : vector<1x16xf32> to vector<16xf32>
        %swap3A_461 = vector.shape_cast %mul3A_456 : vector<16xf32> to vector<1x16xf32>
        tpu.vector_store %arg14[%swap3A_457, %swap3A_458], %swap3A_461 {strides = array<i32>} : memref<80x128xf32, #tpu.memory_space<vmem>>, vector<1x16xf32>,
        %get3A_462 = arith.index_cast %add3A_296 : i32 to index
        %get3A_463 = arith.constant 16 : index
        %get3A_464 = tpu.vector_load %arg14[%get3A_462, %get3A_463] {strides = array<i32>} : memref<80x128xf32, #tpu.memory_space<vmem>>, vector<1x16xf32>,
        %get3A_465 = vector.shape_cast %get3A_464 : vector<1x16xf32> to vector<16xf32>
        %mul3A_466 = arith.mulf %exp3A_446, %get3A_465 : vector<16xf32>
        %swap3A_467 = arith.index_cast %add3A_296 : i32 to index
        %swap3A_468 = arith.constant 16 : index
        %swap3A_469 = tpu.vector_load %arg14[%swap3A_467, %swap3A_468] {strides = array<i32>} : memref<80x128xf32, #tpu.memory_space<vmem>>, vector<1x16xf32>,
        %swap3A_470 = vector.shape_cast %swap3A_469 : vector<1x16xf32> to vector<16xf32>
        %swap3A_471 = vector.shape_cast %mul3A_466 : vector<16xf32> to vector<1x16xf32>
        tpu.vector_store %arg14[%swap3A_467, %swap3A_468], %swap3A_471 {strides = array<i32>} : memref<80x128xf32, #tpu.memory_space<vmem>>, vector<1x16xf32>,
        %get3A_472 = arith.index_cast %add3A_296 : i32 to index
        %get3A_473 = arith.constant 32 : index
        %get3A_474 = tpu.vector_load %arg14[%get3A_472, %get3A_473] {strides = array<i32>} : memref<80x128xf32, #tpu.memory_space<vmem>>, vector<1x16xf32>,
        %get3A_475 = vector.shape_cast %get3A_474 : vector<1x16xf32> to vector<16xf32>
        %mul3A_476 = arith.mulf %exp3A_446, %get3A_475 : vector<16xf32>
        %swap3A_477 = arith.index_cast %add3A_296 : i32 to index
        %swap3A_478 = arith.constant 32 : index
        %swap3A_479 = tpu.vector_load %arg14[%swap3A_477, %swap3A_478] {strides = array<i32>} : memref<80x128xf32, #tpu.memory_space<vmem>>, vector<1x16xf32>,
        %swap3A_480 = vector.shape_cast %swap3A_479 : vector<1x16xf32> to vector<16xf32>
        %swap3A_481 = vector.shape_cast %mul3A_476 : vector<16xf32> to vector<1x16xf32>
        tpu.vector_store %arg14[%swap3A_477, %swap3A_478], %swap3A_481 {strides = array<i32>} : memref<80x128xf32, #tpu.memory_space<vmem>>, vector<1x16xf32>,
        %get3A_482 = arith.index_cast %add3A_296 : i32 to index
        %get3A_483 = arith.constant 48 : index
        %get3A_484 = tpu.vector_load %arg14[%get3A_482, %get3A_483] {strides = array<i32>} : memref<80x128xf32, #tpu.memory_space<vmem>>, vector<1x16xf32>,
        %get3A_485 = vector.shape_cast %get3A_484 : vector<1x16xf32> to vector<16xf32>
        %mul3A_486 = arith.mulf %exp3A_446, %get3A_485 : vector<16xf32>
        %swap3A_487 = arith.index_cast %add3A_296 : i32 to index
        %swap3A_488 = arith.constant 48 : index
        %swap3A_489 = tpu.vector_load %arg14[%swap3A_487, %swap3A_488] {strides = array<i32>} : memref<80x128xf32, #tpu.memory_space<vmem>>, vector<1x16xf32>,
        %swap3A_490 = vector.shape_cast %swap3A_489 : vector<1x16xf32> to vector<16xf32>
        %swap3A_491 = vector.shape_cast %mul3A_486 : vector<16xf32> to vector<1x16xf32>
        tpu.vector_store %arg14[%swap3A_487, %swap3A_488], %swap3A_491 {strides = array<i32>} : memref<80x128xf32, #tpu.memory_space<vmem>>, vector<1x16xf32>,
        %get3A_492 = arith.index_cast %add3A_296 : i32 to index
        %get3A_493 = arith.constant 64 : index
        %get3A_494 = tpu.vector_load %arg14[%get3A_492, %get3A_493] {strides = array<i32>} : memref<80x128xf32, #tpu.memory_space<vmem>>, vector<1x16xf32>,
        %get3A_495 = vector.shape_cast %get3A_494 : vector<1x16xf32> to vector<16xf32>
        %mul3A_496 = arith.mulf %exp3A_446, %get3A_495 : vector<16xf32>
        %swap3A_497 = arith.index_cast %add3A_296 : i32 to index
        %swap3A_498 = arith.constant 64 : index
        %swap3A_499 = tpu.vector_load %arg14[%swap3A_497, %swap3A_498] {strides = array<i32>} : memref<80x128xf32, #tpu.memory_space<vmem>>, vector<1x16xf32>,
        %swap3A_500 = vector.shape_cast %swap3A_499 : vector<1x16xf32> to vector<16xf32>
        %swap3A_501 = vector.shape_cast %mul3A_496 : vector<16xf32> to vector<1x16xf32>
        tpu.vector_store %arg14[%swap3A_497, %swap3A_498], %swap3A_501 {strides = array<i32>} : memref<80x128xf32, #tpu.memory_space<vmem>>, vector<1x16xf32>,
        %get3A_502 = arith.index_cast %add3A_296 : i32 to index
        %get3A_503 = arith.constant 80 : index
        %get3A_504 = tpu.vector_load %arg14[%get3A_502, %get3A_503] {strides = array<i32>} : memref<80x128xf32, #tpu.memory_space<vmem>>, vector<1x16xf32>,
        %get3A_505 = vector.shape_cast %get3A_504 : vector<1x16xf32> to vector<16xf32>
        %mul3A_506 = arith.mulf %exp3A_446, %get3A_505 : vector<16xf32>
        %swap3A_507 = arith.index_cast %add3A_296 : i32 to index
        %swap3A_508 = arith.constant 80 : index
        %swap3A_509 = tpu.vector_load %arg14[%swap3A_507, %swap3A_508] {strides = array<i32>} : memref<80x128xf32, #tpu.memory_space<vmem>>, vector<1x16xf32>,
        %swap3A_510 = vector.shape_cast %swap3A_509 : vector<1x16xf32> to vector<16xf32>
        %swap3A_511 = vector.shape_cast %mul3A_506 : vector<16xf32> to vector<1x16xf32>
        tpu.vector_store %arg14[%swap3A_507, %swap3A_508], %swap3A_511 {strides = array<i32>} : memref<80x128xf32, #tpu.memory_space<vmem>>, vector<1x16xf32>,
        %get3A_512 = arith.index_cast %add3A_296 : i32 to index
        %get3A_513 = arith.constant 96 : index
        %get3A_514 = tpu.vector_load %arg14[%get3A_512, %get3A_513] {strides = array<i32>} : memref<80x128xf32, #tpu.memory_space<vmem>>, vector<1x16xf32>,
        %get3A_515 = vector.shape_cast %get3A_514 : vector<1x16xf32> to vector<16xf32>
        %mul3A_516 = arith.mulf %exp3A_446, %get3A_515 : vector<16xf32>
        %swap3A_517 = arith.index_cast %add3A_296 : i32 to index
        %swap3A_518 = arith.constant 96 : index
        %swap3A_519 = tpu.vector_load %arg14[%swap3A_517, %swap3A_518] {strides = array<i32>} : memref<80x128xf32, #tpu.memory_space<vmem>>, vector<1x16xf32>,
        %swap3A_520 = vector.shape_cast %swap3A_519 : vector<1x16xf32> to vector<16xf32>
        %swap3A_521 = vector.shape_cast %mul3A_516 : vector<16xf32> to vector<1x16xf32>
        tpu.vector_store %arg14[%swap3A_517, %swap3A_518], %swap3A_521 {strides = array<i32>} : memref<80x128xf32, #tpu.memory_space<vmem>>, vector<1x16xf32>,
        %get3A_522 = arith.index_cast %add3A_296 : i32 to index
        %get3A_523 = arith.constant 112 : index
        %get3A_524 = tpu.vector_load %arg14[%get3A_522, %get3A_523] {strides = array<i32>} : memref<80x128xf32, #tpu.memory_space<vmem>>, vector<1x16xf32>,
        %get3A_525 = vector.shape_cast %get3A_524 : vector<1x16xf32> to vector<16xf32>
        %mul3A_526 = arith.mulf %exp3A_446, %get3A_525 : vector<16xf32>
        %swap3A_527 = arith.index_cast %add3A_296 : i32 to index
        %swap3A_528 = arith.constant 112 : index
        %swap3A_529 = tpu.vector_load %arg14[%swap3A_527, %swap3A_528] {strides = array<i32>} : memref<80x128xf32, #tpu.memory_space<vmem>>, vector<1x16xf32>,
        %swap3A_530 = vector.shape_cast %swap3A_529 : vector<1x16xf32> to vector<16xf32>
        %swap3A_531 = vector.shape_cast %mul3A_526 : vector<16xf32> to vector<1x16xf32>
        tpu.vector_store %arg14[%swap3A_527, %swap3A_528], %swap3A_531 {strides = array<i32>} : memref<80x128xf32, #tpu.memory_space<vmem>>, vector<1x16xf32>,
      }
      %scan3A_61 = arith.constant 40 : i32
      "tpu.region"() ({
        %run_scoped3A = tpu.sem_alloc : memref<!tpu.dma_semaphore, #tpu.memory_space<semaphore_mem>>
        %dma_start3A_62 = arith.constant 0 : i32
        %dma_start3A_63 = arith.constant 0 : i32
        %dma_start3A_64 = tpu.memref_slice %arg19[%dma_start3A_62, %dma_start3A_63] : memref<10000x128xf32, #tpu.memory_space<vmem_shared>> -> memref<10000x128xf32, #tpu.memory_space<vmem_shared>>
        tpu.enqueue_indirect_dma source(%arg14 : memref<80x128xf32, #tpu.memory_space<vmem>>) target(%dma_start3A_64 : memref<10000x128xf32, #tpu.memory_space<vmem_shared>>) offsets(%arg10 : memref<80xi32, #tpu.memory_space<vmem>>) semaphore(%run_scoped3A : memref<!tpu.dma_semaphore, #tpu.memory_space<semaphore_mem>>) {add = true}
        %dma_wait3A_65 = arith.constant 0 : i32
        %dma_wait3A_66 = arith.constant 0 : i32
        %dma_wait3A_67 = tpu.memref_slice %arg19[%dma_wait3A_65, %dma_wait3A_66] : memref<10000x128xf32, #tpu.memory_space<vmem_shared>> -> memref<10000x128xf32, #tpu.memory_space<vmem_shared>>
        tpu.wait_indirect_dma semaphore(%run_scoped3A : memref<!tpu.dma_semaphore, #tpu.memory_space<semaphore_mem>>) src(%arg14 : memref<80x128xf32, #tpu.memory_space<vmem>>) dst(%dma_wait3A_67 : memref<10000x128xf32, #tpu.memory_space<vmem_shared>>)
        tpu.yield
      }) : () -> ()
      "tpu.region"() ({
        %run_scoped3A = tpu.sem_alloc : memref<!tpu.dma_semaphore, #tpu.memory_space<semaphore_mem>>
        %dma_start3A_62 = arith.constant 0 : i32
        %dma_start3A_63 = tpu.memref_slice %arg9[%add3A_39, %dma_start3A_62] : memref<320000x80xf32, #tpu.memory_space<hbm>> -> memref<80x80xf32, #tpu.memory_space<hbm>>
        %dma_start3A_64 = arith.constant 0 : i32
        %dma_start3A_65 = tpu.memref_slice %arg9[%add3A_39, %dma_start3A_64] : memref<320000x80xf32, #tpu.memory_space<hbm>> -> memref<80x80xf32, #tpu.memory_space<hbm>>
        tpu.enqueue_dma source(%arg15 : memref<80x80xf32, #tpu.memory_space<vmem>>) target(%dma_start3A_65 : memref<80x80xf32, #tpu.memory_space<hbm>>) target_semaphore(%run_scoped3A : memref<!tpu.dma_semaphore, #tpu.memory_space<semaphore_mem>>)
        %dma_wait3A_66 = arith.constant 0 : i32
        %dma_wait3A_67 = tpu.memref_slice %arg9[%add3A_39, %dma_wait3A_66] : memref<320000x80xf32, #tpu.memory_space<hbm>> -> memref<80x80xf32, #tpu.memory_space<hbm>>
        %dma_wait3A_68 = arith.constant 0 : i32
        %dma_wait3A_69 = tpu.memref_slice %arg9[%add3A_39, %dma_wait3A_68] : memref<320000x80xf32, #tpu.memory_space<hbm>> -> memref<80x80xf32, #tpu.memory_space<hbm>>
        tpu.wait_dma2 semaphore(%run_scoped3A : memref<!tpu.dma_semaphore, #tpu.memory_space<semaphore_mem>>) src(%arg15 : memref<80x80xf32, #tpu.memory_space<vmem>>) dst(%dma_wait3A_69 : memref<80x80xf32, #tpu.memory_space<hbm>>)
        tpu.yield
      }) : () -> ()
    }
    %scan3A_29 = arith.constant 125 : i32
    %barrier3A_30 = arith.constant 0 : index
    tpu.barrier barrier_id(%barrier3A_30)
    %lt3A_31 = arith.constant 10 : i32
    %lt3A_32 = arith.cmpi slt, %arg1, %lt3A_31 : i32
    %convert_element_type3A_33 = arith.extui %lt3A_32 : i1 to i32
    %cond3A_34 = arith.constant 0 : i32
    %cond3A_35 = arith.cmpi ne, %convert_element_type3A_33, %cond3A_34 : i32
    scf.if %cond3A_35 {
      %scan3A_36 = arith.constant 0 : i32
      %scan3A_37 = arith.constant 0 : i32
      %scan3A_38 = arith.constant 25 : i32
      %scan3A_39 = arith.addi %scan3A_37, %scan3A_38 : i32
      %scan3A_40 = arith.constant 1 : i32
      scf.for %scan3A_42 = %scan3A_37 to %scan3A_39 step %scan3A_40  : i32 {
        %mul3A_43 = arith.constant 1000 : i32
        %mul3A_44 = arith.muli %arg1, %mul3A_43 : i32
        %mul3A_45 = arith.constant 40 : i32
        %mul3A_46 = arith.muli %scan3A_42, %mul3A_45 : i32
        %add3A_47 = arith.addi %mul3A_44, %mul3A_46 : i32
        "tpu.region"() ({
          %run_scoped3A = tpu.sem_alloc : memref<!tpu.dma_semaphore, #tpu.memory_space<semaphore_mem>>
          %dma_start3A = arith.constant 0 : i32
          %dma_start3A_51 = tpu.memref_slice %arg19[%add3A_47, %dma_start3A] : memref<10000x128xf32, #tpu.memory_space<vmem_shared>> -> memref<40x128xf32, #tpu.memory_space<vmem_shared>>
          %dma_start3A_52 = arith.constant 0 : i32
          %dma_start3A_53 = tpu.memref_slice %arg19[%add3A_47, %dma_start3A_52] : memref<10000x128xf32, #tpu.memory_space<vmem_shared>> -> memref<40x128xf32, #tpu.memory_space<vmem_shared>>
          tpu.enqueue_dma source(%dma_start3A_53 : memref<40x128xf32, #tpu.memory_space<vmem_shared>>) target(%arg16 : memref<40x128xf32, #tpu.memory_space<vmem>>) target_semaphore(%run_scoped3A : memref<!tpu.dma_semaphore, #tpu.memory_space<semaphore_mem>>)
          %dma_wait3A = arith.constant 0 : i32
          %dma_wait3A_54 = tpu.memref_slice %arg19[%add3A_47, %dma_wait3A] : memref<10000x128xf32, #tpu.memory_space<vmem_shared>> -> memref<40x128xf32, #tpu.memory_space<vmem_shared>>
          %dma_wait3A_55 = arith.constant 0 : i32
          %dma_wait3A_56 = tpu.memref_slice %arg19[%add3A_47, %dma_wait3A_55] : memref<10000x128xf32, #tpu.memory_space<vmem_shared>> -> memref<40x128xf32, #tpu.memory_space<vmem_shared>>
          tpu.wait_dma2 semaphore(%run_scoped3A : memref<!tpu.dma_semaphore, #tpu.memory_space<semaphore_mem>>) src(%dma_wait3A_56 : memref<40x128xf32, #tpu.memory_space<vmem_shared>>) dst(%arg16 : memref<40x128xf32, #tpu.memory_space<vmem>>)
          tpu.yield
        }) : () -> ()
        %mul3A_48 = arith.constant 10000 : i32
        %mul3A_49 = arith.muli %arg0, %mul3A_48 : i32
        %add3A_50 = arith.addi %mul3A_49, %add3A_47 : i32
        "tpu.region"() ({
          %run_scoped3A = tpu.sem_alloc : memref<!tpu.dma_semaphore, #tpu.memory_space<semaphore_mem>>
          %dma_start3A = arith.constant 0 : i32
          %dma_start3A_51 = tpu.memref_slice %arg8[%add3A_50, %dma_start3A] : memref<20000x128xf32, #tpu.memory_space<hbm>> -> memref<40x128xf32, #tpu.memory_space<hbm>>
          %dma_start3A_52 = arith.constant 0 : i32
          %dma_start3A_53 = tpu.memref_slice %arg8[%add3A_50, %dma_start3A_52] : memref<20000x128xf32, #tpu.memory_space<hbm>> -> memref<40x128xf32, #tpu.memory_space<hbm>>
          tpu.enqueue_dma source(%arg16 : memref<40x128xf32, #tpu.memory_space<vmem>>) target(%dma_start3A_53 : memref<40x128xf32, #tpu.memory_space<hbm>>) target_semaphore(%run_scoped3A : memref<!tpu.dma_semaphore, #tpu.memory_space<semaphore_mem>>)
          %dma_wait3A = arith.constant 0 : i32
          %dma_wait3A_54 = tpu.memref_slice %arg8[%add3A_50, %dma_wait3A] : memref<20000x128xf32, #tpu.memory_space<hbm>> -> memref<40x128xf32, #tpu.memory_space<hbm>>
          %dma_wait3A_55 = arith.constant 0 : i32
          %dma_wait3A_56 = tpu.memref_slice %arg8[%add3A_50, %dma_wait3A_55] : memref<20000x128xf32, #tpu.memory_space<hbm>> -> memref<40x128xf32, #tpu.memory_space<hbm>>
          tpu.wait_dma2 semaphore(%run_scoped3A : memref<!tpu.dma_semaphore, #tpu.memory_space<semaphore_mem>>) src(%arg16 : memref<40x128xf32, #tpu.memory_space<vmem>>) dst(%dma_wait3A_56 : memref<40x128xf32, #tpu.memory_space<hbm>>)
          tpu.yield
        }) : () -> ()
      }
      %scan3A_41 = arith.constant 25 : i32
    } else {
    }
    return
  }
}

module attributes {stable_mosaic.version = 14 : i64} {
  func.func @_stage_a_body(%arg0: memref<10000x128xf32, #tpu.memory_space<vmem>>, %arg1: memref<1x10000xi32, #tpu.memory_space<vmem>>, %arg2: memref<10000x1xi32, #tpu.memory_space<vmem>>, %arg3: memref<1x128xf32, #tpu.memory_space<vmem>>, %arg4: memref<128x128xf32, #tpu.memory_space<vmem>>, %arg5: memref<1x128xf32, #tpu.memory_space<vmem>>, %arg6: memref<1x128xf32, #tpu.memory_space<vmem>>, %arg7: memref<1x128xf32, #tpu.memory_space<vmem>>, %arg8: memref<128x128xf32, #tpu.memory_space<vmem>>, %arg9: memref<1x128xf32, #tpu.memory_space<vmem>>, %arg10: memref<10000x128xf32, #tpu.memory_space<vmem>>, %arg11: memref<10000x128xf32, #tpu.memory_space<vmem>>, %arg12: memref<10000x128xf32, #tpu.memory_space<vmem>>) attributes {dimension_semantics = [], scalar_prefetch = 0 : i64, scratch_operands = 0 : i64, tpu.core_type = #tpu.core_type<tc>} {
    %get3A = arith.constant 0 : index
    %get3A_0 = arith.constant 0 : index
    %get3A_1 = vector.load %arg0[%get3A, %get3A_0] : memref<10000x128xf32, #tpu.memory_space<vmem>>, vector<10000x128xf32>
    %iota3A = tpu.iota {dimensions = array<i32: 0>} : vector<64x10000xi32>
    %get3A_2 = arith.constant 0 : index
    %get3A_3 = arith.constant 0 : index
    %get3A_4 = vector.load %arg1[%get3A_2, %get3A_3] : memref<1x10000xi32, #tpu.memory_space<vmem>>, vector<1x10000xi32>
    %eq3A = vector.broadcast %get3A_4 : vector<1x10000xi32> to vector<64x10000xi32>
    %eq3A_5 = arith.cmpi eq, %eq3A, %iota3A : vector<64x10000xi32>
    %convert_element_type3A = arith.extui %eq3A_5 : vector<64x10000xi1> to vector<64x10000xi32>
    %convert_element_type3A_6 = arith.sitofp %convert_element_type3A : vector<64x10000xi32> to vector<64x10000xf32>
    %iota3A_7 = tpu.iota {dimensions = array<i32: 1>} : vector<10000x64xi32>
    %get3A_8 = arith.constant 0 : index
    %get3A_9 = arith.constant 0 : index
    %get3A_10 = vector.load %arg2[%get3A_8, %get3A_9] : memref<10000x1xi32, #tpu.memory_space<vmem>>, vector<10000x1xi32>
    %eq3A_11 = vector.broadcast %get3A_10 : vector<10000x1xi32> to vector<10000x64xi32>
    %eq3A_12 = arith.cmpi eq, %eq3A_11, %iota3A_7 : vector<10000x64xi32>
    %convert_element_type3A_13 = arith.extui %eq3A_12 : vector<10000x64xi1> to vector<10000x64xi32>
    %convert_element_type3A_14 = arith.sitofp %convert_element_type3A_13 : vector<10000x64xi32> to vector<10000x64xf32>
    %dot_general3A = arith.constant dense<0.000000e+00> : vector<64x128xf32>
    %dot_general3A_15 = tpu.matmul %convert_element_type3A_6, %get3A_1, %dot_general3A {dimension_numbers = #tpu.dot_dimension_numbers<[1], [0], [0], [1], [0, 0, 1, 1], [], []>, transpose_lhs_hint = false} : vector<64x10000xf32>, vector<10000x128xf32>, vector<64x128xf32> -> vector<64x128xf32>
    %reduce_sum3A = arith.constant dense<0.000000e+00> : vector<64xf32>
    %reduce_sum3A_16 = vector.multi_reduction <add>, %convert_element_type3A_6, %reduce_sum3A [1] : vector<64x10000xf32> to vector<64xf32>
    %broadcast_in_dim3A = vector.shape_cast %reduce_sum3A_16 : vector<64xf32> to vector<64x1xf32>
    %max3A = arith.constant 1.000000e+00 : f32
    %max3A_17 = vector.broadcast %max3A : f32 to vector<64x1xf32>
    %max3A_18 = arith.maximumf %broadcast_in_dim3A, %max3A_17 : vector<64x1xf32>
    %get3A_19 = arith.constant 0 : index
    %get3A_20 = arith.constant 0 : index
    %get3A_21 = vector.load %arg3[%get3A_19, %get3A_20] : memref<1x128xf32, #tpu.memory_space<vmem>>, vector<1x128xf32>
    %div3A = vector.broadcast %max3A_18 : vector<64x1xf32> to vector<64x128xf32>
    %div3A_22 = arith.divf %dot_general3A_15, %div3A : vector<64x128xf32>
    %add3A = vector.broadcast %get3A_21 : vector<1x128xf32> to vector<64x128xf32>
    %add3A_23 = arith.addf %add3A, %div3A_22 : vector<64x128xf32>
    %get3A_24 = arith.constant 0 : index
    %get3A_25 = arith.constant 0 : index
    %get3A_26 = vector.load %arg4[%get3A_24, %get3A_25] : memref<128x128xf32, #tpu.memory_space<vmem>>, vector<128x128xf32>
    %dot_general3A_27 = arith.constant dense<0.000000e+00> : vector<64x128xf32>
    %dot_general3A_28 = tpu.matmul %add3A_23, %get3A_26, %dot_general3A_27 {dimension_numbers = #tpu.dot_dimension_numbers<[1], [1], [0], [0], [0, 0, 1, 0], [], []>, transpose_lhs_hint = false} : vector<64x128xf32>, vector<128x128xf32>, vector<64x128xf32> -> vector<64x128xf32>
    %get3A_29 = arith.constant 0 : index
    %get3A_30 = arith.constant 0 : index
    %get3A_31 = vector.load %arg5[%get3A_29, %get3A_30] : memref<1x128xf32, #tpu.memory_space<vmem>>, vector<1x128xf32>
    %add3A_32 = vector.broadcast %get3A_31 : vector<1x128xf32> to vector<64x128xf32>
    %add3A_33 = arith.addf %dot_general3A_28, %add3A_32 : vector<64x128xf32>
    %dot_general3A_34 = arith.constant dense<0.000000e+00> : vector<10000x128xf32>
    %dot_general3A_35 = tpu.matmul %convert_element_type3A_14, %add3A_33, %dot_general3A_34 {dimension_numbers = #tpu.dot_dimension_numbers<[1], [0], [0], [1], [0, 0, 1, 1], [], []>, transpose_lhs_hint = false} : vector<10000x64xf32>, vector<64x128xf32>, vector<10000x128xf32> -> vector<10000x128xf32>
    %add3A_36 = arith.addf %get3A_1, %dot_general3A_35 : vector<10000x128xf32>
    %get3A_37 = arith.constant 0 : index
    %get3A_38 = arith.constant 0 : index
    %get3A_39 = vector.load %arg6[%get3A_37, %get3A_38] : memref<1x128xf32, #tpu.memory_space<vmem>>, vector<1x128xf32>
    %get3A_40 = arith.constant 0 : index
    %get3A_41 = arith.constant 0 : index
    %get3A_42 = vector.load %arg7[%get3A_40, %get3A_41] : memref<1x128xf32, #tpu.memory_space<vmem>>, vector<1x128xf32>
    %reduce_sum3A_43 = arith.constant dense<0.000000e+00> : vector<10000xf32>
    %reduce_sum3A_44 = vector.multi_reduction <add>, %add3A_36, %reduce_sum3A_43 [1] : vector<10000x128xf32> to vector<10000xf32>
    %broadcast_in_dim3A_45 = vector.shape_cast %reduce_sum3A_44 : vector<10000xf32> to vector<10000x1xf32>
    %div3A_46 = arith.constant 1.280000e+02 : f32
    %div3A_47 = vector.broadcast %div3A_46 : f32 to vector<10000x1xf32>
    %div3A_48 = arith.divf %broadcast_in_dim3A_45, %div3A_47 : vector<10000x1xf32>
    %sub3A = vector.broadcast %div3A_48 : vector<10000x1xf32> to vector<10000x128xf32>
    %sub3A_49 = arith.subf %add3A_36, %sub3A : vector<10000x128xf32>
    %integer_pow3A = arith.mulf %sub3A_49, %sub3A_49 : vector<10000x128xf32>
    %reduce_sum3A_50 = arith.constant dense<0.000000e+00> : vector<10000xf32>
    %reduce_sum3A_51 = vector.multi_reduction <add>, %integer_pow3A, %reduce_sum3A_50 [1] : vector<10000x128xf32> to vector<10000xf32>
    %broadcast_in_dim3A_52 = vector.shape_cast %reduce_sum3A_51 : vector<10000xf32> to vector<10000x1xf32>
    %div3A_53 = arith.constant 1.280000e+02 : f32
    %div3A_54 = vector.broadcast %div3A_53 : f32 to vector<10000x1xf32>
    %div3A_55 = arith.divf %broadcast_in_dim3A_52, %div3A_54 : vector<10000x1xf32>
    %sub3A_56 = vector.broadcast %div3A_48 : vector<10000x1xf32> to vector<10000x128xf32>
    %sub3A_57 = arith.subf %add3A_36, %sub3A_56 : vector<10000x128xf32>
    %add3A_58 = arith.constant 9.99999974E-6 : f32
    %add3A_59 = vector.broadcast %add3A_58 : f32 to vector<10000x1xf32>
    %add3A_60 = arith.addf %div3A_55, %add3A_59 : vector<10000x1xf32>
    %rsqrt3A = math.rsqrt %add3A_60 : vector<10000x1xf32>
    %mul3A = vector.broadcast %rsqrt3A : vector<10000x1xf32> to vector<10000x128xf32>
    %mul3A_61 = arith.mulf %sub3A_57, %mul3A : vector<10000x128xf32>
    %mul3A_62 = vector.broadcast %get3A_39 : vector<1x128xf32> to vector<10000x128xf32>
    %mul3A_63 = arith.mulf %mul3A_61, %mul3A_62 : vector<10000x128xf32>
    %add3A_64 = vector.broadcast %get3A_42 : vector<1x128xf32> to vector<10000x128xf32>
    %add3A_65 = arith.addf %mul3A_63, %add3A_64 : vector<10000x128xf32>
    %swap3A = arith.constant 0 : index
    %swap3A_66 = arith.constant 0 : index
    %swap3A_67 = vector.load %arg10[%swap3A, %swap3A_66] : memref<10000x128xf32, #tpu.memory_space<vmem>>, vector<10000x128xf32>
    tpu.vector_store %arg10[%swap3A, %swap3A_66], %add3A_36 {strides = array<i32>} : memref<10000x128xf32, #tpu.memory_space<vmem>>, vector<10000x128xf32>,
    %swap3A_68 = arith.constant 0 : index
    %swap3A_69 = arith.constant 0 : index
    %swap3A_70 = vector.load %arg11[%swap3A_68, %swap3A_69] : memref<10000x128xf32, #tpu.memory_space<vmem>>, vector<10000x128xf32>
    tpu.vector_store %arg11[%swap3A_68, %swap3A_69], %add3A_65 {strides = array<i32>} : memref<10000x128xf32, #tpu.memory_space<vmem>>, vector<10000x128xf32>,
    %get3A_71 = arith.constant 0 : index
    %get3A_72 = arith.constant 0 : index
    %get3A_73 = vector.load %arg8[%get3A_71, %get3A_72] : memref<128x128xf32, #tpu.memory_space<vmem>>, vector<128x128xf32>
    %dot_general3A_74 = arith.constant dense<0.000000e+00> : vector<10000x128xf32>
    %dot_general3A_75 = tpu.matmul %add3A_65, %get3A_73, %dot_general3A_74 {dimension_numbers = #tpu.dot_dimension_numbers<[1], [1], [0], [0], [0, 0, 1, 0], [], []>, transpose_lhs_hint = false} : vector<10000x128xf32>, vector<128x128xf32>, vector<10000x128xf32> -> vector<10000x128xf32>
    %get3A_76 = arith.constant 0 : index
    %get3A_77 = arith.constant 0 : index
    %get3A_78 = vector.load %arg9[%get3A_76, %get3A_77] : memref<1x128xf32, #tpu.memory_space<vmem>>, vector<1x128xf32>
    %add3A_79 = vector.broadcast %get3A_78 : vector<1x128xf32> to vector<10000x128xf32>
    %add3A_80 = arith.addf %dot_general3A_75, %add3A_79 : vector<10000x128xf32>
    %swap3A_81 = arith.constant 0 : index
    %swap3A_82 = arith.constant 0 : index
    %swap3A_83 = vector.load %arg12[%swap3A_81, %swap3A_82] : memref<10000x128xf32, #tpu.memory_space<vmem>>, vector<10000x128xf32>
    tpu.vector_store %arg12[%swap3A_81, %swap3A_82], %add3A_80 {strides = array<i32>} : memref<10000x128xf32, #tpu.memory_space<vmem>>, vector<10000x128xf32>,
    return
  }
}

module attributes {stable_mosaic.version = 14 : i64} {
  func.func @_stage_b_body(%arg0: memref<10000x128xf32, #tpu.memory_space<vmem>>, %arg1: memref<10000x128xf32, #tpu.memory_space<vmem>>, %arg2: memref<10000x128xf32, #tpu.memory_space<vmem>>, %arg3: memref<10000x128xf32, #tpu.memory_space<vmem>>, %arg4: memref<1x1xf32, #tpu.memory_space<vmem>>, %arg5: memref<128x128xf32, #tpu.memory_space<vmem>>, %arg6: memref<1x128xf32, #tpu.memory_space<vmem>>, %arg7: memref<1x128xf32, #tpu.memory_space<vmem>>, %arg8: memref<1x128xf32, #tpu.memory_space<vmem>>, %arg9: memref<64x128xf32, #tpu.memory_space<vmem>>, %arg10: memref<64x128xf32, #tpu.memory_space<vmem>>, %arg11: memref<128x128xf32, #tpu.memory_space<vmem>>, %arg12: memref<1x128xf32, #tpu.memory_space<vmem>>, %arg13: memref<1x64xf32, #tpu.memory_space<vmem>>, %arg14: memref<10000x128xf32, #tpu.memory_space<vmem>>, %arg15: memref<10000x128xf32, #tpu.memory_space<vmem>>, %arg16: memref<10000x128xf32, #tpu.memory_space<vmem>>, %arg17: memref<1x80xf32, #tpu.memory_space<vmem>>) attributes {dimension_semantics = [], scalar_prefetch = 0 : i64, scratch_operands = 0 : i64, tpu.core_type = #tpu.core_type<tc>} {
    %get3A = arith.constant 0 : index
    %get3A_0 = arith.constant 0 : index
    %get3A_1 = vector.load %arg1[%get3A, %get3A_0] : memref<10000x128xf32, #tpu.memory_space<vmem>>, vector<10000x128xf32>
    %get3A_2 = arith.constant 0 : index
    %get3A_3 = arith.constant 0 : index
    %get3A_4 = vector.load %arg2[%get3A_2, %get3A_3] : memref<10000x128xf32, #tpu.memory_space<vmem>>, vector<10000x128xf32>
    %get3A_5 = arith.constant 0 : index
    %get3A_6 = arith.constant 0 : index
    %get3A_7 = vector.load %arg3[%get3A_5, %get3A_6] : memref<10000x128xf32, #tpu.memory_space<vmem>>, vector<10000x128xf32>
    %add3A = arith.addf %get3A_4, %get3A_7 : vector<10000x128xf32>
    %get3A_8 = arith.constant 0 : index
    %get3A_9 = arith.constant 0 : index
    %get3A_10 = vector.load %arg4[%get3A_8, %get3A_9] : memref<1x1xf32, #tpu.memory_space<vmem>>, vector<1x1xf32>
    %get3A_11 = vector.extract %get3A_10[0, 0] : f32 from vector<1x1xf32>
    %add3A_12 = arith.constant 1.000000e+00 : f32
    %add3A_13 = arith.addf %add3A_12, %get3A_11 : f32
    %mul3A = vector.broadcast %add3A_13 : f32 to vector<10000x128xf32>
    %mul3A_14 = arith.mulf %mul3A, %get3A_1 : vector<10000x128xf32>
    %add3A_15 = arith.addf %mul3A_14, %add3A : vector<10000x128xf32>
    %get3A_16 = arith.constant 0 : index
    %get3A_17 = arith.constant 0 : index
    %get3A_18 = vector.load %arg5[%get3A_16, %get3A_17] : memref<128x128xf32, #tpu.memory_space<vmem>>, vector<128x128xf32>
    %dot_general3A = arith.constant dense<0.000000e+00> : vector<10000x128xf32>
    %dot_general3A_19 = tpu.matmul %add3A_15, %get3A_18, %dot_general3A {dimension_numbers = #tpu.dot_dimension_numbers<[1], [1], [0], [0], [0, 0, 1, 0], [], []>, transpose_lhs_hint = false} : vector<10000x128xf32>, vector<128x128xf32>, vector<10000x128xf32> -> vector<10000x128xf32>
    %get3A_20 = arith.constant 0 : index
    %get3A_21 = arith.constant 0 : index
    %get3A_22 = vector.load %arg6[%get3A_20, %get3A_21] : memref<1x128xf32, #tpu.memory_space<vmem>>, vector<1x128xf32>
    %add3A_23 = vector.broadcast %get3A_22 : vector<1x128xf32> to vector<10000x128xf32>
    %add3A_24 = arith.addf %dot_general3A_19, %add3A_23 : vector<10000x128xf32>
    %max3A = arith.constant 0.000000e+00 : f32
    %max3A_25 = vector.broadcast %max3A : f32 to vector<10000x128xf32>
    %max3A_26 = arith.maximumf %add3A_24, %max3A_25 : vector<10000x128xf32>
    %get3A_27 = arith.constant 0 : index
    %get3A_28 = arith.constant 0 : index
    %get3A_29 = vector.load %arg0[%get3A_27, %get3A_28] : memref<10000x128xf32, #tpu.memory_space<vmem>>, vector<10000x128xf32>
    %add3A_30 = arith.addf %get3A_29, %max3A_26 : vector<10000x128xf32>
    %get3A_31 = arith.constant 0 : index
    %get3A_32 = arith.constant 0 : index
    %get3A_33 = vector.load %arg7[%get3A_31, %get3A_32] : memref<1x128xf32, #tpu.memory_space<vmem>>, vector<1x128xf32>
    %get3A_34 = arith.constant 0 : index
    %get3A_35 = arith.constant 0 : index
    %get3A_36 = vector.load %arg8[%get3A_34, %get3A_35] : memref<1x128xf32, #tpu.memory_space<vmem>>, vector<1x128xf32>
    %reduce_sum3A = arith.constant dense<0.000000e+00> : vector<10000xf32>
    %reduce_sum3A_37 = vector.multi_reduction <add>, %add3A_30, %reduce_sum3A [1] : vector<10000x128xf32> to vector<10000xf32>
    %broadcast_in_dim3A = vector.shape_cast %reduce_sum3A_37 : vector<10000xf32> to vector<10000x1xf32>
    %div3A = arith.constant 1.280000e+02 : f32
    %div3A_38 = vector.broadcast %div3A : f32 to vector<10000x1xf32>
    %div3A_39 = arith.divf %broadcast_in_dim3A, %div3A_38 : vector<10000x1xf32>
    %sub3A = vector.broadcast %div3A_39 : vector<10000x1xf32> to vector<10000x128xf32>
    %sub3A_40 = arith.subf %add3A_30, %sub3A : vector<10000x128xf32>
    %integer_pow3A = arith.mulf %sub3A_40, %sub3A_40 : vector<10000x128xf32>
    %reduce_sum3A_41 = arith.constant dense<0.000000e+00> : vector<10000xf32>
    %reduce_sum3A_42 = vector.multi_reduction <add>, %integer_pow3A, %reduce_sum3A_41 [1] : vector<10000x128xf32> to vector<10000xf32>
    %broadcast_in_dim3A_43 = vector.shape_cast %reduce_sum3A_42 : vector<10000xf32> to vector<10000x1xf32>
    %div3A_44 = arith.constant 1.280000e+02 : f32
    %div3A_45 = vector.broadcast %div3A_44 : f32 to vector<10000x1xf32>
    %div3A_46 = arith.divf %broadcast_in_dim3A_43, %div3A_45 : vector<10000x1xf32>
    %sub3A_47 = vector.broadcast %div3A_39 : vector<10000x1xf32> to vector<10000x128xf32>
    %sub3A_48 = arith.subf %add3A_30, %sub3A_47 : vector<10000x128xf32>
    %add3A_49 = arith.constant 9.99999974E-6 : f32
    %add3A_50 = vector.broadcast %add3A_49 : f32 to vector<10000x1xf32>
    %add3A_51 = arith.addf %div3A_46, %add3A_50 : vector<10000x1xf32>
    %rsqrt3A = math.rsqrt %add3A_51 : vector<10000x1xf32>
    %mul3A_52 = vector.broadcast %rsqrt3A : vector<10000x1xf32> to vector<10000x128xf32>
    %mul3A_53 = arith.mulf %sub3A_48, %mul3A_52 : vector<10000x128xf32>
    %mul3A_54 = vector.broadcast %get3A_33 : vector<1x128xf32> to vector<10000x128xf32>
    %mul3A_55 = arith.mulf %mul3A_53, %mul3A_54 : vector<10000x128xf32>
    %add3A_56 = vector.broadcast %get3A_36 : vector<1x128xf32> to vector<10000x128xf32>
    %add3A_57 = arith.addf %mul3A_55, %add3A_56 : vector<10000x128xf32>
    %get3A_58 = arith.constant 0 : index
    %get3A_59 = arith.constant 0 : index
    %get3A_60 = vector.load %arg9[%get3A_58, %get3A_59] : memref<64x128xf32, #tpu.memory_space<vmem>>, vector<64x128xf32>
    %dot_general3A_61 = arith.constant dense<0.000000e+00> : vector<10000x64xf32>
    %dot_general3A_62 = tpu.matmul %add3A_57, %get3A_60, %dot_general3A_61 {dimension_numbers = #tpu.dot_dimension_numbers<[1], [1], [0], [0], [0, 0, 1, 0], [], []>, transpose_lhs_hint = false} : vector<10000x128xf32>, vector<64x128xf32>, vector<10000x64xf32> -> vector<10000x64xf32>
    %swap3A = arith.constant 0 : index
    %swap3A_63 = arith.constant 0 : index
    %swap3A_64 = vector.load %arg15[%swap3A, %swap3A_63] : memref<10000x128xf32, #tpu.memory_space<vmem>>, vector<10000x64xf32>
    tpu.vector_store %arg15[%swap3A, %swap3A_63], %dot_general3A_62 {strides = array<i32>} : memref<10000x128xf32, #tpu.memory_space<vmem>>, vector<10000x64xf32>,
    %get3A_65 = arith.constant 0 : index
    %get3A_66 = arith.constant 0 : index
    %get3A_67 = vector.load %arg10[%get3A_65, %get3A_66] : memref<64x128xf32, #tpu.memory_space<vmem>>, vector<64x128xf32>
    %dot_general3A_68 = arith.constant dense<0.000000e+00> : vector<10000x64xf32>
    %dot_general3A_69 = tpu.matmul %add3A_57, %get3A_67, %dot_general3A_68 {dimension_numbers = #tpu.dot_dimension_numbers<[1], [1], [0], [0], [0, 0, 1, 0], [], []>, transpose_lhs_hint = false} : vector<10000x128xf32>, vector<64x128xf32>, vector<10000x64xf32> -> vector<10000x64xf32>
    %swap3A_70 = arith.constant 0 : index
    %swap3A_71 = arith.constant 64 : index
    %swap3A_72 = vector.load %arg15[%swap3A_70, %swap3A_71] : memref<10000x128xf32, #tpu.memory_space<vmem>>, vector<10000x64xf32>
    tpu.vector_store %arg15[%swap3A_70, %swap3A_71], %dot_general3A_69 {strides = array<i32>} : memref<10000x128xf32, #tpu.memory_space<vmem>>, vector<10000x64xf32>,
    %get3A_73 = arith.constant 0 : index
    %get3A_74 = arith.constant 0 : index
    %get3A_75 = vector.load %arg11[%get3A_73, %get3A_74] : memref<128x128xf32, #tpu.memory_space<vmem>>, vector<128x128xf32>
    %dot_general3A_76 = arith.constant dense<0.000000e+00> : vector<10000x128xf32>
    %dot_general3A_77 = tpu.matmul %add3A_57, %get3A_75, %dot_general3A_76 {dimension_numbers = #tpu.dot_dimension_numbers<[1], [1], [0], [0], [0, 0, 1, 0], [], []>, transpose_lhs_hint = false} : vector<10000x128xf32>, vector<128x128xf32>, vector<10000x128xf32> -> vector<10000x128xf32>
    %get3A_78 = arith.constant 0 : index
    %get3A_79 = arith.constant 0 : index
    %get3A_80 = vector.load %arg12[%get3A_78, %get3A_79] : memref<1x128xf32, #tpu.memory_space<vmem>>, vector<1x128xf32>
    %add3A_81 = vector.broadcast %get3A_80 : vector<1x128xf32> to vector<10000x128xf32>
    %add3A_82 = arith.addf %dot_general3A_77, %add3A_81 : vector<10000x128xf32>
    %swap3A_83 = arith.constant 0 : index
    %swap3A_84 = arith.constant 0 : index
    %swap3A_85 = vector.load %arg16[%swap3A_83, %swap3A_84] : memref<10000x128xf32, #tpu.memory_space<vmem>>, vector<10000x128xf32>
    tpu.vector_store %arg16[%swap3A_83, %swap3A_84], %add3A_82 {strides = array<i32>} : memref<10000x128xf32, #tpu.memory_space<vmem>>, vector<10000x128xf32>,
    %swap3A_86 = arith.constant 0 : index
    %swap3A_87 = arith.constant 0 : index
    %swap3A_88 = vector.load %arg14[%swap3A_86, %swap3A_87] : memref<10000x128xf32, #tpu.memory_space<vmem>>, vector<10000x128xf32>
    tpu.vector_store %arg14[%swap3A_86, %swap3A_87], %add3A_30 {strides = array<i32>} : memref<10000x128xf32, #tpu.memory_space<vmem>>, vector<10000x128xf32>,
    %get3A_89 = arith.constant 0 : index
    %get3A_90 = arith.constant 0 : index
    %get3A_91 = vector.load %arg13[%get3A_89, %get3A_90] : memref<1x64xf32, #tpu.memory_space<vmem>>, vector<1x64xf32>
    %broadcast_in_dim3A_92 = arith.constant 0.000000e+00 : f32
    %broadcast_in_dim3A_93 = vector.broadcast %broadcast_in_dim3A_92 : f32 to vector<1x80xf32>
    %swap3A_94 = arith.constant 0 : index
    %swap3A_95 = arith.constant 0 : index
    %swap3A_96 = vector.load %arg17[%swap3A_94, %swap3A_95] : memref<1x80xf32, #tpu.memory_space<vmem>>, vector<1x80xf32>
    tpu.vector_store %arg17[%swap3A_94, %swap3A_95], %broadcast_in_dim3A_93 {strides = array<i32>} : memref<1x80xf32, #tpu.memory_space<vmem>>, vector<1x80xf32>,
    %swap3A_97 = arith.constant 0 : index
    %swap3A_98 = arith.constant 0 : index
    %swap3A_99 = vector.load %arg17[%swap3A_97, %swap3A_98] : memref<1x80xf32, #tpu.memory_space<vmem>>, vector<1x64xf32>
    tpu.vector_store %arg17[%swap3A_97, %swap3A_98], %get3A_91 {strides = array<i32>} : memref<1x80xf32, #tpu.memory_space<vmem>>, vector<1x64xf32>,
    %abs3A = math.absf %get3A_91 : vector<1x64xf32>
    %reduce_sum3A_100 = arith.constant dense<0.000000e+00> : vector<1xf32>
    %reduce_sum3A_101 = vector.multi_reduction <add>, %abs3A, %reduce_sum3A_100 [1] : vector<1x64xf32> to vector<1xf32>
    %broadcast_in_dim3A_102 = vector.shape_cast %reduce_sum3A_101 : vector<1xf32> to vector<1x1xf32>
    %swap3A_103 = arith.constant 0 : index
    %swap3A_104 = arith.constant 64 : index
    %swap3A_105 = vector.load %arg17[%swap3A_103, %swap3A_104] : memref<1x80xf32, #tpu.memory_space<vmem>>, vector<1x1xf32>
    tpu.vector_store %arg17[%swap3A_103, %swap3A_104], %broadcast_in_dim3A_102 {strides = array<i32>} : memref<1x80xf32, #tpu.memory_space<vmem>>, vector<1x1xf32>,
    return
  }
}

module attributes {stable_mosaic.version = 14 : i64} {
  func.func @_stage_c_body(%arg0: memref<10000x128xf32, #tpu.memory_space<vmem>>, %arg1: memref<10000x128xf32, #tpu.memory_space<vmem>>, %arg2: memref<10000x128xf32, #tpu.memory_space<vmem>>, %arg3: memref<10000x128xf32, #tpu.memory_space<vmem>>, %arg4: memref<10000x128xf32, #tpu.memory_space<vmem>>, %arg5: memref<128x64xf32, #tpu.memory_space<vmem>>, %arg6: memref<1x128xf32, #tpu.memory_space<vmem>>, %arg7: memref<1x128xf32, #tpu.memory_space<vmem>>, %arg8: memref<1x128xf32, #tpu.memory_space<vmem>>, %arg9: memref<256x128xf32, #tpu.memory_space<vmem>>, %arg10: memref<1x256xf32, #tpu.memory_space<vmem>>, %arg11: memref<128x256xf32, #tpu.memory_space<vmem>>, %arg12: memref<1x128xf32, #tpu.memory_space<vmem>>, %arg13: memref<10000x128xf32, #tpu.memory_space<vmem>>) attributes {dimension_semantics = [], scalar_prefetch = 0 : i64, scratch_operands = 0 : i64, tpu.core_type = #tpu.core_type<tc>} {
    %get3A = arith.constant 0 : index
    %get3A_0 = arith.constant 0 : index
    %get3A_1 = vector.load %arg3[%get3A, %get3A_0] : memref<10000x128xf32, #tpu.memory_space<vmem>>, vector<10000x128xf32>
    %get3A_2 = arith.constant 0 : index
    %get3A_3 = arith.constant 0 : index
    %get3A_4 = vector.load %arg4[%get3A_2, %get3A_3] : memref<10000x128xf32, #tpu.memory_space<vmem>>, vector<10000x128xf32>
    %add3A = arith.addf %get3A_1, %get3A_4 : vector<10000x128xf32>
    %slice3A = vector.extract_strided_slice %add3A {offsets = [0, 64], sizes = [10000, 1], strides = [1, 1]} : vector<10000x128xf32> to vector<10000x1xf32>
    %add3A_5 = arith.constant 9.99999971E-10 : f32
    %add3A_6 = vector.broadcast %add3A_5 : f32 to vector<10000x1xf32>
    %add3A_7 = arith.addf %slice3A, %add3A_6 : vector<10000x1xf32>
    %div3A = arith.constant 1.000000e+00 : f32
    %div3A_8 = vector.broadcast %div3A : f32 to vector<10000x1xf32>
    %div3A_9 = arith.divf %div3A_8, %add3A_7 : vector<10000x1xf32>
    %slice3A_10 = vector.extract_strided_slice %add3A {offsets = [0, 0], sizes = [10000, 64], strides = [1, 1]} : vector<10000x128xf32> to vector<10000x64xf32>
    %mul3A = vector.broadcast %div3A_9 : vector<10000x1xf32> to vector<10000x64xf32>
    %mul3A_11 = arith.mulf %slice3A_10, %mul3A : vector<10000x64xf32>
    %get3A_12 = arith.constant 0 : index
    %get3A_13 = arith.constant 0 : index
    %get3A_14 = vector.load %arg1[%get3A_12, %get3A_13] : memref<10000x128xf32, #tpu.memory_space<vmem>>, vector<10000x128xf32>
    %get3A_15 = arith.constant 0 : index
    %get3A_16 = arith.constant 0 : index
    %get3A_17 = vector.load %arg2[%get3A_15, %get3A_16] : memref<10000x128xf32, #tpu.memory_space<vmem>>, vector<10000x128xf32>
    %add3A_18 = arith.addf %get3A_14, %get3A_17 : vector<10000x128xf32>
    %mul3A_19 = vector.broadcast %div3A_9 : vector<10000x1xf32> to vector<10000x128xf32>
    %mul3A_20 = arith.mulf %add3A_18, %mul3A_19 : vector<10000x128xf32>
    %mul3A_21 = arith.mulf %slice3A, %div3A_9 : vector<10000x1xf32>
    %get3A_22 = arith.constant 0 : index
    %get3A_23 = arith.constant 0 : index
    %get3A_24 = vector.load %arg5[%get3A_22, %get3A_23] : memref<128x64xf32, #tpu.memory_space<vmem>>, vector<128x64xf32>
    %dot_general3A = arith.constant dense<0.000000e+00> : vector<10000x128xf32>
    %dot_general3A_25 = tpu.matmul %mul3A_11, %get3A_24, %dot_general3A {dimension_numbers = #tpu.dot_dimension_numbers<[1], [1], [0], [0], [0, 0, 1, 0], [], []>, transpose_lhs_hint = false} : vector<10000x64xf32>, vector<128x64xf32>, vector<10000x128xf32> -> vector<10000x128xf32>
    %add3A_26 = arith.addf %mul3A_20, %dot_general3A_25 : vector<10000x128xf32>
    %get3A_27 = arith.constant 0 : index
    %get3A_28 = arith.constant 0 : index
    %get3A_29 = vector.load %arg6[%get3A_27, %get3A_28] : memref<1x128xf32, #tpu.memory_space<vmem>>, vector<1x128xf32>
    %mul3A_30 = vector.broadcast %mul3A_21 : vector<10000x1xf32> to vector<10000x128xf32>
    %mul3A_31 = vector.broadcast %get3A_29 : vector<1x128xf32> to vector<10000x128xf32>
    %mul3A_32 = arith.mulf %mul3A_30, %mul3A_31 : vector<10000x128xf32>
    %add3A_33 = arith.addf %add3A_26, %mul3A_32 : vector<10000x128xf32>
    %get3A_34 = arith.constant 0 : index
    %get3A_35 = arith.constant 0 : index
    %get3A_36 = vector.load %arg0[%get3A_34, %get3A_35] : memref<10000x128xf32, #tpu.memory_space<vmem>>, vector<10000x128xf32>
    %add3A_37 = arith.addf %get3A_36, %add3A_33 : vector<10000x128xf32>
    %get3A_38 = arith.constant 0 : index
    %get3A_39 = arith.constant 0 : index
    %get3A_40 = vector.load %arg7[%get3A_38, %get3A_39] : memref<1x128xf32, #tpu.memory_space<vmem>>, vector<1x128xf32>
    %get3A_41 = arith.constant 0 : index
    %get3A_42 = arith.constant 0 : index
    %get3A_43 = vector.load %arg8[%get3A_41, %get3A_42] : memref<1x128xf32, #tpu.memory_space<vmem>>, vector<1x128xf32>
    %reduce_sum3A = arith.constant dense<0.000000e+00> : vector<10000xf32>
    %reduce_sum3A_44 = vector.multi_reduction <add>, %add3A_37, %reduce_sum3A [1] : vector<10000x128xf32> to vector<10000xf32>
    %broadcast_in_dim3A = vector.shape_cast %reduce_sum3A_44 : vector<10000xf32> to vector<10000x1xf32>
    %div3A_45 = arith.constant 1.280000e+02 : f32
    %div3A_46 = vector.broadcast %div3A_45 : f32 to vector<10000x1xf32>
    %div3A_47 = arith.divf %broadcast_in_dim3A, %div3A_46 : vector<10000x1xf32>
    %sub3A = vector.broadcast %div3A_47 : vector<10000x1xf32> to vector<10000x128xf32>
    %sub3A_48 = arith.subf %add3A_37, %sub3A : vector<10000x128xf32>
    %integer_pow3A = arith.mulf %sub3A_48, %sub3A_48 : vector<10000x128xf32>
    %reduce_sum3A_49 = arith.constant dense<0.000000e+00> : vector<10000xf32>
    %reduce_sum3A_50 = vector.multi_reduction <add>, %integer_pow3A, %reduce_sum3A_49 [1] : vector<10000x128xf32> to vector<10000xf32>
    %broadcast_in_dim3A_51 = vector.shape_cast %reduce_sum3A_50 : vector<10000xf32> to vector<10000x1xf32>
    %div3A_52 = arith.constant 1.280000e+02 : f32
    %div3A_53 = vector.broadcast %div3A_52 : f32 to vector<10000x1xf32>
    %div3A_54 = arith.divf %broadcast_in_dim3A_51, %div3A_53 : vector<10000x1xf32>
    %sub3A_55 = vector.broadcast %div3A_47 : vector<10000x1xf32> to vector<10000x128xf32>
    %sub3A_56 = arith.subf %add3A_37, %sub3A_55 : vector<10000x128xf32>
    %add3A_57 = arith.constant 9.99999974E-6 : f32
    %add3A_58 = vector.broadcast %add3A_57 : f32 to vector<10000x1xf32>
    %add3A_59 = arith.addf %div3A_54, %add3A_58 : vector<10000x1xf32>
    %rsqrt3A = math.rsqrt %add3A_59 : vector<10000x1xf32>
    %mul3A_60 = vector.broadcast %rsqrt3A : vector<10000x1xf32> to vector<10000x128xf32>
    %mul3A_61 = arith.mulf %sub3A_56, %mul3A_60 : vector<10000x128xf32>
    %mul3A_62 = vector.broadcast %get3A_40 : vector<1x128xf32> to vector<10000x128xf32>
    %mul3A_63 = arith.mulf %mul3A_61, %mul3A_62 : vector<10000x128xf32>
    %add3A_64 = vector.broadcast %get3A_43 : vector<1x128xf32> to vector<10000x128xf32>
    %add3A_65 = arith.addf %mul3A_63, %add3A_64 : vector<10000x128xf32>
    %get3A_66 = arith.constant 0 : index
    %get3A_67 = arith.constant 0 : index
    %get3A_68 = vector.load %arg9[%get3A_66, %get3A_67] : memref<256x128xf32, #tpu.memory_space<vmem>>, vector<256x128xf32>
    %dot_general3A_69 = arith.constant dense<0.000000e+00> : vector<10000x256xf32>
    %dot_general3A_70 = tpu.matmul %add3A_65, %get3A_68, %dot_general3A_69 {dimension_numbers = #tpu.dot_dimension_numbers<[1], [1], [0], [0], [0, 0, 1, 0], [], []>, transpose_lhs_hint = false} : vector<10000x128xf32>, vector<256x128xf32>, vector<10000x256xf32> -> vector<10000x256xf32>
    %get3A_71 = arith.constant 0 : index
    %get3A_72 = arith.constant 0 : index
    %get3A_73 = vector.load %arg10[%get3A_71, %get3A_72] : memref<1x256xf32, #tpu.memory_space<vmem>>, vector<1x256xf32>
    %add3A_74 = vector.broadcast %get3A_73 : vector<1x256xf32> to vector<10000x256xf32>
    %add3A_75 = arith.addf %dot_general3A_70, %add3A_74 : vector<10000x256xf32>
    %max3A = arith.constant 0.000000e+00 : f32
    %max3A_76 = vector.broadcast %max3A : f32 to vector<10000x256xf32>
    %max3A_77 = arith.maximumf %add3A_75, %max3A_76 : vector<10000x256xf32>
    %get3A_78 = arith.constant 0 : index
    %get3A_79 = arith.constant 0 : index
    %get3A_80 = vector.load %arg11[%get3A_78, %get3A_79] : memref<128x256xf32, #tpu.memory_space<vmem>>, vector<128x256xf32>
    %dot_general3A_81 = arith.constant dense<0.000000e+00> : vector<10000x128xf32>
    %dot_general3A_82 = tpu.matmul %max3A_77, %get3A_80, %dot_general3A_81 {dimension_numbers = #tpu.dot_dimension_numbers<[1], [1], [0], [0], [0, 0, 1, 0], [], []>, transpose_lhs_hint = false} : vector<10000x256xf32>, vector<128x256xf32>, vector<10000x128xf32> -> vector<10000x128xf32>
    %add3A_83 = arith.addf %add3A_37, %dot_general3A_82 : vector<10000x128xf32>
    %get3A_84 = arith.constant 0 : index
    %get3A_85 = arith.constant 0 : index
    %get3A_86 = vector.load %arg12[%get3A_84, %get3A_85] : memref<1x128xf32, #tpu.memory_space<vmem>>, vector<1x128xf32>
    %add3A_87 = vector.broadcast %get3A_86 : vector<1x128xf32> to vector<10000x128xf32>
    %add3A_88 = arith.addf %add3A_83, %add3A_87 : vector<10000x128xf32>
    %swap3A = arith.constant 0 : index
    %swap3A_89 = arith.constant 0 : index
    %swap3A_90 = vector.load %arg13[%swap3A, %swap3A_89] : memref<10000x128xf32, #tpu.memory_space<vmem>>, vector<10000x128xf32>
    tpu.vector_store %arg13[%swap3A, %swap3A_89], %add3A_88 {strides = array<i32>} : memref<10000x128xf32, #tpu.memory_space<vmem>>, vector<10000x128xf32>,
    return
  }
}

</mosaic_0001>

<sc_bundles>
// kernel: sc_attn_pe.3.cloned.1.call-start
scs
__scs_entry_jumppad:
0x0: {  	(pc) =	sbr.rel $0x88, $3  }
0x1: {  	(tag) =	ssettag $0x0;
	lr =	simm.s32 $0x1  }
0x2: {  	[smem:$0x3F85] =	sst lr;
	_ =	strace $0xD0000000  }
0x3: {  	_ = 	snop  }
0x4: {  	_ = 	snop  }
0x5: {  	_ = 	snop  }
0x6: {  	_ = 	snop  }
0x7: {  	_ = 	snop  }
__scs_overlays_trampoline_lowered:
0x8: {  	[smem:$0x3F94] =	sst s0  }
0x9: {  	[smem:$0x3F95] =	sst s1  }
0xa: {  	[smem:$0x3F96] =	sst s2  }
0xb: {  	[smem:$0x3F97] =	sst s3  }
0xc: {  	[smem:$0x3F98] =	sst s4  }
0xd: {  	[smem:$0x3F99] =	sst s5  }
0xe: {  	[smem:$0x3F9A] =	sst s6  }
0xf: {  	[smem:$0x3F9B] =	sst s7  }
0x10: {  	[smem:$0x3F9C] =	sst s8  }
0x11: {  	[smem:$0x3F9D] =	sst s9;
	s0 =	simm.s32 @!p0 $0x0  }
0x12: {  	s1 =	sld [smem:$0x3F83];
	s0 =	simm.s32 @p0 $0x1  }
0x13: {  	[smem:$0x3F9E] =	sst s0;
	s0 =	simm.s32 @!p1 $0x0  }
0x14: {  	s2 =	sld [smem:$0x3F82];
	s0 =	simm.s32 @p1 $0x1  }
0x15: {  	[smem:$0x3F9F] =	sst s0;
	s0 =	simm.s32 @!p2 $0x0  }
0x16: {  	s3 =	sld [smem:$0x3FDB];
	s0 =	simm.s32 @p2 $0x1  }
0x17: {  	s4 =	simm.s32 $0x1BF5;
	[smem:$0x3FA1] =	sst s0  }
0x18: {  	s0 =	sld [smem:$0x3F84];
	_ =	swait.ge [sflag:s4], $0x0  }
0x19: {  	s7 =	sld [smem:$0x3F85]  }
0x1a: {  	s8 =	sadd.s32 $0xFFFFE003, lr  }
0x1b: {  	s9 =	sadd.s32 $0xFFFFFEF7, lr;
	s5 =	simm.s32 $0xFFFFFFFF;
	p2 =	slt.u32 s8, $0xFFFFF086  }
0x1c: {  	p1 =	slt.u32 s9, $0xF7A;
	s5 =	simm.s32 @!p2 $0x0  }
0x1d: {  	s5 =	simm.s32 @p1 $0x1;
	p0 =	seq.s32 s7, s2  }
0x1e: {  	s7 =	smul.u32 @!p0 $0xF7A, s2;
	p2 =	seq.s32 @!p0 s5, $0x0  }
0x1f: {  	s9 =	smul.u32 $0xF7A, s1;
	s8 =	simm.s32 @!p0 $0x1BF5;
	p2 =	por !p2, p0  }
0x20: {  	[sflag:s8] =	ssyncset.s32 @!p0 $0xFFFFF086;
	s6 =	sadd.s32 @!p0 s3, s7;
	s7 =	simm.s32 @!p0 $0x108  }
0x21: {  	s3 =	sadd.s32 s3, s9;
	s6 =	sadd.s32 @!p0 $0x88, s6;
	s7 =	simm.s32 @p2 $0x1082  }
0x22: {  	[simem:s7], [sflag:s8] =	dma.local @!p0 [hbm:s6], $0xF7A  }
0x23: {  	s9 =	sor.u32 $0xD0000000, s2;
	s6 =	simm.s32 $0x108;
	_ =	swait.ge @!p0 [sflag:s8], $0x0  }
0x24: {  	s3 =	sadd.s32 $0x88, s3;
	s6 =	simm.s32 @!p1 $0x1082;
	[sflag:s4] =	ssyncset.s32 $0xFFFFF086  }
0x25: {  	[simem:s6], [sflag:s4] =	dma.local [hbm:s3], $0xF7A  }
0x26: {  	[smem:$0x3F85] =	sst s1;
	(tag) =	ssettag s2;
	_ =	strace s9  }
0x27: {  	s1 =	sld [smem:$0x3F95]  }
0x28: {  	s2 =	sld [smem:$0x3F96]  }
0x29: {  	s4 =	sld [smem:$0x3F98]  }
0x2a: {  	p0 =	seq.s32 s5, $0x0;
	s5 =	sld [smem:$0x3F99]  }
0x2b: {  	s6 =	sld [smem:$0x3F9A]  }
0x2c: {  	s7 =	sld [smem:$0x3F9B]  }
0x2d: {  	s3 =	simm.s32 $0x108;
	s8 =	sld [smem:$0x3F9C]  }
0x2e: {  	s3 =	simm.s32 @!p0 $0x1082;
	s9 =	sld [smem:$0x3F9D]  }
0x2f: {  	lr =	sadd.s32 s0, s3;
	s0 =	sld [smem:$0x3F94]  }
0x30: {  	s3 =	sld [smem:$0x3F97]  }
0x31: {  	[smem:$0x3FA0] =	sst s10  }
0x32: {  	s10 =	sld [smem:$0x3F9E];
	_ =	sdelay $0x3  }
0x33: {  	p0 =	seq.s32 s10, $0x1;
	s10 =	sld [smem:$0x3FA0];
	_ =	sdelay $0x3  }
0x34: {  	[smem:$0x3FA0] =	sst s10  }
0x35: {  	s10 =	sld [smem:$0x3F9F];
	_ =	sdelay $0x3  }
0x36: {  	p1 =	seq.s32 s10, $0x1;
	s10 =	sld [smem:$0x3FA0];
	_ =	sdelay $0x3  }
0x37: {  	[smem:$0x3FA0] =	sst s10  }
0x38: {  	s10 =	sld [smem:$0x3FA1]  }
0x39: {  	_ = 	snop;
	(pc) =	sbr.ind lr, $3  }
0x3a: {  	_ = 	snop  }
0x3b: {  	_ = 	snop  }
0x3c: {  	p2 =	seq.s32 s10, $0x1;
	s10 =	sld [smem:$0x3FA0]  }
0x3d: {  	_ =	shalt  }
0x3e: {  	_ =	shalt  }
0x3f: {  	_ =	shalt  }
0x40: {  	_ =	shalt  }
0x41: {  	_ =	shalt  }
0x42: {  	_ =	shalt  }
0x43: {  	_ =	shalt  }
0x44: {  	_ =	shalt  }
0x45: {  	_ =	shalt  }
0x46: {  	_ =	shalt  }
0x47: {  	_ =	shalt  }
0x48: {  	_ =	shalt  }
0x49: {  	_ =	shalt  }
0x4a: {  	_ =	shalt  }
0x4b: {  	_ =	shalt  }
0x4c: {  	_ =	shalt  }
0x4d: {  	_ =	shalt  }
0x4e: {  	_ =	shalt  }
0x4f: {  	_ =	shalt  }
0x50: {  	_ =	shalt  }
0x51: {  	_ =	shalt  }
0x52: {  	_ =	shalt  }
0x53: {  	_ =	shalt  }
0x54: {  	_ =	shalt  }
0x55: {  	_ =	shalt  }
0x56: {  	_ =	shalt  }
0x57: {  	_ =	shalt  }
0x58: {  	_ =	shalt  }
0x59: {  	_ =	shalt  }
0x5a: {  	_ =	shalt  }
0x5b: {  	_ =	shalt  }
0x5c: {  	_ =	shalt  }
0x5d: {  	_ =	shalt  }
0x5e: {  	_ =	shalt  }
0x5f: {  	_ =	shalt  }
0x60: {  	_ =	shalt  }
0x61: {  	_ =	shalt  }
0x62: {  	_ =	shalt  }
0x63: {  	_ =	shalt  }
0x64: {  	_ =	shalt  }
0x65: {  	_ =	shalt  }
0x66: {  	_ =	shalt  }
0x67: {  	_ =	shalt  }
0x68: {  	_ =	shalt  }
0x69: {  	_ =	shalt  }
0x6a: {  	_ =	shalt  }
0x6b: {  	_ =	shalt  }
0x6c: {  	_ =	shalt  }
0x6d: {  	_ =	shalt  }
0x6e: {  	_ =	shalt  }
0x6f: {  	_ =	shalt  }
0x70: {  	_ =	shalt  }
0x71: {  	_ =	shalt  }
0x72: {  	_ =	shalt  }
0x73: {  	_ =	shalt  }
0x74: {  	_ =	shalt  }
0x75: {  	_ =	shalt  }
0x76: {  	_ =	shalt  }
0x77: {  	_ =	shalt  }
0x78: {  	_ =	shalt  }
0x79: {  	_ =	shalt  }
0x7a: {  	_ =	shalt  }
0x7b: {  	_ =	shalt  }
0x7c: {  	_ =	shalt  }
0x7d: {  	_ =	shalt  }
0x7e: {  	_ =	shalt  }
0x7f: {  	_ =	shalt  }
0x80: {  	_ =	shalt  }
0x81: {  	_ =	shalt  }
0x82: {  	_ =	shalt  }
0x83: {  	_ =	shalt  }
0x84: {  	_ =	shalt  }
0x85: {  	_ =	shalt  }
0x86: {  	_ =	shalt  }
0x87: {  	_ =	shalt  }
.Lfunc_end0:
.L_simem_size_0:
called_computation.2_lowered:
.L_overlay_start_0:
0x88: {  	s2 =	sld [smem:$0x3FD9]  }
0x89: {  	s3 =	sld [smem:$0x3FFE];
	_ =	sdelay $0x1  }
0x8a: {  	s1 =	srdreg.scid  }
0x8b: {  	s0 =	sand.u32 $0x1, s1  }
0x8c: {  	s16 =	sshll.u32 s0, $0xA;
	s2 =	sadd.s32 s3, s2  }
0x8d: {  	s2 =	sadd.s32 s2, s16  }
0x8e: {  	[smem:$0x3FAC] =	sst s2  }
0x8f: {  	_ = 	snop  }
0x90: {  	(tm) =	ssettm $0x1  }
0x91: {  	s17 =	sld [smem:$0x3FFB];
	_ =	sdelay $0x3  }
0x92: {  	_ =	strace s17  }
0x93: {  	s2 =	sld [smem:$0x3FFC];
	_ =	sdelay $0x3  }
0x94: {  	_ =	strace s2  }
0x95: {  	s2 =	sld [smem:$0x3FFD];
	_ =	sdelay $0x3  }
0x96: {  	_ =	strace s2  }
0x97: {  	_ =	strace $0x8FFFFFFF  }
0x98: {  	s18 =	sld [smem:$0x3FDB];
	_ =	sdelay $0x1  }
0x99: {  	s19 =	simm.s32 $_scs_section_size  }
0x9a: {  	s4 =	simm.s32 $_size__tile_overlayer_lowered;
	s5 =	simm.s32 $_tile_overlayer_lowered  }
0x9b: {  	s22 =	simm.s32 $0x1BFF;
	s21 =	sshll.u32 s5, $0x1;
	s2 =	sadd.s32 s19, s18  }
0x9c: {  	s6 =	simm.s32 $0x0;
	s20 =	sshll.u32 s4, $0x1;
	s4 =	sadd.s32 s21, s2  }
0x9d: {  	[timem:s6], [sflag:s22] =	dma.local [hbm:s4], s20  }
0x9e: {  	_ =	swait.ge [sflag:s22], s20  }
0x9f: {  	s3 =	ssub.s32 $0x0, s20;
	[sflag:s22] =	ssyncset.done $0x0  }
0xa0: {  	[sflag:s22] =	ssyncadd.s32 s3;
	_ =	sdelay $0x1  }
0xa1: {  	s23 =	simm.s32 $0x1B8B  }
0xa2: {  	_ =	swait.ge [sflag:s23], $0x1  }
0xa3: {  	[sflag:s23] =	ssyncset.done $0x0  }
0xa4: {  	s25 =	simm.s32 $0x1B8E;
	s24 =	sld [smem:$0x3FFE];
	[sflag:s23] =	ssyncadd.s32 $0xFFFFFFFF  }
0xa5: {  	s26 =	simm.s32 $execute0_lowered;
	[smem:$0x3FD2] =	sst s25  }
0xa6: {  	s4 =	sshll.u32 s26, $0x1;
	_ =	strace $0x8000004C;
	[dreg:$0x1] =	wrdreg $0xFFFFFFFF  }
0xa7: {  	s28 =	simm.s32 $_size_execute0_lowered;
	s2 =	sadd.s32 s2, s4;
	[dreg:$0x0] =	wrdreg $0x0  }
0xa8: {  	s4 =	sshll.u32 s28, $0x1;
	[dreg:$0x2] =	wrdreg s2  }
0xa9: {  	[dreg:$0x3] =	wrdreg s4  }
0xaa: {  	[dreg:$0x4] =	wrdreg $0xC0  }
0xab: {  	_ =	task [dreg:s6], $0x5FFFF  }
0xac: {  	[dreg:$0x1] =	wrdreg $0xFFFFFFFF  }
0xad: {  	[dreg:$0x0] =	wrdreg $0x60  }
0xae: {  	[dreg:$0x2] =	wrdreg s24  }
0xaf: {  	[dreg:$0x3] =	wrdreg $0x64800  }
0xb0: {  	[dreg:$0x4] =	wrdreg $0x9  }
0xb1: {  	_ =	task.clear_ibuf [dreg:s6], $0x5FFFF;
	_ =	strace $0x9000004C  }
0xb2: {  	s29 =	simm.s32 $0x9;
	_ =	strace $0x8000004E  }
0xb3: {  	_ =	swait.ge [sflag:s29], $0x1  }
0xb4: {  	[sflag:s29] =	ssyncadd.s32 $0xFFFFFFFF  }
0xb5: {  	_ =	strace $0x9000004E  }
0xb6: {  	_ =	sfence  }
0xb7: {  	s30 =	sld [smem:$0x0];
	_ =	sdelay $0x2  }
0xb8: {  	s31 =	sshll.u32 s1, $0xD;
	s1 =	sshrl.u32 s1, $0x2  }
0xb9: {  	s3 =	sand.u32 $0x4000, s31;
	s1 =	sadd.s32 s1, s30  }
0xba: {  	s0 =	sor.u32 s3, s0;
	s1 =	sshll.u32 s1, $0x11  }
0xbb: {  	s0 =	sor.u32 s1, s0  }
0xbc: {  	s0 =	sadd.s32 $0x8F2B, s0  }
0xbd: {  	[sflag:s0] =	ssyncadd.remote.s32 $0x1  }
0xbe: {  	_ =	sfence.sel $0xFFFF  }
0xbf: {  	[dreg:$0x0] =	wrdreg $0xFFFFFFFF;
	(pc) =	sbr.abs _section_cstart, $3  }
0xc0: {  	[dreg:$0x1] =	wrdreg $0xFFFFFFFF  }
0xc1: {  	_ =	task.clear_ibuf [dreg:s6], $0x2FFFF;
	_ =	strace $0x9FFFFFFF  }
0xc2: {  	(tm) =	ssettm $0x7FFFFFFF  }
0xc3: {  	_ =	shalt  }
tec
execute0_lowered:
.L_overlay_start_1:
0x0: {  	(tag) =	ssettag $0x1  }
0x1: {  	s6 =	rddreg [dreg:$0x0]  }
0x2: {  	s1 =	rddreg [dreg:$0x1]  }
0x3: {  	s0 =	rddreg [dreg:$0x2];
	s2 =	simm.s32 $0x0  }
0x4: {  	s3 =	srdreg.scid;
	s13 =	simm.s32 $0x50;
	s14 =	simm.s32 $0x2880  }
0x5: {  	s15 =	simm.s32 $0x0;
	[smem:$0x7FF] =	sst s2;
	s7 =	sand.u32 $0x1, s3  }
0x6: {  	s4 =	sadd.s32 $0xF600, s6;
	s3 =	stileid.u32;
	s8 =	smul.u32 $0x27100, s7  }
0x7: {  	s5 =	sadd.s32 $0xB5C00, s6;
	_ =	strace $0x8000004D;
	s11 =	smul.u32 $0x7D000, s3  }
0x8: {  	s9 =	ssub.s32 $0x2, s7;
	s10 =	sshll.u32 s3, $0x1;
	s30 =	smul.u32 $0x3E80, s3  }
.Ltmp0:
0x9: {  	p0 =	sgt.u32 s3, $0x9;
	s12 =	sshrl.u32 s9, $0x1;
	(pc) =	sbr.rel .LBB2_1-.Ltmp0, $4  }
0xa: {  	s7 =	sor.u32 s7, s10;
	s8 =	sadd.s32 s8, s6;
	s9 =	ssub.s32 s9, s12  }
0xb: {  	s6 =	smul.u32 $0x2710, s7;
	s31 =	sshrl.u32 s11, $0x2;
	s11 =	simm.s32 $0x1  }
0xc: {  	s12 =	simm.s32 $0x80;
	s7 =	smax.u32 s9, $0x1;
	s10 =	sadd.s32 s30, s8  }
0xd: {  	v0 =	vimm.f32 $0.0e+00;
	vm0 =	vmmov $0x1;
	s8 =	sadd.s32 s31, s1;
	s9 =	sadd.s32 $0x19400, s10;
	s10 =	simm.s32 $0x5080  }
.LBB2_15:
0xe: {  	s15 =	sadd.s32 $0x1, s15  }
0xf: {  	p1 =	sne.s32 s15, s7  }
.Ltmp1:
0x10: {  	_ = 	snop;
	(pc) =	sbr.rel @!p1 .LBB2_16-.Ltmp1, $1  }
0x11: {  	_ =	sdelay $0x3  }
.LBB2_1:
0x12: {  	s16 =	simm.s32 $0x0;
	s17 =	simm.s32 $0x200  }
.LBB2_2:
0x13: {  	p1 =	sne.s32 s17, $0x4E00;
	[tilespmem:s16+$0x50F0] =	vst v0  }
0x14: {  	[tilespmem:s16+$0x5080] =	vst v0  }
0x15: {  	[tilespmem:s16+$0x5090] =	vst v0  }
.Ltmp2:
0x16: {  	[tilespmem:s16+$0x50A0] =	vst v0;
	(pc) =	sbr.rel @p1 .LBB2_2-.Ltmp2, $4  }
0x17: {  	[tilespmem:s16+$0x50B0] =	vst v0  }
0x18: {  	[tilespmem:s16+$0x50C0] =	vst v0  }
0x19: {  	[tilespmem:s16+$0x50D0] =	vst v0  }
0x1a: {  	[tilespmem:s16+$0x50E0] =	vst v0;
	s16 =	sshra.s32 s17, $0x2;
	s17 =	sadd.s32 $0x200, s17  }
0x1b: {  	[tilespmem:s16+$0x50F0] =	vst v0  }
0x1c: {  	[tilespmem:s16+$0x5080] =	vst v0  }
0x1d: {  	[tilespmem:s16+$0x5090] =	vst v0  }
.Ltmp3:
0x1e: {  	[tilespmem:s16+$0x50A0] =	vst v0;
	(pc) =	sbr.rel @p0 .LBB2_7-.Ltmp3, $4  }
0x1f: {  	[tilespmem:s16+$0x50B0] =	vst v0  }
0x20: {  	[tilespmem:s16+$0x50C0] =	vst v0  }
0x21: {  	[tilespmem:s16+$0x50D0] =	vst v0  }
0x22: {  	[tilespmem:s16+$0x50E0] =	vst v0  }
0x23: {  	s16 =	sadd.s32 $0x0, s8  }
0x24: {  	[spmem:s16] =	stream.linear.scatter [tilespmem:s10], [sflag:$0x1], $0x1400, $0x38;
	[tilespmem:$0x19D00] =	vst v63  }
0x25: {  	s16 =	simm.s32 $0x5000;
	_ =	swait.ge [sflag:s11], $0x1400  }
.LBB2_5:
0x26: {  	s17 =	sshra.s32 s16, $0x2;
	[sflag:s11] =	ssyncset.done $0x0;
	p1 =	sne.s32 s16, $0x78000  }
.Ltmp4:
0x27: {  	s17 =	sadd.s32 s17, s8;
	[sflag:s11] =	ssyncadd.s32 $0xFFFFEC00;
	(pc) =	sbr.rel @p1 .LBB2_5-.Ltmp4, $3  }
0x28: {  	[spmem:s17] =	stream.linear.scatter [tilespmem:s10], [sflag:$0x1], $0x1400, $0x38;
	[tilespmem:$0x19D00] =	vst v63  }
0x29: {  	s16 =	sadd.s32 $0x5000, s16;
	_ =	sdelay $0x1  }
0x2a: {  	_ =	swait.ge [sflag:s11], $0x1400  }
0x2b: {  	[sflag:s11] =	ssyncset.done $0x0  }
0x2c: {  	[sflag:s11] =	ssyncadd.s32 $0xFFFFEC00  }
.LBB2_7:
0x2d: {  	[bflag:$0x0] =	sbarrier.arrive $0xFFFF;
	s16 =	simm.s32 $0x0;
	s17 =	simm.s32 $0x0  }
.LBB2_8:
0x2e: {  	s18 =	smul.u32 $0x50, s17;
	_ =	sdelay $0x1  }
0x2f: {  	s18 =	sadd.s32 s6, s18  }
0x30: {  	s19 =	sshrl.u32 s18, $0x3  }
0x31: {  	s19 =	sadd.s32 s4, s19  }
0x32: {  	[tilespmem:s16], [sflag:$0x1] =	stream.linear.gather [hbm4b:s19+s16], $0x50, $0x38;
	[tilespmem:$0x19D00] =	vst v63  }
0x33: {  	_ =	swait.ge [sflag:s11], $0x50  }
0x34: {  	s18 =	sshll.u32 s18, $0x4;
	[sflag:s11] =	ssyncset.done $0x0  }
0x35: {  	s18 =	sadd.s32 s5, s18;
	[sflag:s11] =	ssyncadd.s32 $0xFFFFFFB0  }
0x36: {  	[tilespmem:s12], [sflag:$0x1] =	stream.linear.gather [hbm4b:s18+s16], $0x2800, $0x38;
	[tilespmem:$0x19D00] =	vst v63  }
0x37: {  	_ =	swait.ge [sflag:s11], $0x2800  }
0x38: {  	[sflag:s11] =	ssyncset.done $0x0  }
0x39: {  	s18 =	simm.s32 $0x0;
	[sflag:s11] =	ssyncadd.s32 $0xFFFFD800  }
0x3a: {  	s19 =	simm.s32 $0x400;
	v1 =	vld [tilespmem:s18+$0x140]  }
.LBB2_9:
0x3b: {  	p1 =	sne.s32 s19, $0x9C00;
	[tilespmem:s18+$0x28D0] =	vst v0;
	v2 =	vld [tilespmem:s18+$0x130]  }
0x3c: {  	v3 =	vld [tilespmem:s18+$0xC0];
	[tilespmem:s18+$0x28E0] =	vst v0  }
0x3d: {  	v4 =	vld [tilespmem:s18+$0x80];
	[tilespmem:s18+$0x28F0] =	vst v0  }
0x3e: {  	v5 =	vld [tilespmem:s18+$0x90];
	[tilespmem:s18+$0x2950] =	vst v0  }
0x3f: {  	v6 =	vld [tilespmem:s18+$0xA0];
	v7 =	vnsel vm0, $0x0, v1;
	[tilespmem:s18+$0x2960] =	vst v0  }
0x40: {  	v8 =	vld [tilespmem:s18+$0xB0];
	v2 =	vmul.f32 v2, v1;
	[tilespmem:s18+$0x2940] =	vst v7  }
0x41: {  	v7 =	vnsel vm0, $0x0, v3;
	v9 =	vld [tilespmem:s18+$0x100];
	[tilespmem:s18+$0x2970] =	vst v0  }
0x42: {  	v4 =	vmul.f32 v4, v3;
	v10 =	vld [tilespmem:s18+$0x110];
	[tilespmem:s18+$0x2930] =	vst v2  }
0x43: {  	v2 =	vmul.f32 v5, v3;
	[tilespmem:s18+$0x28C0] =	vst v7;
	v5 =	vld [tilespmem:s18+$0x120]  }
0x44: {  	[tilespmem:s18+$0x2880] =	vst v4;
	v4 =	vmul.f32 v6, v3  }
0x45: {  	[tilespmem:s18+$0x2890] =	vst v2;
	v2 =	vmul.f32 v8, v3  }
.Ltmp5:
0x46: {  	[tilespmem:s18+$0x28A0] =	vst v4;
	v3 =	vmul.f32 v9, v1;
	(pc) =	sbr.rel @p1 .LBB2_9-.Ltmp5, $4  }
0x47: {  	[tilespmem:s18+$0x28B0] =	vst v2;
	v2 =	vmul.f32 v10, v1  }
0x48: {  	[tilespmem:s18+$0x2900] =	vst v3;
	v3 =	vmul.f32 v5, v1  }
0x49: {  	s20 =	sshra.s32 s19, $0x2;
	[tilespmem:s18+$0x2910] =	vst v2  }
0x4a: {  	s19 =	sadd.s32 $0x400, s19;
	v1 =	vld [tilespmem:s20+$0x140];
	[tilespmem:s18+$0x2920] =	vst v3;
	s18 =	smov.u32 s20  }
0x4b: {  	[tilespmem:s18+$0x28D0] =	vst v0;
	v2 =	vld [tilespmem:s18+$0x130]  }
0x4c: {  	v3 =	vld [tilespmem:s18+$0xC0];
	[tilespmem:s18+$0x28E0] =	vst v0  }
0x4d: {  	v4 =	vld [tilespmem:s18+$0x80];
	[tilespmem:s18+$0x28F0] =	vst v0  }
0x4e: {  	v5 =	vld [tilespmem:s18+$0x90];
	[tilespmem:s18+$0x2950] =	vst v0  }
0x4f: {  	v6 =	vld [tilespmem:s18+$0xA0];
	[tilespmem:s18+$0x2960] =	vst v0  }
0x50: {  	v8 =	vld [tilespmem:s18+$0xB0];
	[tilespmem:s18+$0x2970] =	vst v0;
	v7 =	vnsel vm0, $0x0, v1;
	v2 =	vmul.f32 v2, v1  }
0x51: {  	v61 =	vld [tilespmem:s18+$0x100];
	[tilespmem:s18+$0x2940] =	vst v7  }
0x52: {  	v9 =	vld [tilespmem:s18+$0x110];
	v10 =	vnsel vm0, $0x0, v3;
	[tilespmem:s18+$0x2930] =	vst v2;
	v2 =	vmul.f32 v4, v3  }
0x53: {  	v63 =	vld [tilespmem:s18+$0x120];
	v62 =	vmul.f32 v5, v3;
	[tilespmem:s18+$0x28C0] =	vst v10  }
0x54: {  	[tilespmem:s18+$0x2880] =	vst v2;
	v2 =	vmul.f32 v6, v3  }
0x55: {  	[tilespmem:s18+$0x2890] =	vst v62;
	v3 =	vmul.f32 v8, v3  }
0x56: {  	[tilespmem:s18+$0x28A0] =	vst v2;
	v2 =	vmul.f32 v61, v1  }
0x57: {  	[tilespmem:s18+$0x28B0] =	vst v3;
	v3 =	vmul.f32 v9, v1  }
0x58: {  	s17 =	sadd.s32 $0x1, s17;
	v1 =	vmul.f32 v63, v1;
	[tilespmem:s18+$0x2900] =	vst v2  }
0x59: {  	p1 =	sne.s32 s17, $0x7D;
	[tilespmem:s18+$0x2910] =	vst v3  }
.Ltmp6:
0x5a: {  	[tilespmem:s18+$0x2920] =	vst v1;
	(pc) =	sbr.rel @p1 .LBB2_8-.Ltmp6, $4  }
0x5b: {  	[spmem:s1] =	stream.indirect.scatter.add.f32 [tilespmem:s14], [sflag:$0x1], $0x80, s2, s13, $0xb8;
	[tilespmem:$0x19D00] =	vst v63  }
0x5c: {  	_ =	swait.ge [sflag:s11], $0x2800  }
0x5d: {  	[sflag:s11] =	ssyncset.done $0x0  }
0x5e: {  	[sflag:s11] =	ssyncadd.s32 $0xFFFFD800  }
.Ltmp7:
0x5f: {  	(pc) =	sbr.rel @p0 .LBB2_15-.Ltmp7, $2  }
0x60: {  	_ =	sdelay $0x1  }
0x61: {  	[bflag:$0x0] =	sbarrier.arrive $0xFFFF;
	_ =	sdelay $0x1  }
0x62: {  	[tilespmem:s10], [sflag:$0x1] =	stream.linear.gather [spmem:s8], $0x1400, $0x38;
	[tilespmem:$0x19D00] =	vst v63  }
0x63: {  	_ =	swait.ge [sflag:s11], $0x1400  }
0x64: {  	[sflag:s11] =	ssyncset.done $0x0  }
0x65: {  	s16 =	sadd.s32 $0x0, s9;
	[sflag:s11] =	ssyncadd.s32 $0xFFFFEC00  }
0x66: {  	[hbm4b:s16+s2] =	stream.linear.scatter [tilespmem:s10], [sflag:$0x1], $0x1400, $0x38;
	[tilespmem:$0x19D00] =	vst v63  }
0x67: {  	_ =	swait.ge [sflag:s11], $0x1400  }
0x68: {  	s17 =	smov.u32 s8;
	s16 =	simm.s32 $0x280;
	[sflag:s11] =	ssyncset.done $0x0  }
.LBB2_13:
0x69: {  	p1 =	sne.s32 s16, $0x3C00;
	[sflag:s11] =	ssyncadd.s32 $0xFFFFEC00;
	s17 =	sadd.s32 $0x1400, s17  }
0x6a: {  	[tilespmem:s10], [sflag:$0x1] =	stream.linear.gather [spmem:s17], $0x1400, $0x38;
	[tilespmem:$0x19D00] =	vst v63  }
0x6b: {  	s18 =	smov.u32 s16;
	s16 =	sadd.s32 $0x280, s16;
	_ =	swait.ge [sflag:s11], $0x1400  }
.Ltmp8:
0x6c: {  	[sflag:s11] =	ssyncset.done $0x0;
	(pc) =	sbr.rel @p1 .LBB2_13-.Ltmp8, $4  }
0x6d: {  	s18 =	sadd.s32 s18, s9;
	[sflag:s11] =	ssyncadd.s32 $0xFFFFEC00  }
0x6e: {  	[hbm4b:s18+s2] =	stream.linear.scatter [tilespmem:s10], [sflag:$0x1], $0x1400, $0x38;
	[tilespmem:$0x19D00] =	vst v63  }
0x6f: {  	_ =	swait.ge [sflag:s11], $0x1400  }
0x70: {  	[sflag:s11] =	ssyncset.done $0x0  }
.Ltmp9:
0x71: {  	(pc) =	sbr.rel .LBB2_15-.Ltmp9, $2  }
0x72: {  	_ =	sdelay $0x2  }
0x73: {  	[sflag:s11] =	ssyncadd.s32 $0xFFFFEC00  }
.LBB2_16:
0x74: {  	_ =	sfence.sel $0x180000  }
0x75: {  	[bflag:$0x0] =	sbarrier.arrive $0xFFFF  }
0x76: {  	p0 =	sne.s32 s3, $0x0;
	_ =	strace $0x9000004D  }
0x77: {  	s0 =	sadd.s32 @!p0 $0x100000, s0;
	[bflag:$0x2] =	sbarrier.arrive $0xFFFF  }
0x78: {  	[sflag:s0] =	ssyncadd.tile.s32 @!p0 $0x1;
	_ =	shalt  }
.Lfunc_end2:
_tile_overlayer_lowered:
.L_overlay_start_2:
0x79: {  	(tag) =	ssettag $0x2  }
0x7a: {  	s0 =	rddreg [dreg:$0x0];
	s2 =	stileid.u32  }
0x7b: {  	s1 =	rddreg [dreg:$0x1];
	p0 =	sne.s32 s2, $0x0  }
0x7c: {  	s3 =	rddreg [dreg:$0x2];
	[bflag:$0x3] =	sbarrier.arrive $0xFFFF;
	s2 =	simm.s32 @!p0 $0x1C01  }
0x7d: {  	[timem:s3], [sflag:s2] =	dma.local @!p0 [hbm:s0], s1  }
0x7e: {  	s0 =	simm.s32 @!p0 $0x1  }
0x7f: {  	_ =	swait.ge @!p0 [sflag:s0], s1  }
0x80: {  	s1 =	ssub.s32 @!p0 $0x0, s1;
	[sflag:s0] =	ssyncset.done @!p0 $0x0  }
0x81: {  	[sflag:s0] =	ssyncadd.s32 @!p0 s1  }
0x82: {  	[bflag:$0x3] =	sbarrier.arrive $0xFFFF  }
0x83: {  	_ =	shalt  }

// kernel: sc_attn_u.3.cloned.1.call-start
scs
__scs_entry_jumppad:
0x0: {  	(pc) =	sbr.rel $0x88, $3  }
0x1: {  	(tag) =	ssettag $0x0;
	lr =	simm.s32 $0x1  }
0x2: {  	[smem:$0x3F85] =	sst lr;
	_ =	strace $0xD0000000  }
0x3: {  	_ = 	snop  }
0x4: {  	_ = 	snop  }
0x5: {  	_ = 	snop  }
0x6: {  	_ = 	snop  }
0x7: {  	_ = 	snop  }
__scs_overlays_trampoline_lowered:
0x8: {  	[smem:$0x3F94] =	sst s0  }
0x9: {  	[smem:$0x3F95] =	sst s1  }
0xa: {  	[smem:$0x3F96] =	sst s2  }
0xb: {  	[smem:$0x3F97] =	sst s3  }
0xc: {  	[smem:$0x3F98] =	sst s4  }
0xd: {  	[smem:$0x3F99] =	sst s5  }
0xe: {  	[smem:$0x3F9A] =	sst s6  }
0xf: {  	[smem:$0x3F9B] =	sst s7  }
0x10: {  	[smem:$0x3F9C] =	sst s8  }
0x11: {  	[smem:$0x3F9D] =	sst s9;
	s0 =	simm.s32 @!p0 $0x0  }
0x12: {  	s1 =	sld [smem:$0x3F83];
	s0 =	simm.s32 @p0 $0x1  }
0x13: {  	[smem:$0x3F9E] =	sst s0;
	s0 =	simm.s32 @!p1 $0x0  }
0x14: {  	s2 =	sld [smem:$0x3F82];
	s0 =	simm.s32 @p1 $0x1  }
0x15: {  	[smem:$0x3F9F] =	sst s0;
	s0 =	simm.s32 @!p2 $0x0  }
0x16: {  	s3 =	sld [smem:$0x3FDB];
	s0 =	simm.s32 @p2 $0x1  }
0x17: {  	s4 =	simm.s32 $0x1BF5;
	[smem:$0x3FA1] =	sst s0  }
0x18: {  	s0 =	sld [smem:$0x3F84];
	_ =	swait.ge [sflag:s4], $0x0  }
0x19: {  	s7 =	sld [smem:$0x3F85]  }
0x1a: {  	s8 =	sadd.s32 $0xFFFFE003, lr  }
0x1b: {  	s9 =	sadd.s32 $0xFFFFFEF7, lr;
	s5 =	simm.s32 $0xFFFFFFFF;
	p2 =	slt.u32 s8, $0xFFFFF086  }
0x1c: {  	p1 =	slt.u32 s9, $0xF7A;
	s5 =	simm.s32 @!p2 $0x0  }
0x1d: {  	s5 =	simm.s32 @p1 $0x1;
	p0 =	seq.s32 s7, s2  }
0x1e: {  	s7 =	smul.u32 @!p0 $0xF7A, s2;
	p2 =	seq.s32 @!p0 s5, $0x0  }
0x1f: {  	s9 =	smul.u32 $0xF7A, s1;
	s8 =	simm.s32 @!p0 $0x1BF5;
	p2 =	por !p2, p0  }
0x20: {  	[sflag:s8] =	ssyncset.s32 @!p0 $0xFFFFF086;
	s6 =	sadd.s32 @!p0 s3, s7;
	s7 =	simm.s32 @!p0 $0x108  }
0x21: {  	s3 =	sadd.s32 s3, s9;
	s6 =	sadd.s32 @!p0 $0x88, s6;
	s7 =	simm.s32 @p2 $0x1082  }
0x22: {  	[simem:s7], [sflag:s8] =	dma.local @!p0 [hbm:s6], $0xF7A  }
0x23: {  	s9 =	sor.u32 $0xD0000000, s2;
	s6 =	simm.s32 $0x108;
	_ =	swait.ge @!p0 [sflag:s8], $0x0  }
0x24: {  	s3 =	sadd.s32 $0x88, s3;
	s6 =	simm.s32 @!p1 $0x1082;
	[sflag:s4] =	ssyncset.s32 $0xFFFFF086  }
0x25: {  	[simem:s6], [sflag:s4] =	dma.local [hbm:s3], $0xF7A  }
0x26: {  	[smem:$0x3F85] =	sst s1;
	(tag) =	ssettag s2;
	_ =	strace s9  }
0x27: {  	s1 =	sld [smem:$0x3F95]  }
0x28: {  	s2 =	sld [smem:$0x3F96]  }
0x29: {  	s4 =	sld [smem:$0x3F98]  }
0x2a: {  	p0 =	seq.s32 s5, $0x0;
	s5 =	sld [smem:$0x3F99]  }
0x2b: {  	s6 =	sld [smem:$0x3F9A]  }
0x2c: {  	s7 =	sld [smem:$0x3F9B]  }
0x2d: {  	s3 =	simm.s32 $0x108;
	s8 =	sld [smem:$0x3F9C]  }
0x2e: {  	s3 =	simm.s32 @!p0 $0x1082;
	s9 =	sld [smem:$0x3F9D]  }
0x2f: {  	lr =	sadd.s32 s0, s3;
	s0 =	sld [smem:$0x3F94]  }
0x30: {  	s3 =	sld [smem:$0x3F97]  }
0x31: {  	[smem:$0x3FA0] =	sst s10  }
0x32: {  	s10 =	sld [smem:$0x3F9E];
	_ =	sdelay $0x3  }
0x33: {  	p0 =	seq.s32 s10, $0x1;
	s10 =	sld [smem:$0x3FA0];
	_ =	sdelay $0x3  }
0x34: {  	[smem:$0x3FA0] =	sst s10  }
0x35: {  	s10 =	sld [smem:$0x3F9F];
	_ =	sdelay $0x3  }
0x36: {  	p1 =	seq.s32 s10, $0x1;
	s10 =	sld [smem:$0x3FA0];
	_ =	sdelay $0x3  }
0x37: {  	[smem:$0x3FA0] =	sst s10  }
0x38: {  	s10 =	sld [smem:$0x3FA1]  }
0x39: {  	_ = 	snop;
	(pc) =	sbr.ind lr, $3  }
0x3a: {  	_ = 	snop  }
0x3b: {  	_ = 	snop  }
0x3c: {  	p2 =	seq.s32 s10, $0x1;
	s10 =	sld [smem:$0x3FA0]  }
0x3d: {  	_ =	shalt  }
0x3e: {  	_ =	shalt  }
0x3f: {  	_ =	shalt  }
0x40: {  	_ =	shalt  }
0x41: {  	_ =	shalt  }
0x42: {  	_ =	shalt  }
0x43: {  	_ =	shalt  }
0x44: {  	_ =	shalt  }
0x45: {  	_ =	shalt  }
0x46: {  	_ =	shalt  }
0x47: {  	_ =	shalt  }
0x48: {  	_ =	shalt  }
0x49: {  	_ =	shalt  }
0x4a: {  	_ =	shalt  }
0x4b: {  	_ =	shalt  }
0x4c: {  	_ =	shalt  }
0x4d: {  	_ =	shalt  }
0x4e: {  	_ =	shalt  }
0x4f: {  	_ =	shalt  }
0x50: {  	_ =	shalt  }
0x51: {  	_ =	shalt  }
0x52: {  	_ =	shalt  }
0x53: {  	_ =	shalt  }
0x54: {  	_ =	shalt  }
0x55: {  	_ =	shalt  }
0x56: {  	_ =	shalt  }
0x57: {  	_ =	shalt  }
0x58: {  	_ =	shalt  }
0x59: {  	_ =	shalt  }
0x5a: {  	_ =	shalt  }
0x5b: {  	_ =	shalt  }
0x5c: {  	_ =	shalt  }
0x5d: {  	_ =	shalt  }
0x5e: {  	_ =	shalt  }
0x5f: {  	_ =	shalt  }
0x60: {  	_ =	shalt  }
0x61: {  	_ =	shalt  }
0x62: {  	_ =	shalt  }
0x63: {  	_ =	shalt  }
0x64: {  	_ =	shalt  }
0x65: {  	_ =	shalt  }
0x66: {  	_ =	shalt  }
0x67: {  	_ =	shalt  }
0x68: {  	_ =	shalt  }
0x69: {  	_ =	shalt  }
0x6a: {  	_ =	shalt  }
0x6b: {  	_ =	shalt  }
0x6c: {  	_ =	shalt  }
0x6d: {  	_ =	shalt  }
0x6e: {  	_ =	shalt  }
0x6f: {  	_ =	shalt  }
0x70: {  	_ =	shalt  }
0x71: {  	_ =	shalt  }
0x72: {  	_ =	shalt  }
0x73: {  	_ =	shalt  }
0x74: {  	_ =	shalt  }
0x75: {  	_ =	shalt  }
0x76: {  	_ =	shalt  }
0x77: {  	_ =	shalt  }
0x78: {  	_ =	shalt  }
0x79: {  	_ =	shalt  }
0x7a: {  	_ =	shalt  }
0x7b: {  	_ =	shalt  }
0x7c: {  	_ =	shalt  }
0x7d: {  	_ =	shalt  }
0x7e: {  	_ =	shalt  }
0x7f: {  	_ =	shalt  }
0x80: {  	_ =	shalt  }
0x81: {  	_ =	shalt  }
0x82: {  	_ =	shalt  }
0x83: {  	_ =	shalt  }
0x84: {  	_ =	shalt  }
0x85: {  	_ =	shalt  }
0x86: {  	_ =	shalt  }
0x87: {  	_ =	shalt  }
.Lfunc_end0:
.L_simem_size_0:
called_computation.1_lowered:
.L_overlay_start_0:
0x88: {  	s2 =	sld [smem:$0x3FD9]  }
0x89: {  	s3 =	sld [smem:$0x3FFE];
	_ =	sdelay $0x1  }
0x8a: {  	s1 =	srdreg.scid  }
0x8b: {  	s0 =	sand.u32 $0x1, s1  }
0x8c: {  	s16 =	sshll.u32 s0, $0xA;
	s2 =	sadd.s32 s3, s2  }
0x8d: {  	s2 =	sadd.s32 s2, s16  }
0x8e: {  	[smem:$0x3FAC] =	sst s2  }
0x8f: {  	_ = 	snop  }
0x90: {  	(tm) =	ssettm $0x1  }
0x91: {  	s17 =	sld [smem:$0x3FFB];
	_ =	sdelay $0x3  }
0x92: {  	_ =	strace s17  }
0x93: {  	s2 =	sld [smem:$0x3FFC];
	_ =	sdelay $0x3  }
0x94: {  	_ =	strace s2  }
0x95: {  	s2 =	sld [smem:$0x3FFD];
	_ =	sdelay $0x3  }
0x96: {  	_ =	strace s2  }
0x97: {  	_ =	strace $0x8FFFFFFF  }
0x98: {  	s18 =	sld [smem:$0x3FDB];
	_ =	sdelay $0x1  }
0x99: {  	s19 =	simm.s32 $_scs_section_size  }
0x9a: {  	s4 =	simm.s32 $_size__tile_overlayer_lowered;
	s5 =	simm.s32 $_tile_overlayer_lowered  }
0x9b: {  	s22 =	simm.s32 $0x1BFF;
	s21 =	sshll.u32 s5, $0x1;
	s2 =	sadd.s32 s19, s18  }
0x9c: {  	s6 =	simm.s32 $0x0;
	s20 =	sshll.u32 s4, $0x1;
	s4 =	sadd.s32 s21, s2  }
0x9d: {  	[timem:s6], [sflag:s22] =	dma.local [hbm:s4], s20  }
0x9e: {  	_ =	swait.ge [sflag:s22], s20  }
0x9f: {  	s3 =	ssub.s32 $0x0, s20;
	[sflag:s22] =	ssyncset.done $0x0  }
0xa0: {  	[sflag:s22] =	ssyncadd.s32 s3;
	_ =	sdelay $0x1  }
0xa1: {  	s23 =	simm.s32 $0x1B8B  }
0xa2: {  	_ =	swait.ge [sflag:s23], $0x1  }
0xa3: {  	[sflag:s23] =	ssyncset.done $0x0  }
0xa4: {  	s25 =	simm.s32 $0x1B8E;
	s24 =	sld [smem:$0x3FFE];
	[sflag:s23] =	ssyncadd.s32 $0xFFFFFFFF  }
0xa5: {  	s26 =	simm.s32 $execute0_lowered;
	[smem:$0x3FD2] =	sst s25  }
0xa6: {  	s4 =	sshll.u32 s26, $0x1;
	_ =	strace $0x80000049;
	[dreg:$0x1] =	wrdreg $0xFFFFFFFF  }
0xa7: {  	s28 =	simm.s32 $_size_execute0_lowered;
	s2 =	sadd.s32 s2, s4;
	[dreg:$0x0] =	wrdreg $0x0  }
0xa8: {  	s4 =	sshll.u32 s28, $0x1;
	[dreg:$0x2] =	wrdreg s2  }
0xa9: {  	[dreg:$0x3] =	wrdreg s4  }
0xaa: {  	[dreg:$0x4] =	wrdreg $0xC0  }
0xab: {  	_ =	task [dreg:s6], $0x5FFFF  }
0xac: {  	[dreg:$0x1] =	wrdreg $0xFFFFFFFF  }
0xad: {  	[dreg:$0x0] =	wrdreg $0x60  }
0xae: {  	[dreg:$0x2] =	wrdreg s24  }
0xaf: {  	[dreg:$0x3] =	wrdreg $0xB9800  }
0xb0: {  	[dreg:$0x4] =	wrdreg $0x9  }
0xb1: {  	_ =	task.clear_ibuf [dreg:s6], $0x5FFFF;
	_ =	strace $0x90000049  }
0xb2: {  	s29 =	simm.s32 $0x9;
	_ =	strace $0x8000004B  }
0xb3: {  	_ =	swait.ge [sflag:s29], $0x1  }
0xb4: {  	[sflag:s29] =	ssyncadd.s32 $0xFFFFFFFF  }
0xb5: {  	_ =	strace $0x9000004B  }
0xb6: {  	_ =	sfence  }
0xb7: {  	s30 =	sld [smem:$0x0];
	_ =	sdelay $0x2  }
0xb8: {  	s31 =	sshll.u32 s1, $0xD;
	s1 =	sshrl.u32 s1, $0x2  }
0xb9: {  	s3 =	sand.u32 $0x4000, s31;
	s1 =	sadd.s32 s1, s30  }
0xba: {  	s0 =	sor.u32 s3, s0;
	s1 =	sshll.u32 s1, $0x11  }
0xbb: {  	s0 =	sor.u32 s1, s0  }
0xbc: {  	s0 =	sadd.s32 $0x8F2B, s0  }
0xbd: {  	[sflag:s0] =	ssyncadd.remote.s32 $0x1  }
0xbe: {  	_ =	sfence.sel $0xFFFF  }
0xbf: {  	[dreg:$0x0] =	wrdreg $0xFFFFFFFF;
	(pc) =	sbr.abs _section_cstart, $3  }
0xc0: {  	[dreg:$0x1] =	wrdreg $0xFFFFFFFF  }
0xc1: {  	_ =	task.clear_ibuf [dreg:s6], $0x2FFFF;
	_ =	strace $0x9FFFFFFF  }
0xc2: {  	(tm) =	ssettm $0x7FFFFFFF  }
0xc3: {  	_ =	shalt  }
tec
execute0_lowered:
.L_overlay_start_1:
0x0: {  	(tag) =	ssettag $0x1  }
0x1: {  	s0 =	rddreg [dreg:$0x0]  }
0x2: {  	s1 =	rddreg [dreg:$0x1];
	s2 =	simm.s32 $0x0;
	s4 =	srdreg.scid  }
0x3: {  	v0 =	vimm.s32 $0xEFCDAB89;
	s17 =	stileid.u32;
	s16 =	simm.s32 $0x2;
	s18 =	simm.s32 $0xA100  }
0x4: {  	v1 =	vimm.s32 $0x67452301;
	v2 =	vimm.s32 $0xDCFE98BA;
	s19 =	simm.s32 $0x80;
	s20 =	simm.s32 $0x50;
	s21 =	simm.s32 $0x100  }
0x5: {  	v3 =	vimm.s32 $0x54761032;
	v4 =	vimm.s32 $0xBA98FEDC;
	s22 =	simm.s32 $0x2900;
	s23 =	simm.s32 $0x5100;
	s24 =	simm.s32 $0x1  }
0x6: {  	v5 =	vimm.s32 $0x32107654;
	v6 =	vimm.s32 $0xFEDCBA98;
	s25 =	simm.s32 $0x7900;
	s28 =	simm.s32 $0x0;
	[smem:$0x7FF] =	sst s2  }
0x7: {  	v7 =	vimm.s32 $0x76543210;
	s3 =	sadd.s32 $0xF600, s0;
	s8 =	sand.u32 $0x1, s4;
	s4 =	sadd.s32 $0x5800, s0;
	v0 =	vunpack.c.l.s4.s8 v0;
	v1 =	vunpack.c.l.s4.s8 v1  }
0x8: {  	s5 =	sadd.s32 $0x19400, s0;
	s6 =	sadd.s32 $0x8E800, s0;
	v2 =	vunpack.c.l.s4.s8 v2;
	s14 =	smul.u32 $0x7D000, s17;
	v3 =	vunpack.c.l.s4.s8 v3;
	v4 =	vunpack.c.l.s4.s8 v4  }
0x9: {  	s7 =	sadd.s32 $0xB5A00, s0;
	s9 =	sadd.s32 $0x40600, s0;
	s15 =	smul.u32 $0x3E80, s17;
	v5 =	vunpack.c.l.s4.s8 v5;
	v6 =	vunpack.c.l.s4.s8 v6;
	v7 =	vunpack.c.l.s4.s8 v7  }
0xa: {  	s26 =	sshll.u32 s17, $0x1;
	p0 =	sgt.u32 s17, $0x9;
	s10 =	smul.u32 $0x27100, s8;
	v0 =	vunpack.c.0.s8.s32 v0;
	v1 =	vunpack.c.0.s8.s32 v1;
	v2 =	vunpack.c.0.s8.s32 v2  }
.Ltmp0:
0xb: {  	_ =	strace $0x8000004A;
	s11 =	ssub.s32 $0x2, s8;
	v3 =	vunpack.c.0.s8.s32 v3;
	v4 =	vunpack.c.0.s8.s32 v4;
	v5 =	vunpack.c.0.s8.s32 v5;
	(pc) =	sbr.rel .LBB2_1-.Ltmp0, $4  }
0xc: {  	s8 =	sor.u32 s8, s26;
	s26 =	simm.s32 $0x0;
	s12 =	sshrl.u32 s11, $0x1;
	v6 =	vunpack.c.0.s8.s32 v6;
	v1 =	vcombine.low v1, v0  }
0xd: {  	s30 =	sshrl.u32 s14, $0x2;
	s13 =	sadd.s32 s10, s0;
	s10 =	sadd.s32 $0xB5C00, s0;
	v2 =	vcombine.low v3, v2;
	v3 =	vcombine.low v5, v4;
	v4 =	vunpack.c.0.s8.s32 v7  }
0xe: {  	s29 =	ssub.s32 s11, s12;
	s11 =	smul.u32 $0x2710, s8;
	s31 =	sadd.s32 s15, s13;
	v0 =	vimm.f32 $0.0e+00;
	v5 =	vand.u32 $0xF, v6;
	v1 =	vand.u32 $0xF, v1  }
0xf: {  	s12 =	smax.u32 s29, $0x1;
	s13 =	sadd.s32 s30, s1;
	s14 =	sadd.s32 $0x597C00, s31;
	v2 =	vand.u32 $0xF, v2;
	v3 =	vand.u32 $0xF, v3;
	v4 =	vcombine.low v5, v4  }
.LBB2_15:
0x10: {  	s26 =	sadd.s32 $0x1, s26  }
0x11: {  	p1 =	sne.s32 s26, s12  }
.Ltmp1:
0x12: {  	_ = 	snop;
	(pc) =	sbr.rel @!p1 .LBB2_16-.Ltmp1, $1  }
0x13: {  	_ =	sdelay $0x3  }
.LBB2_1:
0x14: {  	s0 =	simm.s32 $0xB500  }
0x15: {  	[tilespmem:s0], [sflag:$0x2] =	stream.linear.gather [hbm4b:s7+s2], $0x80, $0x38;
	[tilespmem:$0x1F200] =	vst v63  }
0x16: {  	_ =	swait.ge [sflag:s16], $0x80  }
0x17: {  	[sflag:s16] =	ssyncset.done $0x0  }
0x18: {  	s31 =	simm.s32 $0xB580;
	[sflag:s16] =	ssyncadd.s32 $0xFFFFFF80  }
0x19: {  	[tilespmem:s31], [sflag:$0x2] =	stream.linear.gather [hbm4b:s9+s2], $0x400, $0x38;
	[tilespmem:$0x1F200] =	vst v63  }
0x1a: {  	_ =	swait.ge [sflag:s16], $0x400  }
0x1b: {  	[sflag:s16] =	ssyncset.done $0x0  }
0x1c: {  	s8 =	simm.s32 $0x200;
	s0 =	simm.s32 $0x0;
	[sflag:s16] =	ssyncadd.s32 $0xFFFFFC00  }
.LBB2_2:
0x1d: {  	p1 =	sne.s32 s8, $0x4E00;
	[tilespmem:s0+$0xA170] =	vst v0  }
0x1e: {  	[tilespmem:s0+$0xA100] =	vst v0  }
0x1f: {  	[tilespmem:s0+$0xA110] =	vst v0  }
.Ltmp2:
0x20: {  	[tilespmem:s0+$0xA120] =	vst v0;
	(pc) =	sbr.rel @p1 .LBB2_2-.Ltmp2, $4  }
0x21: {  	[tilespmem:s0+$0xA130] =	vst v0  }
0x22: {  	[tilespmem:s0+$0xA140] =	vst v0  }
0x23: {  	[tilespmem:s0+$0xA150] =	vst v0  }
0x24: {  	[tilespmem:s0+$0xA160] =	vst v0;
	s0 =	sshra.s32 s8, $0x2;
	s8 =	sadd.s32 $0x200, s8  }
0x25: {  	[tilespmem:s0+$0xA170] =	vst v0  }
0x26: {  	[tilespmem:s0+$0xA100] =	vst v0  }
0x27: {  	[tilespmem:s0+$0xA110] =	vst v0  }
.Ltmp3:
0x28: {  	[tilespmem:s0+$0xA120] =	vst v0;
	(pc) =	sbr.rel @p0 .LBB2_7-.Ltmp3, $4  }
0x29: {  	[tilespmem:s0+$0xA130] =	vst v0  }
0x2a: {  	[tilespmem:s0+$0xA140] =	vst v0  }
0x2b: {  	[tilespmem:s0+$0xA150] =	vst v0  }
0x2c: {  	[tilespmem:s0+$0xA160] =	vst v0;
	s0 =	simm.s32 $0x0  }
0x2d: {  	s8 =	sshra.s32 s0, $0x2  }
0x2e: {  	s8 =	sadd.s32 s8, s13  }
0x2f: {  	[spmem:s8] =	stream.linear.scatter [tilespmem:s18], [sflag:$0x2], $0x1400, $0x38;
	[tilespmem:$0x1F200] =	vst v63  }
0x30: {  	s0 =	sadd.s32 $0x5000, s0;
	_ =	swait.ge [sflag:s16], $0x1400  }
.LBB2_5:
0x31: {  	s8 =	sshra.s32 s0, $0x2;
	[sflag:s16] =	ssyncset.done $0x0;
	p1 =	sne.s32 s0, $0x78000  }
.Ltmp4:
0x32: {  	s8 =	sadd.s32 s8, s13;
	[sflag:s16] =	ssyncadd.s32 $0xFFFFEC00;
	(pc) =	sbr.rel @p1 .LBB2_5-.Ltmp4, $3  }
0x33: {  	[spmem:s8] =	stream.linear.scatter [tilespmem:s18], [sflag:$0x2], $0x1400, $0x38;
	[tilespmem:$0x1F200] =	vst v63  }
0x34: {  	s0 =	sadd.s32 $0x5000, s0;
	_ =	sdelay $0x1  }
0x35: {  	_ =	swait.ge [sflag:s16], $0x1400  }
0x36: {  	[sflag:s16] =	ssyncset.done $0x0  }
0x37: {  	[sflag:s16] =	ssyncadd.s32 $0xFFFFEC00  }
.LBB2_7:
0x38: {  	[bflag:$0x0] =	sbarrier.arrive $0xFFFF  }
0x39: {  	v5 =	vld [tilespmem:$0xB500]  }
0x3a: {  	v6 =	vld [tilespmem:$0xB510]  }
0x3b: {  	v7 =	vld [tilespmem:$0xB520]  }
0x3c: {  	v8 =	vld [tilespmem:$0xB530]  }
0x3d: {  	s29 =	simm.s32 $0x0;
	v9 =	vld.msk [tilespmem:$0xB540 ss:$0x0], $0xffff  }
.LBB2_8:
0x3e: {  	s0 =	smul.u32 $0x50, s29;
	_ =	sdelay $0x1  }
0x3f: {  	s30 =	sadd.s32 s11, s0  }
0x40: {  	s0 =	sshrl.u32 s30, $0x3  }
0x41: {  	s8 =	sadd.s32 s3, s0  }
0x42: {  	[tilespmem:s28], [sflag:$0x2] =	stream.linear.gather [hbm4b:s8+s28], $0x50, $0x38;
	[tilespmem:$0x1F200] =	vst v63  }
0x43: {  	_ =	swait.ge [sflag:s16], $0x50  }
0x44: {  	[sflag:s16] =	ssyncset.done $0x0  }
0x45: {  	s0 =	sadd.s32 s4, s0;
	[sflag:s16] =	ssyncadd.s32 $0xFFFFFFB0  }
0x46: {  	[tilespmem:s19], [sflag:$0x2] =	stream.linear.gather [hbm4b:s0+s28], $0x50, $0x38;
	[tilespmem:$0x1F200] =	vst v63  }
0x47: {  	_ =	swait.ge [sflag:s16], $0x50  }
0x48: {  	[sflag:s16] =	ssyncset.done $0x0  }
0x49: {  	[sflag:s16] =	ssyncadd.s32 $0xFFFFFFB0  }
0x4a: {  	[tilespmem:s21], [sflag:$0x1] =	stream.indirect.gather [hbm4b:s5+s20], $0x80, s28, s20, $0xb8;
	[tilespmem:$0x1F200] =	vst v63  }
0x4b: {  	_ = 	snop  }
0x4c: {  	[tilespmem:s22], [sflag:$0x1] =	stream.indirect.gather [hbm4b:s5+s20], $0x80, s19, s20, $0xb8;
	[tilespmem:$0x1F200] =	vst v63  }
0x4d: {  	_ = 	snop  }
0x4e: {  	[tilespmem:s23], [sflag:$0x1] =	stream.indirect.gather [hbm4b:s6+s20], $0x80, s19, s20, $0xb8;
	[tilespmem:$0x1F200] =	vst v63  }
0x4f: {  	_ =	swait.ge [sflag:s24], $0x2800  }
0x50: {  	[sflag:s24] =	ssyncset.done $0x0  }
0x51: {  	[sflag:s24] =	ssyncadd.s32 $0xFFFFD800  }
0x52: {  	_ =	swait.ge [sflag:s24], $0x2800  }
0x53: {  	[sflag:s24] =	ssyncset.done $0x0  }
0x54: {  	[sflag:s24] =	ssyncadd.s32 $0xFFFFD800  }
0x55: {  	_ =	swait.ge [sflag:s24], $0x2800  }
0x56: {  	[sflag:s24] =	ssyncset.done $0x0  }
0x57: {  	s0 =	simm.s32 $0x0;
	[sflag:s24] =	ssyncadd.s32 $0xFFFFD800  }
0x58: {  	v10 =	vld [tilespmem:s0+$0x2960]  }
0x59: {  	v11 =	vld [tilespmem:s0+$0x120]  }
0x5a: {  	v12 =	vld [tilespmem:s0+$0x2970]  }
0x5b: {  	v13 =	vld [tilespmem:s0+$0x130];
	_ =	sdelay $0x3  }
0x5c: {  	v10 =	vadd.f32 v10, v11;
	v11 =	vld [tilespmem:s0+$0x29E0]  }
0x5d: {  	v12 =	vadd.f32 v12, v13;
	v13 =	vld [tilespmem:s0+$0x1A0]  }
0x5e: {  	v10 =	vadd.f32 v10, v10  }
0x5f: {  	v14 =	vld [tilespmem:s0+$0x29D0]  }
0x60: {  	v15 =	vld [tilespmem:s0+$0x190];
	v12 =	vadd.f32 v12, v12;
	v10 =	vmul.f32 $1.442695020e+00, v10  }
0x61: {  	v16 =	vld [tilespmem:s0+$0x2940]  }
0x62: {  	v12 =	vmul.f32 $1.442695020e+00, v12;
	v11 =	vadd.f32 v11, v13;
	v13 =	vld [tilespmem:s0+$0x2950];
	(erf) = vpow2.f32 v10  }
0x63: {  	v10 =	vld [tilespmem:s0+$0x110]  }
0x64: {  	(erf) = vpow2.f32 v12;
	v12 =	vld [tilespmem:s0+$0x100];
	v11 =	vadd.f32 v11, v11  }
0x65: {  	v14 =	vadd.f32 v14, v15  }
0x66: {  	v11 =	vmul.f32 $1.442695020e+00, v11  }
0x67: {  	v14 =	vadd.f32 v14, v14  }
0x68: {  	(erf) = vpow2.f32 v11  }
0x69: {  	v14 =	vmul.f32 $1.442695020e+00, v14;
	v10 =	vadd.f32 v13, v10;
	v12 =	vadd.f32 v16, v12  }
0x6a: {  	v17 =	vld [tilespmem:s0+$0x1B0]  }
0x6b: {  	v11 =	vld [tilespmem:s0+$0x29C0];
	v10 =	vadd.f32 v10, v10;
	v12 =	vadd.f32 v12, v12;
	v15 =	vpop (erf)  }
0x6c: {  	v16 =	vld [tilespmem:s0+$0x180];
	(erf) = vpow2.f32 v14;
	v15 =	vadd.f32 $1.000000000e+00, v15  }
0x6d: {  	v13 =	vld [tilespmem:s0+$0x29F0];
	v10 =	vmul.f32 $1.442695020e+00, v10;
	v14 =	vpop (erf);
	v12 =	vmul.f32 $1.442695020e+00, v12  }
0x6e: {  	v14 =	vadd.f32 $1.000000000e+00, v14;
	(erf) = vrcp.f32 v15  }
0x6f: {  	(erf) = vpow2.f32 v10  }
0x70: {  	(erf) = vrcp.f32 v14  }
0x71: {  	v10 =	vadd.f32 v11, v16;
	(erf) = vpow2.f32 v12;
	v12 =	vpop (erf)  }
0x72: {  	v11 =	vadd.f32 v13, v17;
	v12 =	vadd.f32 $1.000000000e+00, v12  }
0x73: {  	v10 =	vadd.f32 v10, v10  }
0x74: {  	v11 =	vadd.f32 v11, v11  }
0x75: {  	s31 =	simm.s32 $0x100;
	v10 =	vmul.f32 $1.442695020e+00, v10  }
0x76: {  	v18 =	vld [tilespmem:s31+$0x29E0];
	v11 =	vmul.f32 $1.442695020e+00, v11;
	(erf) = vrcp.f32 v12;
	v12 =	vpop (erf)  }
0x77: {  	v20 =	vld [tilespmem:s31+$0x1A0];
	(erf) = vpow2.f32 v10;
	v10 =	vadd.f32 $1.000000000e+00, v12;
	_ =	sdelay $0x1  }
0x78: {  	(erf) = vpow2.f32 v11;
	v12 =	vpop (erf)  }
0x79: {  	v11 =	vpop (erf);
	(erf) = vrcp.f32 v10  }
0x7a: {  	v25 =	vld [tilespmem:s31+$0x100];
	v10 =	vpop (erf)  }
0x7b: {  	v18 =	vadd.f32 v18, v20;
	v20 =	vld [tilespmem:s31+$0x2940];
	v11 =	vadd.f32 $1.000000000e+00, v11;
	v13 =	vpop (erf)  }
0x7c: {  	v16 =	vld [tilespmem:s31+$0x130];
	v13 =	vadd.f32 $1.000000000e+00, v13  }
0x7d: {  	(erf) = vrcp.f32 v11;
	v11 =	vld [tilespmem:s31+$0x2960]  }
0x7e: {  	(erf) = vrcp.f32 v13;
	v13 =	vld [tilespmem:s31+$0x120]  }
0x7f: {  	v14 =	vld [tilespmem:s31+$0x2970];
	v15 =	vpop (erf)  }
0x80: {  	v20 =	vadd.f32 v20, v25;
	v17 =	vpop (erf)  }
0x81: {  	v19 =	vpop (erf)  }
0x82: {  	v18 =	vadd.f32 v18, v18;
	v20 =	vadd.f32 v20, v20;
	v22 =	vpop (erf)  }
0x83: {  	v11 =	vadd.f32 v11, v13;
	v13 =	vadd.f32 v22, v22  }
0x84: {  	v21 =	vld [tilespmem:s31+$0x29F0];
	v14 =	vadd.f32 v14, v16;
	v17 =	vadd.f32 $1.000000000e+00, v17  }
0x85: {  	v23 =	vld [tilespmem:s31+$0x190];
	v11 =	vadd.f32 v11, v11;
	v13 =	vsub.f32 $1.000000000e+00, v13  }
0x86: {  	v14 =	vadd.f32 v14, v14;
	v16 =	vadd.f32 $1.000000000e+00, v19;
	v22 =	vld [tilespmem:s31+$0x29D0];
	v19 =	vpop (erf)  }
0x87: {  	v12 =	vadd.f32 v12, v12;
	(erf) = vrcp.f32 v17;
	v17 =	vld [tilespmem:s31+$0x1B0];
	v24 =	vpop (erf);
	v11 =	vmul.f32 $1.442695020e+00, v11;
	[tilespmem:s0+$0x7990] =	vst v13  }
0x88: {  	v14 =	vmul.f32 $1.442695020e+00, v14;
	(erf) = vrcp.f32 v16;
	v16 =	vadd.f32 v24, v24;
	v24 =	vld [tilespmem:s31+$0x2950]  }
0x89: {  	v12 =	vsub.f32 $1.000000000e+00, v12;
	(erf) = vpow2.f32 v11;
	v11 =	vadd.f32 v19, v19;
	v19 =	vld [tilespmem:s31+$0x110]  }
0x8a: {  	v10 =	vadd.f32 v10, v10;
	v16 =	vsub.f32 $1.000000000e+00, v16  }
0x8b: {  	(erf) = vpow2.f32 v14;
	v14 =	vmul.f32 $1.442695020e+00, v18;
	v18 =	vadd.f32 v22, v23  }
0x8c: {  	v15 =	vadd.f32 v15, v15;
	v11 =	vsub.f32 $1.000000000e+00, v11  }
0x8d: {  	v22 =	vmul.f32 v16, v5;
	(erf) = vpow2.f32 v14;
	v18 =	vadd.f32 v18, v18  }
0x8e: {  	v10 =	vsub.f32 $1.000000000e+00, v10;
	v23 =	vld [tilespmem:s31+$0x180];
	v19 =	vadd.f32 v24, v19  }
0x8f: {  	v14 =	vld [tilespmem:s31+$0x29C0];
	v26 =	vmul.f32 v11, v6;
	v22 =	vadd.f32 $0.0e+00, v22;
	v18 =	vmul.f32 $1.442695020e+00, v18  }
0x90: {  	v20 =	vmul.f32 $1.442695020e+00, v20;
	v17 =	vadd.f32 v21, v17;
	v21 =	vpop (erf);
	v19 =	vadd.f32 v19, v19  }
0x91: {  	v27 =	vpop (erf);
	v24 =	vmul.f32 v12, v7;
	v22 =	vadd.f32 v26, v22;
	(erf) = vpow2.f32 v18  }
0x92: {  	v17 =	vadd.f32 v17, v17;
	v21 =	vadd.f32 v21, v21;
	v25 =	vpop (erf);
	v19 =	vmul.f32 $1.442695020e+00, v19  }
0x93: {  	v18 =	vmul.f32 v10, v8;
	v22 =	vadd.f32 v24, v22;
	v25 =	vadd.f32 $1.000000000e+00, v25  }
0x94: {  	v13 =	vmul.f32 v13, v6;
	v21 =	vsub.f32 $1.000000000e+00, v21;
	v14 =	vadd.f32 v14, v23;
	v23 =	vpop (erf)  }
0x95: {  	v23 =	vadd.f32 $1.000000000e+00, v23;
	v18 =	vadd.f32 v18, v22;
	(erf) = vrcp.f32 v25  }
0x96: {  	[tilespmem:s0+$0x7910] =	vst v11;
	v11 =	vmul.f32 $1.442695020e+00, v17;
	v14 =	vadd.f32 v14, v14;
	(erf) = vpow2.f32 v19;
	v19 =	vpop (erf)  }
0x97: {  	v22 =	vperm.xlane v18, v1;
	v19 =	vadd.f32 $1.000000000e+00, v19;
	(erf) = vrcp.f32 v23  }
0x98: {  	v14 =	vmul.f32 $1.442695020e+00, v14;
	(erf) = vpow2.f32 v20  }
0x99: {  	v17 =	vadd.f32 v18, v22;
	v18 =	vmul.f32 v21, v5;
	(erf) = vrcp.f32 v19  }
0x9a: {  	v23 =	vadd.f32 v27, v27;
	(erf) = vpow2.f32 v14;
	v14 =	vsub.f32 $1.000000000e+00, v15;
	v15 =	vpop (erf)  }
0x9b: {  	v18 =	vadd.f32 $0.0e+00, v18;
	(erf) = vpow2.f32 v11;
	v11 =	vadd.f32 $1.000000000e+00, v15  }
0x9c: {  	[tilespmem:s0+$0x7900] =	vst v16;
	v19 =	vperm.xlane v17, v2  }
0x9d: {  	[tilespmem:s0+$0x7930] =	vst v10;
	v16 =	vsub.f32 $1.000000000e+00, v23;
	v13 =	vadd.f32 v13, v18  }
0x9e: {  	[tilespmem:s0+$0x79A0] =	vst v14;
	v15 =	vadd.f32 v17, v19;
	v10 =	vmul.f32 v14, v7;
	v14 =	vpop (erf)  }
0x9f: {  	[tilespmem:s0+$0x79B0] =	vst v16;
	v16 =	vmul.f32 v16, v8;
	(erf) = vrcp.f32 v11;
	v11 =	vpop (erf)  }
0xa0: {  	[tilespmem:s0+$0x7920] =	vst v12;
	v12 =	vperm.xlane v15, v3;
	v10 =	vadd.f32 v10, v13;
	v11 =	vadd.f32 $1.000000000e+00, v11  }
0xa1: {  	v13 =	vpop (erf)  }
0xa2: {  	v12 =	vadd.f32 v15, v12;
	v10 =	vadd.f32 v16, v10;
	v18 =	vpop (erf)  }
0xa3: {  	s8 =	simm.s32 $0x200;
	[tilespmem:s0+$0x7980] =	vst v21;
	v19 =	vpop (erf);
	(erf) = vrcp.f32 v11  }
0xa4: {  	v17 =	vld [tilespmem:s8+$0x2970];
	v18 =	vadd.f32 $1.000000000e+00, v18;
	v16 =	vperm.xlane v12, v4;
	v22 =	vperm.xlane v10, v1;
	v11 =	vpop (erf)  }
0xa5: {  	v20 =	vld [tilespmem:s8+$0x29F0];
	v11 =	vadd.f32 $1.000000000e+00, v11  }
0xa6: {  	v21 =	vld [tilespmem:s8+$0x120];
	(erf) = vrcp.f32 v18;
	v12 =	vadd.f32 v12, v16;
	v10 =	vadd.f32 v10, v22;
	v23 =	vpop (erf)  }
0xa7: {  	v15 =	vld [tilespmem:s8+$0x2960];
	v23 =	vadd.f32 $1.000000000e+00, v23;
	(erf) = vrcp.f32 v11  }
0xa8: {  	v18 =	vld [tilespmem:s8+$0x130];
	v12 =	vsub.f32 v12, v9;
	v25 =	vperm.xlane v10, v2  }
0xa9: {  	v16 =	vld [tilespmem:s8+$0x29E0];
	(erf) = vrcp.f32 v23;
	v11 =	vpop (erf)  }
0xaa: {  	v22 =	vld [tilespmem:s8+$0x1A0];
	v12 =	vmul.f32 $1.442695020e+00, v12;
	v10 =	vadd.f32 v10, v25;
	v11 =	vadd.f32 v11, v11  }
0xab: {  	v24 =	vld [tilespmem:s8+$0x1B0];
	v14 =	vadd.f32 v14, v14;
	v13 =	vadd.f32 v13, v13  }
0xac: {  	v26 =	vld [tilespmem:s8+$0x190];
	v15 =	vadd.f32 v15, v21;
	(erf) = vpow2.f32 v12;
	v25 =	vperm.xlane v10, v3  }
0xad: {  	v28 =	vld [tilespmem:s8+$0x100];
	v19 =	vadd.f32 v19, v19;
	v27 =	vsub.f32 $1.000000000e+00, v11  }
0xae: {  	v15 =	vadd.f32 v15, v15;
	v23 =	vld [tilespmem:s8+$0x29D0];
	v17 =	vadd.f32 v17, v18;
	v11 =	vpop (erf)  }
0xaf: {  	v16 =	vadd.f32 v16, v22;
	v12 =	vld [tilespmem:s8+$0x2940];
	[tilespmem:s31+$0x7990] =	vst v27;
	v11 =	vadd.f32 v11, v11;
	v29 =	vpop (erf)  }
0xb0: {  	v10 =	vadd.f32 v10, v25;
	v30 =	vld [tilespmem:s8+$0x29C0];
	v29 =	vadd.f32 v29, v29;
	v25 =	vpop (erf)  }
0xb1: {  	v31 =	vld [tilespmem:s8+$0x180];
	v32 =	vsub.f32 $1.000000000e+00, v11;
	v11 =	vadd.f32 v25, v25  }
0xb2: {  	v17 =	vadd.f32 v17, v17;
	v33 =	vld [tilespmem:s8+$0x110];
	v18 =	vpop (erf);
	v25 =	vsub.f32 $1.000000000e+00, v29  }
0xb3: {  	v15 =	vmul.f32 $1.442695020e+00, v15;
	v61 =	vld [tilespmem:s8+$0x2950];
	v18 =	vadd.f32 v18, v18;
	[tilespmem:s31+$0x7910] =	vst v32;
	v34 =	vsub.f32 $1.000000000e+00, v11  }
0xb4: {  	v13 =	vsub.f32 $1.000000000e+00, v13;
	v16 =	vadd.f32 v16, v16;
	[tilespmem:s31+$0x7900] =	vst v25  }
0xb5: {  	(erf) = vpow2.f32 v15;
	v15 =	vmul.f32 $1.442695020e+00, v17;
	v35 =	vpop (erf);
	v18 =	vsub.f32 $1.000000000e+00, v18;
	v11 =	vld [tilespmem:s0+$0x51E0];
	[tilespmem:s31+$0x7980] =	vst v34  }
0xb6: {  	v19 =	vsub.f32 $1.000000000e+00, v19;
	v17 =	vadd.f32 v20, v24;
	v16 =	vmul.f32 $1.442695020e+00, v16;
	[tilespmem:s0+$0x7940] =	vst v35  }
0xb7: {  	v21 =	vperm.xlane v10, v4;
	(erf) = vpow2.f32 v15;
	v15 =	vsub.f32 $1.000000000e+00, v14;
	[tilespmem:s31+$0x79B0] =	vst v18  }
0xb8: {  	v20 =	vmul.f32 v27, v6;
	v12 =	vadd.f32 v12, v28;
	v17 =	vadd.f32 v17, v17;
	[tilespmem:s31+$0x79A0] =	vst v19  }
0xb9: {  	v10 =	vadd.f32 v10, v21;
	v21 =	vadd.f32 v23, v26;
	(erf) = vpow2.f32 v16;
	[tilespmem:s31+$0x7930] =	vst v13  }
0xba: {  	v22 =	vmul.f32 v15, v7;
	v23 =	vmul.f32 v25, v5;
	v14 =	vld [tilespmem:s0+$0x5100]  }
0xbb: {  	v17 =	vmul.f32 $1.442695020e+00, v17;
	v12 =	vadd.f32 v12, v12;
	v16 =	vadd.f32 v21, v21  }
0xbc: {  	v10 =	vsub.f32 v10, v9;
	v26 =	vmul.f32 v32, v6;
	v23 =	vadd.f32 $0.0e+00, v23  }
0xbd: {  	v12 =	vmul.f32 $1.442695020e+00, v12;
	v25 =	vadd.f32 v61, v33;
	v16 =	vmul.f32 $1.442695020e+00, v16  }
0xbe: {  	v10 =	vmul.f32 $1.442695020e+00, v10;
	v21 =	vmul.f32 v34, v5;
	v23 =	vadd.f32 v26, v23  }
0xbf: {  	v24 =	vadd.f32 v30, v31;
	(erf) = vpow2.f32 v16;
	v14 =	vmul.f32 v35, v14  }
0xc0: {  	v25 =	vadd.f32 v25, v25;
	v13 =	vmul.f32 v13, v8;
	v26 =	vpop (erf);
	v22 =	vadd.f32 v22, v23  }
0xc1: {  	v24 =	vadd.f32 v24, v24;
	v19 =	vmul.f32 v19, v7;
	[tilespmem:s0+$0x5100] =	vst v14;
	v14 =	vadd.f32 $1.000000000e+00, v26  }
0xc2: {  	v21 =	vadd.f32 $0.0e+00, v21;
	v27 =	vld [tilespmem:s0+$0x5110];
	v25 =	vmul.f32 $1.442695020e+00, v25;
	v13 =	vadd.f32 v13, v22;
	v26 =	vpop (erf)  }
0xc3: {  	v18 =	vmul.f32 v18, v8;
	v26 =	vadd.f32 $1.000000000e+00, v26;
	(erf) = vrcp.f32 v14  }
0xc4: {  	v62 =	vld [tilespmem:s0+$0x5120];
	v14 =	vadd.f32 v20, v21;
	v20 =	vpop (erf);
	v21 =	vperm.xlane v13, v1;
	(erf) = vpow2.f32 v25  }
0xc5: {  	v16 =	vld [tilespmem:s0+$0x5130];
	v24 =	vmul.f32 $1.442695020e+00, v24;
	v20 =	vadd.f32 $1.000000000e+00, v20;
	(erf) = vrcp.f32 v26  }
0xc6: {  	v63 =	vld [tilespmem:s0+$0x5150];
	v13 =	vadd.f32 v13, v21;
	(erf) = vpow2.f32 v12;
	v12 =	vadd.f32 v19, v14  }
0xc7: {  	v23 =	vld [tilespmem:s0+$0x5140];
	v27 =	vmul.f32 v35, v27;
	(erf) = vrcp.f32 v20  }
0xc8: {  	v22 =	vld [tilespmem:s0+$0x5160];
	v20 =	vperm.xlane v13, v2;
	(erf) = vpow2.f32 v24;
	v12 =	vadd.f32 v18, v12;
	v18 =	vpop (erf)  }
0xc9: {  	[tilespmem:s0+$0x5110] =	vst v27;
	v25 =	vld [tilespmem:s0+$0x5170];
	v19 =	vmul.f32 v35, v62;
	(erf) = vpow2.f32 v17;
	v17 =	vadd.f32 $1.000000000e+00, v18  }
0xca: {  	v16 =	vmul.f32 v35, v16;
	v14 =	vld [tilespmem:s0+$0x51C0];
	[tilespmem:s31+$0x7920] =	vst v15;
	v24 =	vadd.f32 v13, v20;
	(erf) = vpow2.f32 v10  }
0xcb: {  	[tilespmem:s0+$0x5120] =	vst v19;
	v19 =	vperm.xlane v12, v1;
	(erf) = vrcp.f32 v17  }
0xcc: {  	v15 =	vld [tilespmem:s0+$0x5180];
	v26 =	vperm.xlane v24, v3;
	v17 =	vmul.f32 v63, v35;
	v13 =	vpop (erf)  }
0xcd: {  	[tilespmem:s0+$0x5130] =	vst v16;
	v21 =	vld [tilespmem:s0+$0x51B0];
	v10 =	vmul.f32 v35, v23;
	v16 =	vadd.f32 v12, v19;
	v12 =	vadd.f32 v13, v13;
	v13 =	vpop (erf)  }
0xce: {  	v18 =	vld [tilespmem:s0+$0x51D0];
	v23 =	vmul.f32 v22, v35;
	v24 =	vadd.f32 v24, v26;
	v27 =	vadd.f32 $1.000000000e+00, v13;
	v13 =	vpop (erf)  }
0xcf: {  	v20 =	vld [tilespmem:s0+$0x51F0];
	[tilespmem:s0+$0x5140] =	vst v10;
	v19 =	vperm.xlane v16, v2;
	v10 =	vsub.f32 $1.000000000e+00, v12;
	v13 =	vadd.f32 v13, v13;
	v22 =	vpop (erf)  }
0xd0: {  	s15 =	simm.s32 $0xC00;
	[tilespmem:s0+$0x5150] =	vst v17;
	v12 =	vmul.f32 v25, v35;
	v25 =	vadd.f32 $1.000000000e+00, v22;
	(erf) = vrcp.f32 v27;
	v17 =	vpop (erf);
	v22 =	vld [tilespmem:s0+$0x51A0]  }
.LBB2_9:
0xd1: {  	s17 =	sshra.s32 s15, $0x2;
	p1 =	sne.s32 s15, $0x9C00;
	s15 =	sadd.s32 $0x400, s15;
	v26 =	vpop (erf);
	v16 =	vadd.f32 v16, v19;
	[tilespmem:s0+$0x5160] =	vst v23;
	v19 =	vld [tilespmem:s0+$0x5190]  }
0xd2: {  	v23 =	vld [tilespmem:s17+$0x2970];
	v26 =	vadd.f32 $1.000000000e+00, v26;
	(erf) = vrcp.f32 v25;
	v25 =	vpop (erf);
	v32 =	vperm.xlane v24, v4  }
0xd3: {  	v28 =	vld [tilespmem:s17+$0x2960];
	v25 =	vadd.f32 $1.000000000e+00, v25;
	v29 =	vperm.xlane v16, v3;
	v30 =	vpop (erf)  }
0xd4: {  	v31 =	vld [tilespmem:s17+$0x29F0];
	(erf) = vrcp.f32 v26;
	v24 =	vadd.f32 v24, v32;
	[tilespmem:s0+$0x79C0] =	vst v30;
	v21 =	vmul.f32 v30, v21  }
0xd5: {  	v26 =	vld [tilespmem:s17+$0x120];
	v27 =	vpop (erf);
	(erf) = vrcp.f32 v25;
	v16 =	vadd.f32 v16, v29;
	v22 =	vmul.f32 v30, v22  }
0xd6: {  	v11 =	vmul.f32 v11, v30;
	v25 =	vld [tilespmem:s17+$0x130];
	v27 =	vadd.f32 v27, v27;
	v24 =	vsub.f32 v24, v9;
	[tilespmem:s0+$0x51B0] =	vst v21  }
0xd7: {  	v20 =	vmul.f32 v20, v30;
	v21 =	vld [tilespmem:s17+$0x29E0];
	v29 =	vperm.xlane v16, v4;
	[tilespmem:s0+$0x51A0] =	vst v22  }
0xd8: {  	v18 =	vmul.f32 v18, v30;
	v22 =	vld [tilespmem:s17+$0x1B0];
	v27 =	vsub.f32 $1.000000000e+00, v27;
	v24 =	vmul.f32 $1.442695020e+00, v24;
	[tilespmem:s0+$0x51E0] =	vst v11  }
0xd9: {  	v15 =	vmul.f32 v30, v15;
	v19 =	vmul.f32 v30, v19;
	v11 =	vld [tilespmem:s17+$0x1A0];
	v32 =	vpop (erf);
	v16 =	vadd.f32 v16, v29;
	[tilespmem:s0+$0x51F0] =	vst v20  }
0xda: {  	v20 =	vadd.f32 v28, v26;
	v26 =	vld [tilespmem:s17+$0x29D0];
	v28 =	vadd.f32 v32, v32;
	(erf) = vpow2.f32 v24;
	[tilespmem:s0+$0x51D0] =	vst v18  }
0xdb: {  	v17 =	vadd.f32 v17, v17;
	v24 =	vmul.f32 v27, v6;
	v18 =	vadd.f32 v23, v25;
	v23 =	vld [tilespmem:s17+$0x190];
	v25 =	vpop (erf);
	[tilespmem:s0+$0x5180] =	vst v15  }
0xdc: {  	v14 =	vmul.f32 v30, v14;
	v15 =	vld [tilespmem:s17+$0x100];
	v20 =	vadd.f32 v20, v20;
	v25 =	vadd.f32 v25, v25;
	[tilespmem:s0+$0x5190] =	vst v19  }
0xdd: {  	v29 =	vmul.f32 v10, v7;
	v19 =	vld [tilespmem:s17+$0x2940];
	v18 =	vadd.f32 v18, v18;
	v22 =	vadd.f32 v31, v22;
	[tilespmem:s8+$0x7990] =	vst v27;
	v27 =	vpop (erf)  }
0xde: {  	v20 =	vmul.f32 $1.442695020e+00, v20;
	v30 =	vld [tilespmem:s17+$0x29C0];
	v11 =	vadd.f32 v21, v11;
	v21 =	vadd.f32 v27, v27;
	v27 =	vpop (erf);
	[tilespmem:s0+$0x51C0] =	vst v14  }
0xdf: {  	v28 =	vsub.f32 $1.000000000e+00, v28;
	v14 =	vmul.f32 $1.442695020e+00, v18;
	v18 =	vld [tilespmem:s17+$0x180];
	v22 =	vadd.f32 v22, v22  }
0xe0: {  	v31 =	vld [tilespmem:s17+$0x110];
	v11 =	vadd.f32 v11, v11;
	(erf) = vpow2.f32 v20;
	v20 =	vsub.f32 $1.000000000e+00, v25  }
0xe1: {  	v25 =	vld [tilespmem:s17+$0x2950];
	(erf) = vpow2.f32 v14;
	[tilespmem:s8+$0x7910] =	vst v28;
	v14 =	vsub.f32 $1.000000000e+00, v21;
	v21 =	vadd.f32 v27, v27  }
0xe2: {  	v15 =	vadd.f32 v19, v15;
	v19 =	vmul.f32 $1.442695020e+00, v11;
	[tilespmem:s8+$0x7900] =	vst v20;
	v20 =	vmul.f32 v20, v5;
	v11 =	vld [tilespmem:s31+$0x51E0]  }
0xe3: {  	v23 =	vadd.f32 v26, v23;
	v22 =	vmul.f32 $1.442695020e+00, v22;
	[tilespmem:s8+$0x7980] =	vst v14;
	v21 =	vsub.f32 $1.000000000e+00, v21;
	v26 =	vpop (erf)  }
0xe4: {  	v17 =	vsub.f32 $1.000000000e+00, v17;
	v18 =	vadd.f32 v30, v18;
	(erf) = vpow2.f32 v19;
	[tilespmem:s31+$0x7940] =	vst v26  }
0xe5: {  	v13 =	vsub.f32 $1.000000000e+00, v13;
	v14 =	vmul.f32 v14, v5;
	v19 =	vadd.f32 v23, v23;
	[tilespmem:s8+$0x79B0] =	vst v21  }
0xe6: {  	v20 =	vadd.f32 $0.0e+00, v20;
	v23 =	vadd.f32 v25, v31;
	v25 =	vmul.f32 v28, v6;
	[tilespmem:s8+$0x79A0] =	vst v17  }
0xe7: {  	v18 =	vadd.f32 v18, v18;
	v19 =	vmul.f32 $1.442695020e+00, v19;
	v17 =	vmul.f32 v17, v7;
	[tilespmem:s8+$0x7930] =	vst v13  }
0xe8: {  	v13 =	vmul.f32 v13, v8;
	v23 =	vadd.f32 v23, v23;
	v20 =	vadd.f32 v25, v20;
	v25 =	vld [tilespmem:s31+$0x5100]  }
0xe9: {  	v15 =	vadd.f32 v15, v15;
	v14 =	vadd.f32 $0.0e+00, v14;
	v27 =	vpop (erf);
	(erf) = vpow2.f32 v19  }
0xea: {  	v18 =	vmul.f32 $1.442695020e+00, v18;
	v19 =	vadd.f32 $1.000000000e+00, v27;
	v27 =	vpop (erf);
	v28 =	vadd.f32 v29, v20  }
0xeb: {  	v15 =	vmul.f32 $1.442695020e+00, v15;
	v23 =	vmul.f32 $1.442695020e+00, v23;
	v27 =	vadd.f32 $1.000000000e+00, v27  }
0xec: {  	v14 =	vadd.f32 v24, v14;
	(erf) = vrcp.f32 v19;
	v13 =	vadd.f32 v13, v28;
	v19 =	vld [tilespmem:s31+$0x5110]  }
0xed: {  	v16 =	vsub.f32 v16, v9;
	(erf) = vpow2.f32 v23;
	v20 =	vpop (erf);
	v23 =	vmul.f32 v26, v25  }
0xee: {  	v20 =	vadd.f32 $1.000000000e+00, v20;
	(erf) = vrcp.f32 v27;
	v24 =	vperm.xlane v13, v1;
	v25 =	vld [tilespmem:s31+$0x5120]  }
0xef: {  	v14 =	vadd.f32 v17, v14;
	(erf) = vpow2.f32 v15;
	v15 =	vmul.f32 v21, v8;
	[tilespmem:s31+$0x5100] =	vst v23;
	v17 =	vld [tilespmem:s31+$0x5130]  }
0xf0: {  	v16 =	vmul.f32 $1.442695020e+00, v16;
	(erf) = vrcp.f32 v20;
	v13 =	vadd.f32 v13, v24;
	v20 =	vld [tilespmem:s31+$0x5140]  }
0xf1: {  	(erf) = vpow2.f32 v18;
	v15 =	vadd.f32 v15, v14;
	v14 =	vmul.f32 v26, v19;
	v18 =	vld [tilespmem:s31+$0x5150];
	[tilespmem:s0+$0x5170] =	vst v12;
	s0 =	smov.u32 s31;
	s31 =	smov.u32 s8;
	s8 =	smov.u32 s17  }
0xf2: {  	v12 =	vpop (erf);
	(erf) = vpow2.f32 v22;
	v23 =	vperm.xlane v13, v2;
	v21 =	vld [tilespmem:s0+$0x5160]  }
0xf3: {  	v12 =	vadd.f32 $1.000000000e+00, v12;
	v22 =	vperm.xlane v15, v1;
	[tilespmem:s0+$0x5110] =	vst v14;
	v24 =	vld [tilespmem:s0+$0x5170];
	(erf) = vpow2.f32 v16  }
0xf4: {  	v27 =	vadd.f32 v13, v23;
	v23 =	vmul.f32 v26, v25;
	v17 =	vmul.f32 v26, v17;
	v14 =	vld [tilespmem:s0+$0x51C0]  }
.Ltmp5:
0xf5: {  	v19 =	vpop (erf);
	(erf) = vrcp.f32 v12;
	[tilespmem:s31+$0x7920] =	vst v10;
	v16 =	vadd.f32 v15, v22;
	v12 =	vmul.f32 v26, v20;
	v15 =	vld [tilespmem:s0+$0x5180];
	(pc) =	sbr.rel @p1 .LBB2_9-.Ltmp5, $4  }
0xf6: {  	v10 =	vadd.f32 v19, v19;
	v19 =	vpop (erf);
	v22 =	vperm.xlane v27, v3;
	[tilespmem:s0+$0x5120] =	vst v23;
	v28 =	vmul.f32 v18, v26;
	v18 =	vld [tilespmem:s0+$0x51D0]  }
0xf7: {  	v29 =	vadd.f32 $1.000000000e+00, v19;
	v13 =	vpop (erf);
	v19 =	vperm.xlane v16, v2;
	[tilespmem:s0+$0x5130] =	vst v17;
	v23 =	vmul.f32 v21, v26;
	v20 =	vld [tilespmem:s0+$0x51F0]  }
0xf8: {  	v10 =	vsub.f32 $1.000000000e+00, v10;
	v13 =	vadd.f32 v13, v13;
	v17 =	vpop (erf);
	[tilespmem:s0+$0x5140] =	vst v12;
	v12 =	vmul.f32 v24, v26;
	v21 =	vld [tilespmem:s0+$0x51B0]  }
0xf9: {  	v24 =	vadd.f32 v27, v22;
	v25 =	vadd.f32 $1.000000000e+00, v17;
	(erf) = vrcp.f32 v29;
	v17 =	vpop (erf);
	[tilespmem:s0+$0x5150] =	vst v28;
	v22 =	vld [tilespmem:s0+$0x51A0]  }
0xfa: {  	_ = 	snop  }
0xfb: {  	v26 =	vpop (erf);
	v27 =	vperm.xlane v24, v4  }
0xfc: {  	v26 =	vadd.f32 $1.000000000e+00, v26  }
0xfd: {  	(erf) = vrcp.f32 v25;
	v35 =	vpop (erf);
	v24 =	vadd.f32 v24, v27  }
0xfe: {  	v36 =	vpop (erf);
	v25 =	vadd.f32 $1.000000000e+00, v35;
	(erf) = vrcp.f32 v26  }
0xff: {  	[tilespmem:s0+$0x5160] =	vst v23;
	v21 =	vmul.f32 v36, v21;
	v24 =	vsub.f32 v24, v9  }
0x100: {  	v37 =	vld [tilespmem:s0+$0x5190];
	[tilespmem:s0+$0x79C0] =	vst v36;
	v11 =	vmul.f32 v11, v36;
	(erf) = vrcp.f32 v25  }
0x101: {  	v20 =	vmul.f32 v20, v36;
	[tilespmem:s0+$0x51B0] =	vst v21;
	v38 =	vmul.f32 $1.442695020e+00, v24  }
0x102: {  	v18 =	vmul.f32 v18, v36;
	[tilespmem:s0+$0x51E0] =	vst v11  }
0x103: {  	v15 =	vmul.f32 v36, v15;
	v39 =	vpop (erf);
	[tilespmem:s0+$0x51F0] =	vst v20;
	(erf) = vpow2.f32 v38  }
0x104: {  	v22 =	vmul.f32 v36, v22;
	v11 =	vadd.f32 v39, v39;
	[tilespmem:s0+$0x51D0] =	vst v18  }
0x105: {  	v41 =	vmul.f32 v36, v37;
	[tilespmem:s0+$0x5180] =	vst v15;
	v40 =	vpop (erf)  }
0x106: {  	[tilespmem:s0+$0x51A0] =	vst v22;
	v11 =	vsub.f32 $1.000000000e+00, v11;
	v42 =	vadd.f32 v40, v40;
	v43 =	vpop (erf)  }
0x107: {  	v14 =	vmul.f32 v36, v14;
	[tilespmem:s0+$0x5190] =	vst v41;
	v44 =	vadd.f32 v43, v43;
	v45 =	vpop (erf)  }
0x108: {  	[tilespmem:s8+$0x7990] =	vst v11;
	v18 =	vsub.f32 $1.000000000e+00, v42;
	v20 =	vadd.f32 v45, v45  }
0x109: {  	[tilespmem:s0+$0x51C0] =	vst v14;
	v46 =	vsub.f32 $1.000000000e+00, v44;
	v47 =	vpop (erf)  }
0x10a: {  	[tilespmem:s8+$0x7910] =	vst v18;
	v15 =	vadd.f32 v47, v47;
	v20 =	vsub.f32 $1.000000000e+00, v20  }
0x10b: {  	v17 =	vadd.f32 v17, v17;
	[tilespmem:s8+$0x7900] =	vst v46  }
0x10c: {  	v21 =	vld [tilespmem:s31+$0x51E0];
	v15 =	vsub.f32 $1.000000000e+00, v15;
	[tilespmem:s8+$0x7980] =	vst v20;
	v22 =	vpop (erf)  }
0x10d: {  	v17 =	vsub.f32 $1.000000000e+00, v17;
	[tilespmem:s31+$0x7940] =	vst v22  }
0x10e: {  	v13 =	vsub.f32 $1.000000000e+00, v13;
	[tilespmem:s8+$0x79B0] =	vst v15  }
0x10f: {  	[tilespmem:s8+$0x79A0] =	vst v17  }
0x110: {  	v16 =	vadd.f32 v16, v19;
	[tilespmem:s8+$0x7930] =	vst v13  }
0x111: {  	v48 =	vld [tilespmem:s31+$0x5100]  }
0x112: {  	v53 =	vperm.xlane v16, v3;
	_ =	sdelay $0x1  }
0x113: {  	v16 =	vadd.f32 v16, v53;
	v50 =	vld [tilespmem:s31+$0x5110]  }
0x114: {  	v14 =	vmul.f32 v46, v5  }
0x115: {  	v58 =	vperm.xlane v16, v4;
	v52 =	vld [tilespmem:s31+$0x5120];
	v51 =	vmul.f32 v22, v48  }
0x116: {  	v18 =	vmul.f32 v18, v6;
	v14 =	vadd.f32 $0.0e+00, v14;
	v54 =	vld [tilespmem:s31+$0x5130]  }
0x117: {  	v16 =	vadd.f32 v16, v58;
	v55 =	vld [tilespmem:s31+$0x5140];
	[tilespmem:s31+$0x5100] =	vst v51  }
0x118: {  	v14 =	vadd.f32 v18, v14;
	v57 =	vld [tilespmem:s31+$0x5150];
	v18 =	vmul.f32 v22, v50;
	[tilespmem:s0+$0x5170] =	vst v12  }
0x119: {  	v49 =	vmul.f32 v10, v7;
	v16 =	vsub.f32 v16, v9;
	v60 =	vld [tilespmem:s31+$0x5160]  }
0x11a: {  	[tilespmem:s31+$0x5110] =	vst v18;
	v62 =	vld [tilespmem:s31+$0x5170]  }
0x11b: {  	v13 =	vmul.f32 v13, v8;
	v14 =	vadd.f32 v49, v14;
	v63 =	vld [tilespmem:s31+$0x51C0];
	[tilespmem:s8+$0x7920] =	vst v10;
	v10 =	vmul.f32 $1.442695020e+00, v16;
	_ =	sdelay $0x1  }
0x11c: {  	v13 =	vadd.f32 v13, v14;
	(erf) = vpow2.f32 v10;
	_ =	sdelay $0x1  }
0x11d: {  	v56 =	vperm.xlane v13, v1;
	_ =	sdelay $0x1  }
0x11e: {  	v38 =	vmul.f32 v20, v5;
	v59 =	vadd.f32 v13, v56  }
0x11f: {  	v10 =	vld [tilespmem:s31+$0x51D0]  }
0x120: {  	v11 =	vmul.f32 v11, v6;
	v40 =	vadd.f32 $0.0e+00, v38;
	v61 =	vperm.xlane v59, v2;
	_ =	sdelay $0x1  }
0x121: {  	v17 =	vmul.f32 v17, v7;
	v11 =	vadd.f32 v11, v40;
	v12 =	vadd.f32 v59, v61  }
0x122: {  	v43 =	vmul.f32 v15, v8;
	v37 =	vpop (erf)  }
0x123: {  	v11 =	vadd.f32 v17, v11;
	v30 =	vperm.xlane v12, v3;
	v10 =	vmul.f32 v10, v37;
	_ =	sdelay $0x1  }
0x124: {  	v11 =	vadd.f32 v43, v11;
	v12 =	vadd.f32 v12, v30;
	[tilespmem:s31+$0x51D0] =	vst v10;
	v10 =	vmul.f32 v37, v63  }
0x125: {  	v28 =	vmul.f32 v22, v52;
	v14 =	vmul.f32 v22, v54  }
0x126: {  	v35 =	vld [tilespmem:s31+$0x51B0];
	v34 =	vperm.xlane v12, v4;
	[tilespmem:s31+$0x51C0] =	vst v10;
	v10 =	vperm.xlane v11, v1  }
0x127: {  	v31 =	vmul.f32 v22, v55;
	[tilespmem:s31+$0x5120] =	vst v28;
	v36 =	vld [tilespmem:s31+$0x51A0]  }
0x128: {  	v33 =	vmul.f32 v57, v22;
	[tilespmem:s31+$0x5130] =	vst v14;
	v32 =	vld [tilespmem:s31+$0x51F0];
	v12 =	vadd.f32 v12, v34;
	v10 =	vadd.f32 v11, v10  }
0x129: {  	[tilespmem:s31+$0x5140] =	vst v31;
	v13 =	vmul.f32 v60, v22  }
0x12a: {  	v29 =	vld [tilespmem:s31+$0x5180];
	[tilespmem:s31+$0x5150] =	vst v33;
	v12 =	vsub.f32 v12, v9;
	v46 =	vperm.xlane v10, v2  }
0x12b: {  	v39 =	vld [tilespmem:s31+$0x5190];
	[tilespmem:s31+$0x5160] =	vst v13;
	v23 =	vmul.f32 v37, v35  }
0x12c: {  	v12 =	vmul.f32 $1.442695020e+00, v12;
	[tilespmem:s31+$0x79C0] =	vst v37;
	v18 =	vmul.f32 v37, v36;
	v10 =	vadd.f32 v10, v46  }
0x12d: {  	v41 =	vmul.f32 v21, v37;
	v14 =	vmul.f32 v32, v37;
	[tilespmem:s31+$0x51B0] =	vst v23  }
0x12e: {  	(erf) = vpow2.f32 v12;
	[tilespmem:s31+$0x51A0] =	vst v18;
	v48 =	vperm.xlane v10, v3  }
0x12f: {  	v42 =	vmul.f32 v37, v29;
	[tilespmem:s31+$0x51E0] =	vst v41  }
0x130: {  	v44 =	vmul.f32 v37, v39;
	[tilespmem:s31+$0x51F0] =	vst v14;
	v10 =	vadd.f32 v10, v48  }
0x131: {  	[tilespmem:s31+$0x5180] =	vst v42  }
0x132: {  	[tilespmem:s31+$0x5190] =	vst v44;
	v52 =	vperm.xlane v10, v4  }
0x133: {  	v11 =	vld [tilespmem:s8+$0x5100]  }
0x134: {  	v10 =	vadd.f32 v10, v52;
	_ =	sdelay $0x1  }
0x135: {  	v12 =	vld [tilespmem:s8+$0x51E0];
	v10 =	vsub.f32 v10, v9  }
0x136: {  	v47 =	vld [tilespmem:s8+$0x5110];
	v45 =	vpop (erf)  }
0x137: {  	v49 =	vld [tilespmem:s8+$0x5120];
	v11 =	vmul.f32 v45, v11;
	v10 =	vmul.f32 $1.442695020e+00, v10  }
0x138: {  	v50 =	vmul.f32 v62, v22;
	v51 =	vld [tilespmem:s8+$0x5140];
	[tilespmem:s8+$0x7940] =	vst v45  }
0x139: {  	v19 =	vld [tilespmem:s8+$0x5150];
	[tilespmem:s8+$0x5100] =	vst v11;
	(erf) = vpow2.f32 v10  }
0x13a: {  	v11 =	vld [tilespmem:s8+$0x5130];
	[tilespmem:s31+$0x5170] =	vst v50  }
0x13b: {  	v14 =	vmul.f32 v45, v47;
	v15 =	vld [tilespmem:s8+$0x5160]  }
0x13c: {  	v16 =	vmul.f32 v45, v49;
	v53 =	vld [tilespmem:s8+$0x5170]  }
0x13d: {  	v56 =	vmul.f32 v45, v51;
	[tilespmem:s8+$0x5110] =	vst v14  }
0x13e: {  	v57 =	vmul.f32 v19, v45;
	[tilespmem:s8+$0x5120] =	vst v16;
	v58 =	vld [tilespmem:s8+$0x51B0]  }
0x13f: {  	[tilespmem:s8+$0x5140] =	vst v56;
	v59 =	vld [tilespmem:s8+$0x51A0];
	v11 =	vmul.f32 v45, v11  }
0x140: {  	[tilespmem:s8+$0x5150] =	vst v57;
	v15 =	vmul.f32 v15, v45  }
0x141: {  	[tilespmem:s8+$0x5130] =	vst v11;
	v11 =	vld [tilespmem:s8+$0x51F0];
	v63 =	vmul.f32 v53, v45  }
0x142: {  	[tilespmem:s8+$0x5160] =	vst v15;
	v10 =	vld [tilespmem:s8+$0x51D0];
	v60 =	vpop (erf)  }
0x143: {  	v55 =	vld [tilespmem:s8+$0x5180];
	[tilespmem:s8+$0x5170] =	vst v63;
	v16 =	vmul.f32 v60, v58  }
0x144: {  	v61 =	vld [tilespmem:s8+$0x5190];
	[tilespmem:s8+$0x79C0] =	vst v60;
	v17 =	vmul.f32 v60, v59  }
0x145: {  	v54 =	vld [tilespmem:s8+$0x51C0];
	v12 =	vmul.f32 v12, v60;
	[tilespmem:s8+$0x51B0] =	vst v16  }
0x146: {  	v11 =	vmul.f32 v11, v60;
	[tilespmem:s8+$0x51A0] =	vst v17  }
0x147: {  	v10 =	vmul.f32 v10, v60;
	[tilespmem:s8+$0x51E0] =	vst v12  }
0x148: {  	v62 =	vmul.f32 v60, v55;
	[tilespmem:s8+$0x51F0] =	vst v11  }
0x149: {  	v11 =	vmul.f32 v60, v61;
	[tilespmem:s8+$0x51D0] =	vst v10  }
0x14a: {  	[tilespmem:s8+$0x5180] =	vst v62;
	v10 =	vmul.f32 v60, v54  }
0x14b: {  	[tilespmem:s8+$0x5190] =	vst v11  }
0x14c: {  	[tilespmem:s8+$0x51C0] =	vst v10  }
0x14d: {  	[spmem:s1] =	stream.indirect.scatter.add.f32 [tilespmem:s23], [sflag:$0x2], $0x80, s2, s20, $0xb8;
	[tilespmem:$0x1F200] =	vst v63  }
0x14e: {  	s29 =	sadd.s32 $0x1, s29;
	_ =	swait.ge [sflag:s16], $0x2800  }
0x14f: {  	p1 =	sne.s32 s29, $0x7D;
	s31 =	sshll.u32 s30, $0x4;
	[sflag:s16] =	ssyncset.done $0x0  }
.Ltmp6:
0x150: {  	s0 =	sadd.s32 s10, s31;
	[sflag:s16] =	ssyncadd.s32 $0xFFFFD800;
	(pc) =	sbr.rel @p1 .LBB2_8-.Ltmp6, $4  }
0x151: {  	[hbm4b:s0+s2] =	stream.linear.scatter [tilespmem:s25], [sflag:$0x2], $0x2800, $0x38;
	[tilespmem:$0x1F200] =	vst v63  }
0x152: {  	_ =	swait.ge [sflag:s16], $0x2800  }
0x153: {  	[sflag:s16] =	ssyncset.done $0x0  }
0x154: {  	[sflag:s16] =	ssyncadd.s32 $0xFFFFD800  }
.Ltmp7:
0x155: {  	(pc) =	sbr.rel @p0 .LBB2_15-.Ltmp7, $2  }
0x156: {  	_ =	sdelay $0x1  }
0x157: {  	[bflag:$0x0] =	sbarrier.arrive $0xFFFF;
	_ =	sdelay $0x1  }
0x158: {  	[tilespmem:s18], [sflag:$0x2] =	stream.linear.gather [spmem:s13], $0x1400, $0x38;
	[tilespmem:$0x1F200] =	vst v63  }
0x159: {  	_ =	swait.ge [sflag:s16], $0x1400  }
0x15a: {  	[sflag:s16] =	ssyncset.done $0x0  }
0x15b: {  	s0 =	sadd.s32 $0x0, s14;
	[sflag:s16] =	ssyncadd.s32 $0xFFFFEC00  }
0x15c: {  	[hbm4b:s0+s2] =	stream.linear.scatter [tilespmem:s18], [sflag:$0x2], $0x1400, $0x38;
	[tilespmem:$0x1F200] =	vst v63  }
0x15d: {  	_ =	swait.ge [sflag:s16], $0x1400  }
0x15e: {  	s8 =	smov.u32 s13;
	s0 =	simm.s32 $0x280;
	[sflag:s16] =	ssyncset.done $0x0  }
.LBB2_13:
0x15f: {  	p1 =	sne.s32 s0, $0x3C00;
	[sflag:s16] =	ssyncadd.s32 $0xFFFFEC00;
	s8 =	sadd.s32 $0x1400, s8  }
0x160: {  	[tilespmem:s18], [sflag:$0x2] =	stream.linear.gather [spmem:s8], $0x1400, $0x38;
	[tilespmem:$0x1F200] =	vst v63  }
0x161: {  	s15 =	smov.u32 s0;
	s0 =	sadd.s32 $0x280, s0;
	_ =	swait.ge [sflag:s16], $0x1400  }
.Ltmp8:
0x162: {  	[sflag:s16] =	ssyncset.done $0x0;
	(pc) =	sbr.rel @p1 .LBB2_13-.Ltmp8, $4  }
0x163: {  	s15 =	sadd.s32 s15, s14;
	[sflag:s16] =	ssyncadd.s32 $0xFFFFEC00  }
0x164: {  	[hbm4b:s15+s2] =	stream.linear.scatter [tilespmem:s18], [sflag:$0x2], $0x1400, $0x38;
	[tilespmem:$0x1F200] =	vst v63  }
0x165: {  	_ =	swait.ge [sflag:s16], $0x1400  }
0x166: {  	[sflag:s16] =	ssyncset.done $0x0  }
.Ltmp9:
0x167: {  	(pc) =	sbr.rel .LBB2_15-.Ltmp9, $2  }
0x168: {  	_ =	sdelay $0x2  }
0x169: {  	[sflag:s16] =	ssyncadd.s32 $0xFFFFEC00  }
.LBB2_16:
0x16a: {  	_ =	sfence.sel $0x180000  }
0x16b: {  	[bflag:$0x0] =	sbarrier.arrive $0xFFFF  }
0x16c: {  	_ =	strace $0x9000004A  }
0x16d: {  	s0 =	stileid.u32;
	[bflag:$0x2] =	sbarrier.arrive $0xFFFF  }
0x16e: {  	p0 =	sne.s32 s0, $0x0;
	s0 =	rddreg [dreg:$0x2]  }
0x16f: {  	s0 =	sadd.s32 @!p0 $0x100000, s0  }
0x170: {  	[sflag:s0] =	ssyncadd.tile.s32 @!p0 $0x1;
	_ =	shalt  }
.Lfunc_end2:
_tile_overlayer_lowered:
.L_overlay_start_2:
0x171: {  	(tag) =	ssettag $0x2  }
0x172: {  	s0 =	rddreg [dreg:$0x0];
	s2 =	stileid.u32  }
0x173: {  	s1 =	rddreg [dreg:$0x1];
	p0 =	sne.s32 s2, $0x0  }
0x174: {  	s3 =	rddreg [dreg:$0x2];
	[bflag:$0x3] =	sbarrier.arrive $0xFFFF;
	s2 =	simm.s32 @!p0 $0x1C02  }
0x175: {  	[timem:s3], [sflag:s2] =	dma.local @!p0 [hbm:s0], s1  }
0x176: {  	s0 =	simm.s32 @!p0 $0x2  }
0x177: {  	_ =	swait.ge @!p0 [sflag:s0], s1  }
0x178: {  	s1 =	ssub.s32 @!p0 $0x0, s1;
	[sflag:s0] =	ssyncset.done @!p0 $0x0  }
0x179: {  	[sflag:s0] =	ssyncadd.s32 @!p0 s1  }
0x17a: {  	[bflag:$0x3] =	sbarrier.arrive $0xFFFF  }
0x17b: {  	_ =	shalt  }

// kernel: sc_mpnn_agg.3.cloned.1.call-start
scs
__scs_entry_jumppad:
0x0: {  	(pc) =	sbr.rel $0x88, $3  }
0x1: {  	(tag) =	ssettag $0x0;
	lr =	simm.s32 $0x1  }
0x2: {  	[smem:$0x3F85] =	sst lr;
	_ =	strace $0xD0000000  }
0x3: {  	_ = 	snop  }
0x4: {  	_ = 	snop  }
0x5: {  	_ = 	snop  }
0x6: {  	_ = 	snop  }
0x7: {  	_ = 	snop  }
__scs_overlays_trampoline_lowered:
0x8: {  	[smem:$0x3F94] =	sst s0  }
0x9: {  	[smem:$0x3F95] =	sst s1  }
0xa: {  	[smem:$0x3F96] =	sst s2  }
0xb: {  	[smem:$0x3F97] =	sst s3  }
0xc: {  	[smem:$0x3F98] =	sst s4  }
0xd: {  	[smem:$0x3F99] =	sst s5  }
0xe: {  	[smem:$0x3F9A] =	sst s6  }
0xf: {  	[smem:$0x3F9B] =	sst s7  }
0x10: {  	[smem:$0x3F9C] =	sst s8  }
0x11: {  	[smem:$0x3F9D] =	sst s9;
	s0 =	simm.s32 @!p0 $0x0  }
0x12: {  	s1 =	sld [smem:$0x3F83];
	s0 =	simm.s32 @p0 $0x1  }
0x13: {  	[smem:$0x3F9E] =	sst s0;
	s0 =	simm.s32 @!p1 $0x0  }
0x14: {  	s2 =	sld [smem:$0x3F82];
	s0 =	simm.s32 @p1 $0x1  }
0x15: {  	[smem:$0x3F9F] =	sst s0;
	s0 =	simm.s32 @!p2 $0x0  }
0x16: {  	s3 =	sld [smem:$0x3FDB];
	s0 =	simm.s32 @p2 $0x1  }
0x17: {  	s4 =	simm.s32 $0x1BF5;
	[smem:$0x3FA1] =	sst s0  }
0x18: {  	s0 =	sld [smem:$0x3F84];
	_ =	swait.ge [sflag:s4], $0x0  }
0x19: {  	s7 =	sld [smem:$0x3F85]  }
0x1a: {  	s8 =	sadd.s32 $0xFFFFE003, lr  }
0x1b: {  	s9 =	sadd.s32 $0xFFFFFEF7, lr;
	s5 =	simm.s32 $0xFFFFFFFF;
	p2 =	slt.u32 s8, $0xFFFFF086  }
0x1c: {  	p1 =	slt.u32 s9, $0xF7A;
	s5 =	simm.s32 @!p2 $0x0  }
0x1d: {  	s5 =	simm.s32 @p1 $0x1;
	p0 =	seq.s32 s7, s2  }
0x1e: {  	s7 =	smul.u32 @!p0 $0xF7A, s2;
	p2 =	seq.s32 @!p0 s5, $0x0  }
0x1f: {  	s9 =	smul.u32 $0xF7A, s1;
	s8 =	simm.s32 @!p0 $0x1BF5;
	p2 =	por !p2, p0  }
0x20: {  	[sflag:s8] =	ssyncset.s32 @!p0 $0xFFFFF086;
	s6 =	sadd.s32 @!p0 s3, s7;
	s7 =	simm.s32 @!p0 $0x108  }
0x21: {  	s3 =	sadd.s32 s3, s9;
	s6 =	sadd.s32 @!p0 $0x88, s6;
	s7 =	simm.s32 @p2 $0x1082  }
0x22: {  	[simem:s7], [sflag:s8] =	dma.local @!p0 [hbm:s6], $0xF7A  }
0x23: {  	s9 =	sor.u32 $0xD0000000, s2;
	s6 =	simm.s32 $0x108;
	_ =	swait.ge @!p0 [sflag:s8], $0x0  }
0x24: {  	s3 =	sadd.s32 $0x88, s3;
	s6 =	simm.s32 @!p1 $0x1082;
	[sflag:s4] =	ssyncset.s32 $0xFFFFF086  }
0x25: {  	[simem:s6], [sflag:s4] =	dma.local [hbm:s3], $0xF7A  }
0x26: {  	[smem:$0x3F85] =	sst s1;
	(tag) =	ssettag s2;
	_ =	strace s9  }
0x27: {  	s1 =	sld [smem:$0x3F95]  }
0x28: {  	s2 =	sld [smem:$0x3F96]  }
0x29: {  	s4 =	sld [smem:$0x3F98]  }
0x2a: {  	p0 =	seq.s32 s5, $0x0;
	s5 =	sld [smem:$0x3F99]  }
0x2b: {  	s6 =	sld [smem:$0x3F9A]  }
0x2c: {  	s7 =	sld [smem:$0x3F9B]  }
0x2d: {  	s3 =	simm.s32 $0x108;
	s8 =	sld [smem:$0x3F9C]  }
0x2e: {  	s3 =	simm.s32 @!p0 $0x1082;
	s9 =	sld [smem:$0x3F9D]  }
0x2f: {  	lr =	sadd.s32 s0, s3;
	s0 =	sld [smem:$0x3F94]  }
0x30: {  	s3 =	sld [smem:$0x3F97]  }
0x31: {  	[smem:$0x3FA0] =	sst s10  }
0x32: {  	s10 =	sld [smem:$0x3F9E];
	_ =	sdelay $0x3  }
0x33: {  	p0 =	seq.s32 s10, $0x1;
	s10 =	sld [smem:$0x3FA0];
	_ =	sdelay $0x3  }
0x34: {  	[smem:$0x3FA0] =	sst s10  }
0x35: {  	s10 =	sld [smem:$0x3F9F];
	_ =	sdelay $0x3  }
0x36: {  	p1 =	seq.s32 s10, $0x1;
	s10 =	sld [smem:$0x3FA0];
	_ =	sdelay $0x3  }
0x37: {  	[smem:$0x3FA0] =	sst s10  }
0x38: {  	s10 =	sld [smem:$0x3FA1]  }
0x39: {  	_ = 	snop;
	(pc) =	sbr.ind lr, $3  }
0x3a: {  	_ = 	snop  }
0x3b: {  	_ = 	snop  }
0x3c: {  	p2 =	seq.s32 s10, $0x1;
	s10 =	sld [smem:$0x3FA0]  }
0x3d: {  	_ =	shalt  }
0x3e: {  	_ =	shalt  }
0x3f: {  	_ =	shalt  }
0x40: {  	_ =	shalt  }
0x41: {  	_ =	shalt  }
0x42: {  	_ =	shalt  }
0x43: {  	_ =	shalt  }
0x44: {  	_ =	shalt  }
0x45: {  	_ =	shalt  }
0x46: {  	_ =	shalt  }
0x47: {  	_ =	shalt  }
0x48: {  	_ =	shalt  }
0x49: {  	_ =	shalt  }
0x4a: {  	_ =	shalt  }
0x4b: {  	_ =	shalt  }
0x4c: {  	_ =	shalt  }
0x4d: {  	_ =	shalt  }
0x4e: {  	_ =	shalt  }
0x4f: {  	_ =	shalt  }
0x50: {  	_ =	shalt  }
0x51: {  	_ =	shalt  }
0x52: {  	_ =	shalt  }
0x53: {  	_ =	shalt  }
0x54: {  	_ =	shalt  }
0x55: {  	_ =	shalt  }
0x56: {  	_ =	shalt  }
0x57: {  	_ =	shalt  }
0x58: {  	_ =	shalt  }
0x59: {  	_ =	shalt  }
0x5a: {  	_ =	shalt  }
0x5b: {  	_ =	shalt  }
0x5c: {  	_ =	shalt  }
0x5d: {  	_ =	shalt  }
0x5e: {  	_ =	shalt  }
0x5f: {  	_ =	shalt  }
0x60: {  	_ =	shalt  }
0x61: {  	_ =	shalt  }
0x62: {  	_ =	shalt  }
0x63: {  	_ =	shalt  }
0x64: {  	_ =	shalt  }
0x65: {  	_ =	shalt  }
0x66: {  	_ =	shalt  }
0x67: {  	_ =	shalt  }
0x68: {  	_ =	shalt  }
0x69: {  	_ =	shalt  }
0x6a: {  	_ =	shalt  }
0x6b: {  	_ =	shalt  }
0x6c: {  	_ =	shalt  }
0x6d: {  	_ =	shalt  }
0x6e: {  	_ =	shalt  }
0x6f: {  	_ =	shalt  }
0x70: {  	_ =	shalt  }
0x71: {  	_ =	shalt  }
0x72: {  	_ =	shalt  }
0x73: {  	_ =	shalt  }
0x74: {  	_ =	shalt  }
0x75: {  	_ =	shalt  }
0x76: {  	_ =	shalt  }
0x77: {  	_ =	shalt  }
0x78: {  	_ =	shalt  }
0x79: {  	_ =	shalt  }
0x7a: {  	_ =	shalt  }
0x7b: {  	_ =	shalt  }
0x7c: {  	_ =	shalt  }
0x7d: {  	_ =	shalt  }
0x7e: {  	_ =	shalt  }
0x7f: {  	_ =	shalt  }
0x80: {  	_ =	shalt  }
0x81: {  	_ =	shalt  }
0x82: {  	_ =	shalt  }
0x83: {  	_ =	shalt  }
0x84: {  	_ =	shalt  }
0x85: {  	_ =	shalt  }
0x86: {  	_ =	shalt  }
0x87: {  	_ =	shalt  }
.Lfunc_end0:
.L_simem_size_0:
called_computation_lowered:
.L_overlay_start_0:
0x88: {  	s2 =	sld [smem:$0x3FD9]  }
0x89: {  	s3 =	sld [smem:$0x3FFE];
	_ =	sdelay $0x1  }
0x8a: {  	s1 =	srdreg.scid  }
0x8b: {  	s0 =	sand.u32 $0x1, s1  }
0x8c: {  	s16 =	sshll.u32 s0, $0xA;
	s2 =	sadd.s32 s3, s2  }
0x8d: {  	s2 =	sadd.s32 s2, s16  }
0x8e: {  	[smem:$0x3FAC] =	sst s2  }
0x8f: {  	_ = 	snop  }
0x90: {  	(tm) =	ssettm $0x1  }
0x91: {  	s17 =	sld [smem:$0x3FFB];
	_ =	sdelay $0x3  }
0x92: {  	_ =	strace s17  }
0x93: {  	s2 =	sld [smem:$0x3FFC];
	_ =	sdelay $0x3  }
0x94: {  	_ =	strace s2  }
0x95: {  	s2 =	sld [smem:$0x3FFD];
	_ =	sdelay $0x3  }
0x96: {  	_ =	strace s2  }
0x97: {  	_ =	strace $0x8FFFFFFF  }
0x98: {  	s18 =	sld [smem:$0x3FDB];
	_ =	sdelay $0x1  }
0x99: {  	s19 =	simm.s32 $_scs_section_size  }
0x9a: {  	s4 =	simm.s32 $_size__tile_overlayer_lowered;
	s5 =	simm.s32 $_tile_overlayer_lowered  }
0x9b: {  	s22 =	simm.s32 $0x1BFF;
	s21 =	sshll.u32 s5, $0x1;
	s2 =	sadd.s32 s19, s18  }
0x9c: {  	s6 =	simm.s32 $0x0;
	s20 =	sshll.u32 s4, $0x1;
	s4 =	sadd.s32 s21, s2  }
0x9d: {  	[timem:s6], [sflag:s22] =	dma.local [hbm:s4], s20  }
0x9e: {  	_ =	swait.ge [sflag:s22], s20  }
0x9f: {  	s3 =	ssub.s32 $0x0, s20;
	[sflag:s22] =	ssyncset.done $0x0  }
0xa0: {  	[sflag:s22] =	ssyncadd.s32 s3;
	_ =	sdelay $0x1  }
0xa1: {  	s23 =	simm.s32 $0x1B8B  }
0xa2: {  	_ =	swait.ge [sflag:s23], $0x1  }
0xa3: {  	[sflag:s23] =	ssyncset.done $0x0  }
0xa4: {  	s25 =	simm.s32 $0x1B8E;
	s24 =	sld [smem:$0x3FFE];
	[sflag:s23] =	ssyncadd.s32 $0xFFFFFFFF  }
0xa5: {  	s26 =	simm.s32 $execute0_lowered;
	[smem:$0x3FD2] =	sst s25  }
0xa6: {  	s4 =	sshll.u32 s26, $0x1;
	_ =	strace $0x80000046;
	[dreg:$0x1] =	wrdreg $0xFFFFFFFF  }
0xa7: {  	s28 =	simm.s32 $_size_execute0_lowered;
	s2 =	sadd.s32 s2, s4;
	[dreg:$0x0] =	wrdreg $0x0  }
0xa8: {  	s4 =	sshll.u32 s28, $0x1;
	[dreg:$0x2] =	wrdreg s2  }
0xa9: {  	[dreg:$0x3] =	wrdreg s4  }
0xaa: {  	[dreg:$0x4] =	wrdreg $0xC0  }
0xab: {  	_ =	task [dreg:s6], $0x5FFFF  }
0xac: {  	[dreg:$0x1] =	wrdreg $0xFFFFFFFF  }
0xad: {  	[dreg:$0x0] =	wrdreg $0x60  }
0xae: {  	[dreg:$0x2] =	wrdreg s24  }
0xaf: {  	[dreg:$0x3] =	wrdreg $0x3D000  }
0xb0: {  	[dreg:$0x4] =	wrdreg $0x9  }
0xb1: {  	_ =	task.clear_ibuf [dreg:s6], $0x5FFFF;
	_ =	strace $0x90000046  }
0xb2: {  	s29 =	simm.s32 $0x9;
	_ =	strace $0x80000048  }
0xb3: {  	_ =	swait.ge [sflag:s29], $0x1  }
0xb4: {  	[sflag:s29] =	ssyncadd.s32 $0xFFFFFFFF  }
0xb5: {  	_ =	strace $0x90000048  }
0xb6: {  	_ =	sfence  }
0xb7: {  	s30 =	sld [smem:$0x0];
	_ =	sdelay $0x2  }
0xb8: {  	s31 =	sshll.u32 s1, $0xD;
	s1 =	sshrl.u32 s1, $0x2  }
0xb9: {  	s3 =	sand.u32 $0x4000, s31;
	s1 =	sadd.s32 s1, s30  }
0xba: {  	s0 =	sor.u32 s3, s0;
	s1 =	sshll.u32 s1, $0x11  }
0xbb: {  	s0 =	sor.u32 s1, s0  }
0xbc: {  	s0 =	sadd.s32 $0x8F2B, s0  }
0xbd: {  	[sflag:s0] =	ssyncadd.remote.s32 $0x1  }
0xbe: {  	_ =	sfence.sel $0xFFFF  }
0xbf: {  	[dreg:$0x0] =	wrdreg $0xFFFFFFFF;
	(pc) =	sbr.abs _section_cstart, $3  }
0xc0: {  	[dreg:$0x1] =	wrdreg $0xFFFFFFFF  }
0xc1: {  	_ =	task.clear_ibuf [dreg:s6], $0x2FFFF;
	_ =	strace $0x9FFFFFFF  }
0xc2: {  	(tm) =	ssettm $0x7FFFFFFF  }
0xc3: {  	_ =	shalt  }
tec
execute0_lowered:
.L_overlay_start_1:
0x0: {  	(tag) =	ssettag $0x1  }
0x1: {  	s5 =	rddreg [dreg:$0x0]  }
0x2: {  	s0 =	srdreg.scid;
	s2 =	rddreg [dreg:$0x1]  }
0x3: {  	s1 =	rddreg [dreg:$0x2];
	s6 =	sand.u32 $0x1, s0  }
0x4: {  	s3 =	simm.s32 $0x0;
	s0 =	stileid.u32;
	s4 =	smul.u32 $0x2710, s6  }
0x5: {  	s12 =	simm.s32 $0x80;
	s13 =	simm.s32 $0x50;
	s7 =	smul.u32 $0x4E20, s0  }
0x6: {  	s14 =	simm.s32 $0x100;
	s15 =	simm.s32 $0x1;
	s9 =	smul.u32 $0x7D000, s0  }
0x7: {  	[smem:$0x7FF] =	sst s3;
	s29 =	ssub.s32 $0x2, s6;
	s6 =	smul.u32 $0x27100, s6  }
0x8: {  	s16 =	simm.s32 $0x0;
	_ =	strace $0x80000047;
	s30 =	smul.u32 $0x3E80, s0  }
0x9: {  	p0 =	sgt.u32 s0, $0x9;
	s10 =	sshrl.u32 s29, $0x1;
	s4 =	sadd.s32 s4, s7  }
.Ltmp0:
0xa: {  	s7 =	ssub.s32 s29, s10;
	s9 =	sshrl.u32 s9, $0x2;
	(pc) =	sbr.rel .LBB2_1-.Ltmp0, $4  }
0xb: {  	s11 =	sadd.s32 s6, s5;
	s10 =	simm.s32 $0x2900;
	s4 =	sshrl.u32 s4, $0x3  }
0xc: {  	s6 =	sadd.s32 s9, s2;
	s31 =	sadd.s32 s30, s11;
	s11 =	simm.s32 $0x2  }
0xd: {  	s8 =	sadd.s32 s4, s5;
	s4 =	sadd.s32 $0x19400, s5;
	s5 =	smax.u32 s7, $0x1  }
0xe: {  	v0 =	vimm.f32 $0.0e+00;
	s9 =	sadd.s32 $0x40600, s31;
	s7 =	sadd.s32 $0x5800, s8;
	s8 =	sadd.s32 $0xF600, s8  }
.LBB2_12:
0xf: {  	[sflag:s11] =	ssyncadd.s32 $0xFFFFEC00  }
.LBB2_13:
0x10: {  	s16 =	sadd.s32 $0x1, s16  }
0x11: {  	p1 =	sne.s32 s16, s5  }
.Ltmp1:
0x12: {  	_ = 	snop;
	(pc) =	sbr.rel @!p1 .LBB2_14-.Ltmp1, $1  }
0x13: {  	_ =	sdelay $0x3  }
.LBB2_1:
0x14: {  	s17 =	simm.s32 $0x0;
	s18 =	simm.s32 $0x200  }
.LBB2_2:
0x15: {  	p1 =	sne.s32 s18, $0x4E00;
	[tilespmem:s17+$0x2970] =	vst v0  }
0x16: {  	[tilespmem:s17+$0x2900] =	vst v0  }
0x17: {  	[tilespmem:s17+$0x2910] =	vst v0  }
.Ltmp2:
0x18: {  	[tilespmem:s17+$0x2920] =	vst v0;
	(pc) =	sbr.rel @p1 .LBB2_2-.Ltmp2, $4  }
0x19: {  	[tilespmem:s17+$0x2930] =	vst v0  }
0x1a: {  	[tilespmem:s17+$0x2940] =	vst v0  }
0x1b: {  	[tilespmem:s17+$0x2950] =	vst v0  }
0x1c: {  	[tilespmem:s17+$0x2960] =	vst v0;
	s17 =	sshra.s32 s18, $0x2;
	s18 =	sadd.s32 $0x200, s18  }
0x1d: {  	[tilespmem:s17+$0x2970] =	vst v0  }
0x1e: {  	[tilespmem:s17+$0x2900] =	vst v0  }
0x1f: {  	[tilespmem:s17+$0x2910] =	vst v0  }
.Ltmp3:
0x20: {  	[tilespmem:s17+$0x2920] =	vst v0;
	(pc) =	sbr.rel @p0 .LBB2_7-.Ltmp3, $4  }
0x21: {  	[tilespmem:s17+$0x2930] =	vst v0  }
0x22: {  	[tilespmem:s17+$0x2940] =	vst v0  }
0x23: {  	[tilespmem:s17+$0x2950] =	vst v0  }
0x24: {  	[tilespmem:s17+$0x2960] =	vst v0  }
0x25: {  	s17 =	sadd.s32 $0x0, s6  }
0x26: {  	[spmem:s17] =	stream.linear.scatter [tilespmem:s10], [sflag:$0x2], $0x1400, $0x38;
	[tilespmem:$0x17580] =	vst v63  }
0x27: {  	s17 =	simm.s32 $0x5000;
	_ =	swait.ge [sflag:s11], $0x1400  }
.LBB2_5:
0x28: {  	s18 =	sshra.s32 s17, $0x2;
	[sflag:s11] =	ssyncset.done $0x0;
	p1 =	sne.s32 s17, $0x78000  }
.Ltmp4:
0x29: {  	s18 =	sadd.s32 s18, s6;
	[sflag:s11] =	ssyncadd.s32 $0xFFFFEC00;
	(pc) =	sbr.rel @p1 .LBB2_5-.Ltmp4, $3  }
0x2a: {  	[spmem:s18] =	stream.linear.scatter [tilespmem:s10], [sflag:$0x2], $0x1400, $0x38;
	[tilespmem:$0x17580] =	vst v63  }
0x2b: {  	s17 =	sadd.s32 $0x5000, s17;
	_ =	sdelay $0x1  }
0x2c: {  	_ =	swait.ge [sflag:s11], $0x1400  }
0x2d: {  	[sflag:s11] =	ssyncset.done $0x0  }
0x2e: {  	[sflag:s11] =	ssyncadd.s32 $0xFFFFEC00  }
.LBB2_7:
0x2f: {  	[bflag:$0x0] =	sbarrier.arrive $0xFFFF;
	s17 =	sadd.s32 $0x0, s8  }
0x30: {  	[tilespmem:s3], [sflag:$0x2] =	stream.linear.gather [hbm4b:s17+s3], $0x50, $0x38;
	[tilespmem:$0x17580] =	vst v63  }
0x31: {  	_ =	swait.ge [sflag:s11], $0x50  }
0x32: {  	[sflag:s11] =	ssyncset.done $0x0  }
0x33: {  	s31 =	sadd.s32 $0x0, s7;
	[sflag:s11] =	ssyncadd.s32 $0xFFFFFFB0  }
0x34: {  	[tilespmem:s12], [sflag:$0x2] =	stream.linear.gather [hbm4b:s31+s3], $0x50, $0x38;
	[tilespmem:$0x17580] =	vst v63  }
0x35: {  	_ =	swait.ge [sflag:s11], $0x50  }
0x36: {  	[sflag:s11] =	ssyncset.done $0x0  }
0x37: {  	[sflag:s11] =	ssyncadd.s32 $0xFFFFFFB0  }
0x38: {  	[tilespmem:s14], [sflag:$0x1] =	stream.indirect.gather [hbm4b:s4+s13], $0x80, s12, s13, $0xb8;
	[tilespmem:$0x17580] =	vst v63  }
0x39: {  	_ =	swait.ge [sflag:s15], $0x2800  }
0x3a: {  	[sflag:s15] =	ssyncset.done $0x0  }
0x3b: {  	[sflag:s15] =	ssyncadd.s32 $0xFFFFD800  }
0x3c: {  	[spmem:s2] =	stream.indirect.scatter.add.f32 [tilespmem:s14], [sflag:$0x2], $0x80, s3, s13, $0xb8;
	[tilespmem:$0x17580] =	vst v63  }
0x3d: {  	_ =	swait.ge [sflag:s11], $0x2800  }
0x3e: {  	s18 =	simm.s32 $0x14;
	s17 =	simm.s32 $0xA;
	[sflag:s11] =	ssyncset.done $0x0  }
.LBB2_8:
0x3f: {  	s19 =	sadd.s32 s17, s8  }
0x40: {  	[sflag:s11] =	ssyncadd.s32 $0xFFFFD800;
	s20 =	smov.u32 s18;
	s21 =	sadd.s32 $0xA, s18  }
0x41: {  	[tilespmem:s3], [sflag:$0x2] =	stream.linear.gather [hbm4b:s19+s3], $0x50, $0x38;
	[tilespmem:$0x17580] =	vst v63  }
0x42: {  	p1 =	sne.s32 s18, $0x4D8;
	_ =	swait.ge [sflag:s11], $0x50  }
0x43: {  	[sflag:s11] =	ssyncset.done $0x0  }
0x44: {  	s18 =	sadd.s32 s17, s7;
	s17 =	smov.u32 s20;
	[sflag:s11] =	ssyncadd.s32 $0xFFFFFFB0  }
0x45: {  	[tilespmem:s12], [sflag:$0x2] =	stream.linear.gather [hbm4b:s18+s3], $0x50, $0x38;
	[tilespmem:$0x17580] =	vst v63  }
0x46: {  	_ =	swait.ge [sflag:s11], $0x50  }
0x47: {  	[sflag:s11] =	ssyncset.done $0x0  }
0x48: {  	[sflag:s11] =	ssyncadd.s32 $0xFFFFFFB0  }
0x49: {  	[tilespmem:s14], [sflag:$0x1] =	stream.indirect.gather [hbm4b:s4+s13], $0x80, s12, s13, $0xb8;
	[tilespmem:$0x17580] =	vst v63  }
0x4a: {  	_ =	swait.ge [sflag:s15], $0x2800  }
.Ltmp5:
0x4b: {  	[sflag:s15] =	ssyncset.done $0x0;
	(pc) =	sbr.rel @p1 .LBB2_8-.Ltmp5, $4  }
0x4c: {  	[sflag:s15] =	ssyncadd.s32 $0xFFFFD800  }
0x4d: {  	[spmem:s2] =	stream.indirect.scatter.add.f32 [tilespmem:s14], [sflag:$0x2], $0x80, s3, s13, $0xb8;
	[tilespmem:$0x17580] =	vst v63  }
0x4e: {  	_ =	swait.ge [sflag:s11], $0x2800  }
0x4f: {  	s18 =	smov.u32 s21;
	[sflag:s11] =	ssyncset.done $0x0  }
0x50: {  	s18 =	sadd.s32 s17, s8;
	[sflag:s11] =	ssyncadd.s32 $0xFFFFD800  }
0x51: {  	[tilespmem:s3], [sflag:$0x2] =	stream.linear.gather [hbm4b:s18+s3], $0x50, $0x38;
	[tilespmem:$0x17580] =	vst v63  }
0x52: {  	_ =	swait.ge [sflag:s11], $0x50  }
0x53: {  	[sflag:s11] =	ssyncset.done $0x0  }
0x54: {  	s31 =	sadd.s32 s17, s7;
	[sflag:s11] =	ssyncadd.s32 $0xFFFFFFB0  }
0x55: {  	[tilespmem:s12], [sflag:$0x2] =	stream.linear.gather [hbm4b:s31+s3], $0x50, $0x38;
	[tilespmem:$0x17580] =	vst v63  }
0x56: {  	_ =	swait.ge [sflag:s11], $0x50  }
0x57: {  	[sflag:s11] =	ssyncset.done $0x0  }
0x58: {  	[sflag:s11] =	ssyncadd.s32 $0xFFFFFFB0  }
0x59: {  	[tilespmem:s14], [sflag:$0x1] =	stream.indirect.gather [hbm4b:s4+s13], $0x80, s12, s13, $0xb8;
	[tilespmem:$0x17580] =	vst v63  }
0x5a: {  	_ =	swait.ge [sflag:s15], $0x2800  }
0x5b: {  	[sflag:s15] =	ssyncset.done $0x0  }
0x5c: {  	[sflag:s15] =	ssyncadd.s32 $0xFFFFD800  }
0x5d: {  	[spmem:s2] =	stream.indirect.scatter.add.f32 [tilespmem:s14], [sflag:$0x2], $0x80, s3, s13, $0xb8;
	[tilespmem:$0x17580] =	vst v63  }
.Ltmp6:
0x5e: {  	_ =	swait.ge [sflag:s11], $0x2800;
	(pc) =	sbr.rel @p0 .LBB2_13-.Ltmp6, $3  }
0x5f: {  	[sflag:s11] =	ssyncset.done $0x0  }
0x60: {  	[sflag:s11] =	ssyncadd.s32 $0xFFFFD800  }
0x61: {  	[bflag:$0x0] =	sbarrier.arrive $0xFFFF;
	_ =	sdelay $0x1  }
0x62: {  	[tilespmem:s10], [sflag:$0x2] =	stream.linear.gather [spmem:s6], $0x1400, $0x38;
	[tilespmem:$0x17580] =	vst v63  }
0x63: {  	_ =	swait.ge [sflag:s11], $0x1400  }
0x64: {  	[sflag:s11] =	ssyncset.done $0x0  }
0x65: {  	s17 =	sadd.s32 $0x0, s9;
	[sflag:s11] =	ssyncadd.s32 $0xFFFFEC00  }
0x66: {  	[hbm4b:s17+s3] =	stream.linear.scatter [tilespmem:s10], [sflag:$0x2], $0x1400, $0x38;
	[tilespmem:$0x17580] =	vst v63  }
0x67: {  	_ =	swait.ge [sflag:s11], $0x1400  }
0x68: {  	s18 =	smov.u32 s6;
	s17 =	simm.s32 $0x280;
	[sflag:s11] =	ssyncset.done $0x0  }
.LBB2_11:
0x69: {  	p1 =	sne.s32 s17, $0x3C00;
	[sflag:s11] =	ssyncadd.s32 $0xFFFFEC00;
	s18 =	sadd.s32 $0x1400, s18  }
0x6a: {  	[tilespmem:s10], [sflag:$0x2] =	stream.linear.gather [spmem:s18], $0x1400, $0x38;
	[tilespmem:$0x17580] =	vst v63  }
0x6b: {  	s19 =	smov.u32 s17;
	s17 =	sadd.s32 $0x280, s17;
	_ =	swait.ge [sflag:s11], $0x1400  }
.Ltmp7:
0x6c: {  	[sflag:s11] =	ssyncset.done $0x0;
	(pc) =	sbr.rel @p1 .LBB2_11-.Ltmp7, $4  }
0x6d: {  	s19 =	sadd.s32 s19, s9;
	[sflag:s11] =	ssyncadd.s32 $0xFFFFEC00  }
0x6e: {  	[hbm4b:s19+s3] =	stream.linear.scatter [tilespmem:s10], [sflag:$0x2], $0x1400, $0x38;
	[tilespmem:$0x17580] =	vst v63  }
0x6f: {  	_ =	swait.ge [sflag:s11], $0x1400  }
0x70: {  	[sflag:s11] =	ssyncset.done $0x0  }
.Ltmp8:
0x71: {  	_ = 	snop;
	(pc) =	sbr.rel .LBB2_12-.Ltmp8, $1  }
0x72: {  	_ =	sdelay $0x3  }
.LBB2_14:
0x73: {  	_ =	sfence.sel $0x180000  }
0x74: {  	[bflag:$0x0] =	sbarrier.arrive $0xFFFF  }
0x75: {  	p0 =	sne.s32 s0, $0x0;
	_ =	strace $0x90000047  }
0x76: {  	s0 =	sadd.s32 @!p0 $0x100000, s1;
	[bflag:$0x2] =	sbarrier.arrive $0xFFFF  }
0x77: {  	[sflag:s0] =	ssyncadd.tile.s32 @!p0 $0x1;
	_ =	shalt  }
.Lfunc_end2:
_tile_overlayer_lowered:
.L_overlay_start_2:
0x78: {  	(tag) =	ssettag $0x2  }
0x79: {  	s0 =	rddreg [dreg:$0x0];
	s2 =	stileid.u32  }
0x7a: {  	s1 =	rddreg [dreg:$0x1];
	p0 =	sne.s32 s2, $0x0  }
0x7b: {  	s3 =	rddreg [dreg:$0x2];
	[bflag:$0x3] =	sbarrier.arrive $0xFFFF;
	s2 =	simm.s32 @!p0 $0x1C02  }
0x7c: {  	[timem:s3], [sflag:s2] =	dma.local @!p0 [hbm:s0], s1  }
0x7d: {  	s0 =	simm.s32 @!p0 $0x2  }
0x7e: {  	_ =	swait.ge @!p0 [sflag:s0], s1  }
0x7f: {  	s1 =	ssub.s32 @!p0 $0x0, s1;
	[sflag:s0] =	ssyncset.done @!p0 $0x0  }
0x80: {  	[sflag:s0] =	ssyncadd.s32 @!p0 s1  }
0x81: {  	[bflag:$0x3] =	sbarrier.arrive $0xFFFF  }
0x82: {  	_ =	shalt  }

</sc_bundles>
